<compile_context>
chip_gen: v7x
topology: tpu7x:2x2x1
jax: 0.10.2.dev20260603
libtpu: 0.0.44.dev20260713+nightly
codegen_flags: <defaults>
</compile_context>

<pallas_src>
import functools

import jax
import jax.numpy as jnp
from jax import lax
from jax.experimental import pallas as pl
from jax.experimental.pallas import tpu as pltpu
from jax.experimental.pallas import tpu_sc as plsc

N = 10000
E = 320000
D = 128
NP = 10240
NC = 2
NS = 16
NW = NC * NS
CHUNK = 128
CPW = 79
NCH = NW * CPW
EPAD = NCH * CHUNK
RPT = NP // NS
DG = 128
IDXB = 40

DEGQ = 8


def _deg_body(dstc_hbm, const_hbm, out_hbm, dstb_v, ones_v, buf_v, deg_sh,
              semq, sem0, sem1):
    c = lax.axis_index("c")
    s = lax.axis_index("s")
    wid = s * NC + c
    base = s * RPT

    pltpu.sync_copy(dstc_hbm.at[wid], dstb_v)
    pltpu.sync_copy(const_hbm.at[0], ones_v)
    pltpu.sync_copy(const_hbm.at[1], buf_v)

    def zero_body(k, carry):
        pltpu.sync_copy(buf_v, deg_sh.at[pl.ds(base + k * CHUNK, CHUNK)])
        return carry

    lax.fori_loop(0, RPT // CHUNK, zero_body, 0)
    plsc.subcore_barrier()

    def sc_start(j):
        pltpu.async_copy(ones_v, deg_sh.at[dstb_v.at[j]], semq, add=True)

    def sc_wait(j):
        pltpu.make_async_copy(ones_v, deg_sh.at[dstb_v.at[j]], semq).wait()

    for j in range(DEGQ):
        sc_start(j)

    def edge_body(j, carry):
        sc_wait(j)
        sc_start(j + DEGQ)
        return carry

    lax.fori_loop(0, CPW - DEGQ, edge_body, 0)

    def drain_body(j, carry):
        sc_wait(j)
        return carry

    lax.fori_loop(CPW - DEGQ, CPW, drain_body, 0)
    plsc.subcore_barrier()

    ibuf = [buf_v, ones_v]
    isem = [sem0, sem1]
    nrb = RPT // CHUNK
    pltpu.async_copy(deg_sh.at[pl.ds(base, CHUNK)], buf_v, sem0)
    for k in range(nrb):
        r = base + k * CHUNK
        b = k % 2
        pltpu.make_async_copy(deg_sh.at[pl.ds(r, CHUNK)], ibuf[b], isem[b]).wait()
        if k + 1 < nrb:
            pltpu.async_copy(deg_sh.at[pl.ds(r + CHUNK, CHUNK)],
                             ibuf[1 - b], isem[1 - b])
        pltpu.sync_copy(ibuf[b], out_hbm.at[c, pl.ds(r, CHUNK)])


def _msg_body(y_hbm, srcc_hbm, dstc_hbm, out_hbm,
              srcb_v, dstb_v, rows0_v, rows1_v, acc_sh, sem0, sem1):
    c = lax.axis_index("c")
    s = lax.axis_index("s")
    wid = s * NC + c
    base = s * RPT

    ibuf = [rows0_v, rows1_v]
    isem = [sem0, sem1]
    nin = RPT // CHUNK
    pltpu.async_copy(y_hbm.at[pl.ds(base, CHUNK)], rows0_v, sem0)
    for k in range(nin):
        r = base + k * CHUNK
        b = k % 2
        pltpu.make_async_copy(y_hbm.at[pl.ds(r, CHUNK)], ibuf[b], isem[b]).wait()
        if k + 1 < nin:
            pltpu.async_copy(y_hbm.at[pl.ds(r + CHUNK, CHUNK)],
                             ibuf[1 - b], isem[1 - b])
        pltpu.sync_copy(ibuf[b], acc_sh.at[pl.ds(r, CHUNK)])
    plsc.subcore_barrier()

    def gather_start(j, rows_v, sem):
        pltpu.async_copy(y_hbm.at[srcb_v.at[j]], rows_v, sem)

    def gather_wait_scatter(j, rows_v, sem):
        pltpu.make_async_copy(y_hbm.at[srcb_v.at[j]], rows_v, sem).wait()
        pltpu.sync_copy(rows_v, acc_sh.at[dstb_v.at[j]], add=True)

    def run_pass(hbm_off, n):
        pltpu.sync_copy(srcc_hbm.at[wid, pl.ds(hbm_off, n)], srcb_v.at[pl.ds(0, n)])
        pltpu.sync_copy(dstc_hbm.at[wid, pl.ds(hbm_off, n)], dstb_v.at[pl.ds(0, n)])
        gather_start(0, rows0_v, sem0)

        def edge_body(k, carry):
            j = 2 * k
            gather_start(j + 1, rows1_v, sem1)
            gather_wait_scatter(j, rows0_v, sem0)
            gather_start(j + 2, rows0_v, sem0)
            gather_wait_scatter(j + 1, rows1_v, sem1)
            return carry

        m = (n - 1) // 2
        lax.fori_loop(0, m, edge_body, 0)
        if n % 2:
            gather_wait_scatter(n - 1, rows0_v, sem0)
        else:
            gather_start(n - 1, rows1_v, sem1)
            gather_wait_scatter(n - 2, rows0_v, sem0)
            gather_wait_scatter(n - 1, rows1_v, sem1)

    off = 0
    left = CPW
    while left > 0:
        nn = min(IDXB, left)
        run_pass(off, nn)
        off += nn
        left -= nn

    plsc.subcore_barrier()

    pltpu.async_copy(acc_sh.at[pl.ds(base, CHUNK)], rows0_v, sem0)
    for k in range(RPT // CHUNK):
        r = base + k * CHUNK
        b = k % 2
        pltpu.make_async_copy(acc_sh.at[pl.ds(r, CHUNK)], ibuf[b], isem[b]).wait()
        if k + 1 < RPT // CHUNK:
            pltpu.async_copy(acc_sh.at[pl.ds(r + CHUNK, CHUNK)],
                             ibuf[1 - b], isem[1 - b])
        pltpu.sync_copy(ibuf[b], out_hbm.at[c, pl.ds(r, CHUNK)])


def _tcmm_body(x_ref, w1_ref, xw_ref):
    xw_ref[...] = jnp.dot(x_ref[...], w1_ref[...],
                          preferred_element_type=jnp.float32)


_tcmm = pl.pallas_call(
    _tcmm_body,
    out_shape=jax.ShapeDtypeStruct((N, D), jnp.float32),
)


def _tc1_body(xw_ref, degp_ref, y_ref, dinv_ref):
    deg = degp_ref[0, 0:N, 0:1] + degp_ref[1, 0:N, 0:1] + 1.0
    dinv = lax.rsqrt(deg)
    y_ref[0:N, :] = xw_ref[...] * dinv
    y_ref[N:NP, :] = jnp.zeros((NP - N, D), jnp.float32)
    dinv_ref[...] = dinv


_tc1 = pl.pallas_call(
    _tc1_body,
    out_shape=(
        jax.ShapeDtypeStruct((NP, D), jnp.float32),
        jax.ShapeDtypeStruct((N, 1), jnp.float32),
    ),
)


def _tc2_body(accp_ref, y_ref, dinv_ref, b_ref, w2_ref, y2_ref):
    dinv = dinv_ref[...]
    t = accp_ref[0, 0:N, :] + accp_ref[1, 0:N, :] - y_ref[0:N, :]
    t = t * dinv + b_ref[...]
    h = jnp.where(t > 0, t, jnp.exp(t) - 1.0)
    y2 = jnp.dot(h, w2_ref[...], preferred_element_type=jnp.float32) * dinv
    y2_ref[0:N, :] = y2
    y2_ref[N:NP, :] = jnp.zeros((NP - N, D), jnp.float32)


_tc2 = pl.pallas_call(
    _tc2_body,
    out_shape=jax.ShapeDtypeStruct((NP, D), jnp.float32),
)


def _tc3_body(accp_ref, y2_ref, dinv_ref, b_ref, wl_ref, bl_ref, o_ref):
    dinv = dinv_ref[...]
    t = accp_ref[0, 0:N, :] + accp_ref[1, 0:N, :] - y2_ref[0:N, :]
    t = t * dinv + b_ref[...]
    h = jnp.where(t > 0, t, jnp.exp(t) - 1.0)
    o_ref[...] = jnp.dot(h, wl_ref[...], preferred_element_type=jnp.float32) + bl_ref[...]


_tc3 = pl.pallas_call(
    _tc3_body,
    out_shape=jax.ShapeDtypeStruct((N, 1), jnp.float32),
)


@functools.lru_cache(maxsize=1)
def _sc_kernels():
    mesh = plsc.VectorSubcoreMesh(
        core_axis_name="c", subcore_axis_name="s", num_cores=NC)
    deg_k = pl.kernel(
        _deg_body,
        mesh=mesh,
        out_type=jax.ShapeDtypeStruct((NC, NP, DG), jnp.float32),
        scratch_types=[
            pltpu.VMEM((CPW, CHUNK), jnp.int32),
            pltpu.VMEM((CHUNK, DG), jnp.float32),
            pltpu.VMEM((CHUNK, DG), jnp.float32),
            pltpu.VMEM_SHARED((NP, DG), jnp.float32),
            pltpu.SemaphoreType.DMA,
            pltpu.SemaphoreType.DMA,
            pltpu.SemaphoreType.DMA,
        ],
    )
    msg_k = pl.kernel(
        _msg_body,
        mesh=mesh,
        out_type=jax.ShapeDtypeStruct((NC, NP, D), jnp.float32),
        scratch_types=[
            pltpu.VMEM((IDXB, CHUNK), jnp.int32),
            pltpu.VMEM((IDXB, CHUNK), jnp.int32),
            pltpu.VMEM((CHUNK, D), jnp.float32),
            pltpu.VMEM((CHUNK, D), jnp.float32),
            pltpu.VMEM_SHARED((NP, D), jnp.float32),
            pltpu.SemaphoreType.DMA,
            pltpu.SemaphoreType.DMA,
        ],
    )
    return deg_k, msg_k


def kernel(x, edge_index, W1, b1, W2, b2, Wl, bl):
    _deg_kernel, _msg_kernel = _sc_kernels()
    src = edge_index[0]
    dst = edge_index[1]
    pad = jnp.full((EPAD - E,), N, jnp.int32)
    srcc = jnp.concatenate([src, pad]).reshape(NW, CPW, CHUNK)
    dstc = jnp.concatenate([dst, pad]).reshape(NW, CPW, CHUNK)

    const = jnp.stack([jnp.ones((CHUNK, DG), jnp.float32),
                       jnp.zeros((CHUNK, DG), jnp.float32)])
    xw = _tcmm(x, W1)
    degp = _deg_kernel(dstc, const)
    y1, dinv = _tc1(xw, degp)
    accp1 = _msg_kernel(y1, srcc, dstc)
    y2 = _tc2(accp1, y1, dinv, b1.reshape(1, D), W2)
    accp2 = _msg_kernel(y2, srcc, dstc)
    out = _tc3(accp2, y2, dinv, b2.reshape(1, D), Wl, bl.reshape(1, 1))
    return out

# --- scband reference (transcript-rebuilt; emitter-appended) ---
"""Pipeline reference for scband-regress-node-128849019550 (READ-ONLY COPY).

The authoritative reference and input builder live on the scoring server;
editing this copy changes nothing except your own understanding.
"""

import jax, jax.numpy as jnp
import numpy as np

N = 10000
E = 320000
D = 128
H = 128


def setup_inputs(seed: int = 0) -> dict:
    key = jax.random.key(seed)
    ks = jax.random.split(key, 8)
    x = jax.random.normal(ks[0], (N, D), dtype=jnp.float32)
    edge_index = jax.random.randint(ks[1], (2, E), 0, N, dtype=jnp.int32)
    # GCNConv layer 1: in=D, out=H (glorot weight, zero bias like PyG)
    W1 = jax.random.normal(ks[2], (D, H), dtype=jnp.float32) * np.sqrt(2.0 / (D + H))
    b1 = jnp.zeros((H,), dtype=jnp.float32)
    # GCNConv layer 2: in=H, out=H
    W2 = jax.random.normal(ks[3], (H, H), dtype=jnp.float32) * np.sqrt(2.0 / (H + H))
    b2 = jnp.zeros((H,), dtype=jnp.float32)
    # final Linear(hidden, 1)
    Wl = jax.random.normal(ks[4], (H, 1), dtype=jnp.float32) * (1.0 / np.sqrt(H))
    bl = jnp.zeros((1,), dtype=jnp.float32)
    return {"x": x, "edge_index": edge_index, "W1": W1, "b1": b1, "W2": W2, "b2": b2, "Wl": Wl, "bl": bl}


def _gcn_conv(x, edge_index, W, b):
    # GCNConv: add self loops, symmetric normalization, x @ W, scatter-add, + bias
    n = x.shape[0]
    xw = x @ W
    src = edge_index[0]
    dst = edge_index[1]
    loop = jnp.arange(n, dtype=src.dtype)
    src = jnp.concatenate([src, loop])
    dst = jnp.concatenate([dst, loop])
    deg = jnp.zeros((n,), dtype=x.dtype).at[dst].add(jnp.ones_like(dst, dtype=x.dtype))
    dinv = jnp.where(deg > 0, 1.0 / jnp.sqrt(deg), 0.0)
    norm = dinv[src] * dinv[dst]
    msg = xw[src] * norm[:, None]
    out = jnp.zeros((n, W.shape[1]), dtype=x.dtype).at[dst].add(msg)
    return out + b


def reference(x, edge_index, W1, b1, W2, b2, Wl, bl):
    h = _gcn_conv(x, edge_index, W1, b1)
    h = jax.nn.elu(h)
    # dropout is identity in eval mode (training=False)
    h = _gcn_conv(h, edge_index, W2, b2)
    h = jax.nn.elu(h)
    out = h @ Wl + bl
    return out

if __name__ == "__main__":
    import jax
    _d = setup_inputs()
    print(jax.jit(kernel)(*tuple(_d.values())))

</pallas_src>

<mosaic_0001>
#map = affine_map<(d0, d1) -> (0, 0, 0)>
module attributes {stable_mosaic.version = 14 : i64} {
  func.func @_deg_body(%arg0: i32, %arg1: i32, %arg2: memref<32x79x128xi32, #tpu.memory_space<hbm>>, %arg3: memref<2x128x128xf32, #tpu.memory_space<hbm>>, %arg4: memref<2x10240x128xf32, #tpu.memory_space<hbm>>, %arg5: memref<79x128xi32, #tpu.memory_space<vmem>>, %arg6: memref<128x128xf32, #tpu.memory_space<vmem>>, %arg7: memref<128x128xf32, #tpu.memory_space<vmem>>, %arg8: memref<10240x128xf32, #tpu.memory_space<vmem_shared>>, %arg9: memref<!tpu.dma_semaphore, #tpu.memory_space<semaphore_mem>>, %arg10: memref<!tpu.dma_semaphore, #tpu.memory_space<semaphore_mem>>, %arg11: memref<!tpu.dma_semaphore, #tpu.memory_space<semaphore_mem>>) attributes {dimension_semantics = [#tpu.dimension_semantics<core_parallel>, #tpu.dimension_semantics<subcore_parallel>], iteration_bounds = array<i64: 2, 16>, scalar_prefetch = 0 : i64, scratch_operands = 7 : i64, tpu.core_type = #tpu.core_type<sc_vector_subcore>, window_params = [{transform_indices = #map}, {transform_indices = #map}, {transform_indices = #map}]} {
    %mul3A = arith.constant 2 : i32
    %mul3A_0 = arith.muli %arg1, %mul3A : i32
    %add3A = arith.addi %mul3A_0, %arg0 : i32
    %mul3A_1 = arith.constant 640 : i32
    %mul3A_2 = arith.muli %arg1, %mul3A_1 : i32
    "tpu.region"() ({
      %run_scoped3A_134 = tpu.sem_alloc : memref<!tpu.dma_semaphore, #tpu.memory_space<semaphore_mem>>
      %dma_start3A_135 = arith.constant 0 : i32
      %dma_start3A_136 = arith.constant 0 : i32
      %dma_start3A_137 = tpu.memref_slice %arg2[%add3A, %dma_start3A_135, %dma_start3A_136] : memref<32x79x128xi32, #tpu.memory_space<hbm>> -> memref<1x79x128xi32, #tpu.memory_space<hbm>>
      %dma_start3A_138 = tpu.memref_squeeze %dma_start3A_137 : memref<1x79x128xi32, #tpu.memory_space<hbm>> -> memref<79x128xi32, #tpu.memory_space<hbm>>
      %dma_start3A_139 = arith.constant 0 : i32
      %dma_start3A_140 = arith.constant 0 : i32
      %dma_start3A_141 = tpu.memref_slice %arg2[%add3A, %dma_start3A_139, %dma_start3A_140] : memref<32x79x128xi32, #tpu.memory_space<hbm>> -> memref<1x79x128xi32, #tpu.memory_space<hbm>>
      %dma_start3A_142 = tpu.memref_squeeze %dma_start3A_141 : memref<1x79x128xi32, #tpu.memory_space<hbm>> -> memref<79x128xi32, #tpu.memory_space<hbm>>
      tpu.enqueue_dma source(%dma_start3A_142 : memref<79x128xi32, #tpu.memory_space<hbm>>) target(%arg5 : memref<79x128xi32, #tpu.memory_space<vmem>>) target_semaphore(%run_scoped3A_134 : memref<!tpu.dma_semaphore, #tpu.memory_space<semaphore_mem>>)
      %dma_wait3A_143 = arith.constant 0 : i32
      %dma_wait3A_144 = arith.constant 0 : i32
      %dma_wait3A_145 = tpu.memref_slice %arg2[%add3A, %dma_wait3A_143, %dma_wait3A_144] : memref<32x79x128xi32, #tpu.memory_space<hbm>> -> memref<1x79x128xi32, #tpu.memory_space<hbm>>
      %dma_wait3A_146 = tpu.memref_squeeze %dma_wait3A_145 : memref<1x79x128xi32, #tpu.memory_space<hbm>> -> memref<79x128xi32, #tpu.memory_space<hbm>>
      %dma_wait3A_147 = arith.constant 0 : i32
      %dma_wait3A_148 = arith.constant 0 : i32
      %dma_wait3A_149 = tpu.memref_slice %arg2[%add3A, %dma_wait3A_147, %dma_wait3A_148] : memref<32x79x128xi32, #tpu.memory_space<hbm>> -> memref<1x79x128xi32, #tpu.memory_space<hbm>>
      %dma_wait3A_150 = tpu.memref_squeeze %dma_wait3A_149 : memref<1x79x128xi32, #tpu.memory_space<hbm>> -> memref<79x128xi32, #tpu.memory_space<hbm>>
      tpu.wait_dma2 semaphore(%run_scoped3A_134 : memref<!tpu.dma_semaphore, #tpu.memory_space<semaphore_mem>>) src(%dma_wait3A_150 : memref<79x128xi32, #tpu.memory_space<hbm>>) dst(%arg5 : memref<79x128xi32, #tpu.memory_space<vmem>>)
      tpu.yield
    }) : () -> ()
    %run_scoped3A = arith.constant 0 : i32
    "tpu.region"() ({
      %run_scoped3A_134 = tpu.sem_alloc : memref<!tpu.dma_semaphore, #tpu.memory_space<semaphore_mem>>
      %dma_start3A_135 = arith.constant 0 : i32
      %dma_start3A_136 = arith.constant 0 : i32
      %dma_start3A_137 = tpu.memref_slice %arg3[%run_scoped3A, %dma_start3A_135, %dma_start3A_136] : memref<2x128x128xf32, #tpu.memory_space<hbm>> -> memref<1x128x128xf32, #tpu.memory_space<hbm>>
      %dma_start3A_138 = tpu.memref_squeeze %dma_start3A_137 : memref<1x128x128xf32, #tpu.memory_space<hbm>> -> memref<128x128xf32, #tpu.memory_space<hbm>>
      %dma_start3A_139 = arith.constant 0 : i32
      %dma_start3A_140 = arith.constant 0 : i32
      %dma_start3A_141 = tpu.memref_slice %arg3[%run_scoped3A, %dma_start3A_139, %dma_start3A_140] : memref<2x128x128xf32, #tpu.memory_space<hbm>> -> memref<1x128x128xf32, #tpu.memory_space<hbm>>
      %dma_start3A_142 = tpu.memref_squeeze %dma_start3A_141 : memref<1x128x128xf32, #tpu.memory_space<hbm>> -> memref<128x128xf32, #tpu.memory_space<hbm>>
      tpu.enqueue_dma source(%dma_start3A_142 : memref<128x128xf32, #tpu.memory_space<hbm>>) target(%arg6 : memref<128x128xf32, #tpu.memory_space<vmem>>) target_semaphore(%run_scoped3A_134 : memref<!tpu.dma_semaphore, #tpu.memory_space<semaphore_mem>>)
      %dma_wait3A_143 = arith.constant 0 : i32
      %dma_wait3A_144 = arith.constant 0 : i32
      %dma_wait3A_145 = tpu.memref_slice %arg3[%run_scoped3A, %dma_wait3A_143, %dma_wait3A_144] : memref<2x128x128xf32, #tpu.memory_space<hbm>> -> memref<1x128x128xf32, #tpu.memory_space<hbm>>
      %dma_wait3A_146 = tpu.memref_squeeze %dma_wait3A_145 : memref<1x128x128xf32, #tpu.memory_space<hbm>> -> memref<128x128xf32, #tpu.memory_space<hbm>>
      %dma_wait3A_147 = arith.constant 0 : i32
      %dma_wait3A_148 = arith.constant 0 : i32
      %dma_wait3A_149 = tpu.memref_slice %arg3[%run_scoped3A, %dma_wait3A_147, %dma_wait3A_148] : memref<2x128x128xf32, #tpu.memory_space<hbm>> -> memref<1x128x128xf32, #tpu.memory_space<hbm>>
      %dma_wait3A_150 = tpu.memref_squeeze %dma_wait3A_149 : memref<1x128x128xf32, #tpu.memory_space<hbm>> -> memref<128x128xf32, #tpu.memory_space<hbm>>
      tpu.wait_dma2 semaphore(%run_scoped3A_134 : memref<!tpu.dma_semaphore, #tpu.memory_space<semaphore_mem>>) src(%dma_wait3A_150 : memref<128x128xf32, #tpu.memory_space<hbm>>) dst(%arg6 : memref<128x128xf32, #tpu.memory_space<vmem>>)
      tpu.yield
    }) : () -> ()
    %run_scoped3A_3 = arith.constant 1 : i32
    "tpu.region"() ({
      %run_scoped3A_134 = tpu.sem_alloc : memref<!tpu.dma_semaphore, #tpu.memory_space<semaphore_mem>>
      %dma_start3A_135 = arith.constant 0 : i32
      %dma_start3A_136 = arith.constant 0 : i32
      %dma_start3A_137 = tpu.memref_slice %arg3[%run_scoped3A_3, %dma_start3A_135, %dma_start3A_136] : memref<2x128x128xf32, #tpu.memory_space<hbm>> -> memref<1x128x128xf32, #tpu.memory_space<hbm>>
      %dma_start3A_138 = tpu.memref_squeeze %dma_start3A_137 : memref<1x128x128xf32, #tpu.memory_space<hbm>> -> memref<128x128xf32, #tpu.memory_space<hbm>>
      %dma_start3A_139 = arith.constant 0 : i32
      %dma_start3A_140 = arith.constant 0 : i32
      %dma_start3A_141 = tpu.memref_slice %arg3[%run_scoped3A_3, %dma_start3A_139, %dma_start3A_140] : memref<2x128x128xf32, #tpu.memory_space<hbm>> -> memref<1x128x128xf32, #tpu.memory_space<hbm>>
      %dma_start3A_142 = tpu.memref_squeeze %dma_start3A_141 : memref<1x128x128xf32, #tpu.memory_space<hbm>> -> memref<128x128xf32, #tpu.memory_space<hbm>>
      tpu.enqueue_dma source(%dma_start3A_142 : memref<128x128xf32, #tpu.memory_space<hbm>>) target(%arg7 : memref<128x128xf32, #tpu.memory_space<vmem>>) target_semaphore(%run_scoped3A_134 : memref<!tpu.dma_semaphore, #tpu.memory_space<semaphore_mem>>)
      %dma_wait3A_143 = arith.constant 0 : i32
      %dma_wait3A_144 = arith.constant 0 : i32
      %dma_wait3A_145 = tpu.memref_slice %arg3[%run_scoped3A_3, %dma_wait3A_143, %dma_wait3A_144] : memref<2x128x128xf32, #tpu.memory_space<hbm>> -> memref<1x128x128xf32, #tpu.memory_space<hbm>>
      %dma_wait3A_146 = tpu.memref_squeeze %dma_wait3A_145 : memref<1x128x128xf32, #tpu.memory_space<hbm>> -> memref<128x128xf32, #tpu.memory_space<hbm>>
      %dma_wait3A_147 = arith.constant 0 : i32
      %dma_wait3A_148 = arith.constant 0 : i32
      %dma_wait3A_149 = tpu.memref_slice %arg3[%run_scoped3A_3, %dma_wait3A_147, %dma_wait3A_148] : memref<2x128x128xf32, #tpu.memory_space<hbm>> -> memref<1x128x128xf32, #tpu.memory_space<hbm>>
      %dma_wait3A_150 = tpu.memref_squeeze %dma_wait3A_149 : memref<1x128x128xf32, #tpu.memory_space<hbm>> -> memref<128x128xf32, #tpu.memory_space<hbm>>
      tpu.wait_dma2 semaphore(%run_scoped3A_134 : memref<!tpu.dma_semaphore, #tpu.memory_space<semaphore_mem>>) src(%dma_wait3A_150 : memref<128x128xf32, #tpu.memory_space<hbm>>) dst(%arg7 : memref<128x128xf32, #tpu.memory_space<vmem>>)
      tpu.yield
    }) : () -> ()
    %scan3A = arith.constant 0 : i32
    %scan3A_4 = arith.constant 0 : i32
    %scan3A_5 = arith.constant 5 : i32
    %scan3A_6 = arith.addi %scan3A_4, %scan3A_5 : i32
    %scan3A_7 = arith.constant 1 : i32
    scf.for %scan3A_134 = %scan3A_4 to %scan3A_6 step %scan3A_7  : i32 {
      %mul3A_135 = arith.constant 128 : i32
      %mul3A_136 = arith.muli %scan3A_134, %mul3A_135 : i32
      %add3A_137 = arith.addi %mul3A_2, %mul3A_136 : i32
      "tpu.region"() ({
        %run_scoped3A_138 = tpu.sem_alloc : memref<!tpu.dma_semaphore, #tpu.memory_space<semaphore_mem>>
        %dma_start3A_139 = arith.constant 0 : i32
        %dma_start3A_140 = tpu.memref_slice %arg8[%add3A_137, %dma_start3A_139] : memref<10240x128xf32, #tpu.memory_space<vmem_shared>> -> memref<128x128xf32, #tpu.memory_space<vmem_shared>>
        %dma_start3A_141 = arith.constant 0 : i32
        %dma_start3A_142 = tpu.memref_slice %arg8[%add3A_137, %dma_start3A_141] : memref<10240x128xf32, #tpu.memory_space<vmem_shared>> -> memref<128x128xf32, #tpu.memory_space<vmem_shared>>
        tpu.enqueue_dma source(%arg7 : memref<128x128xf32, #tpu.memory_space<vmem>>) target(%dma_start3A_142 : memref<128x128xf32, #tpu.memory_space<vmem_shared>>) target_semaphore(%run_scoped3A_138 : memref<!tpu.dma_semaphore, #tpu.memory_space<semaphore_mem>>)
        %dma_wait3A_143 = arith.constant 0 : i32
        %dma_wait3A_144 = tpu.memref_slice %arg8[%add3A_137, %dma_wait3A_143] : memref<10240x128xf32, #tpu.memory_space<vmem_shared>> -> memref<128x128xf32, #tpu.memory_space<vmem_shared>>
        %dma_wait3A_145 = arith.constant 0 : i32
        %dma_wait3A_146 = tpu.memref_slice %arg8[%add3A_137, %dma_wait3A_145] : memref<10240x128xf32, #tpu.memory_space<vmem_shared>> -> memref<128x128xf32, #tpu.memory_space<vmem_shared>>
        tpu.wait_dma2 semaphore(%run_scoped3A_138 : memref<!tpu.dma_semaphore, #tpu.memory_space<semaphore_mem>>) src(%arg7 : memref<128x128xf32, #tpu.memory_space<vmem>>) dst(%dma_wait3A_146 : memref<128x128xf32, #tpu.memory_space<vmem_shared>>)
        tpu.yield
      }) : () -> ()
    }
    %scan3A_8 = arith.constant 5 : i32
    %barrier3A = arith.constant 0 : index
    tpu.barrier barrier_id(%barrier3A)
    %dma_start3A = arith.constant 0 : i32
    %dma_start3A_9 = arith.constant 0 : i32
    %dma_start3A_10 = tpu.memref_slice %arg5[%dma_start3A, %dma_start3A_9] : memref<79x128xi32, #tpu.memory_space<vmem>> -> memref<1x128xi32, #tpu.memory_space<vmem>>
    %dma_start3A_11 = tpu.memref_squeeze %dma_start3A_10 : memref<1x128xi32, #tpu.memory_space<vmem>> -> memref<128xi32, #tpu.memory_space<vmem>>
    %dma_start3A_12 = arith.constant 0 : i32
    %dma_start3A_13 = arith.constant 0 : i32
    %dma_start3A_14 = tpu.memref_slice %arg8[%dma_start3A_12, %dma_start3A_13] : memref<10240x128xf32, #tpu.memory_space<vmem_shared>> -> memref<10240x128xf32, #tpu.memory_space<vmem_shared>>
    tpu.enqueue_indirect_dma source(%arg6 : memref<128x128xf32, #tpu.memory_space<vmem>>) target(%dma_start3A_14 : memref<10240x128xf32, #tpu.memory_space<vmem_shared>>) offsets(%dma_start3A_11 : memref<128xi32, #tpu.memory_space<vmem>>) semaphore(%arg9 : memref<!tpu.dma_semaphore, #tpu.memory_space<semaphore_mem>>) {add = true}
    %dma_start3A_15 = arith.constant 1 : i32
    %dma_start3A_16 = arith.constant 0 : i32
    %dma_start3A_17 = tpu.memref_slice %arg5[%dma_start3A_15, %dma_start3A_16] : memref<79x128xi32, #tpu.memory_space<vmem>> -> memref<1x128xi32, #tpu.memory_space<vmem>>
    %dma_start3A_18 = tpu.memref_squeeze %dma_start3A_17 : memref<1x128xi32, #tpu.memory_space<vmem>> -> memref<128xi32, #tpu.memory_space<vmem>>
    %dma_start3A_19 = arith.constant 0 : i32
    %dma_start3A_20 = arith.constant 0 : i32
    %dma_start3A_21 = tpu.memref_slice %arg8[%dma_start3A_19, %dma_start3A_20] : memref<10240x128xf32, #tpu.memory_space<vmem_shared>> -> memref<10240x128xf32, #tpu.memory_space<vmem_shared>>
    tpu.enqueue_indirect_dma source(%arg6 : memref<128x128xf32, #tpu.memory_space<vmem>>) target(%dma_start3A_21 : memref<10240x128xf32, #tpu.memory_space<vmem_shared>>) offsets(%dma_start3A_18 : memref<128xi32, #tpu.memory_space<vmem>>) semaphore(%arg9 : memref<!tpu.dma_semaphore, #tpu.memory_space<semaphore_mem>>) {add = true}
    %dma_start3A_22 = arith.constant 2 : i32
    %dma_start3A_23 = arith.constant 0 : i32
    %dma_start3A_24 = tpu.memref_slice %arg5[%dma_start3A_22, %dma_start3A_23] : memref<79x128xi32, #tpu.memory_space<vmem>> -> memref<1x128xi32, #tpu.memory_space<vmem>>
    %dma_start3A_25 = tpu.memref_squeeze %dma_start3A_24 : memref<1x128xi32, #tpu.memory_space<vmem>> -> memref<128xi32, #tpu.memory_space<vmem>>
    %dma_start3A_26 = arith.constant 0 : i32
    %dma_start3A_27 = arith.constant 0 : i32
    %dma_start3A_28 = tpu.memref_slice %arg8[%dma_start3A_26, %dma_start3A_27] : memref<10240x128xf32, #tpu.memory_space<vmem_shared>> -> memref<10240x128xf32, #tpu.memory_space<vmem_shared>>
    tpu.enqueue_indirect_dma source(%arg6 : memref<128x128xf32, #tpu.memory_space<vmem>>) target(%dma_start3A_28 : memref<10240x128xf32, #tpu.memory_space<vmem_shared>>) offsets(%dma_start3A_25 : memref<128xi32, #tpu.memory_space<vmem>>) semaphore(%arg9 : memref<!tpu.dma_semaphore, #tpu.memory_space<semaphore_mem>>) {add = true}
    %dma_start3A_29 = arith.constant 3 : i32
    %dma_start3A_30 = arith.constant 0 : i32
    %dma_start3A_31 = tpu.memref_slice %arg5[%dma_start3A_29, %dma_start3A_30] : memref<79x128xi32, #tpu.memory_space<vmem>> -> memref<1x128xi32, #tpu.memory_space<vmem>>
    %dma_start3A_32 = tpu.memref_squeeze %dma_start3A_31 : memref<1x128xi32, #tpu.memory_space<vmem>> -> memref<128xi32, #tpu.memory_space<vmem>>
    %dma_start3A_33 = arith.constant 0 : i32
    %dma_start3A_34 = arith.constant 0 : i32
    %dma_start3A_35 = tpu.memref_slice %arg8[%dma_start3A_33, %dma_start3A_34] : memref<10240x128xf32, #tpu.memory_space<vmem_shared>> -> memref<10240x128xf32, #tpu.memory_space<vmem_shared>>
    tpu.enqueue_indirect_dma source(%arg6 : memref<128x128xf32, #tpu.memory_space<vmem>>) target(%dma_start3A_35 : memref<10240x128xf32, #tpu.memory_space<vmem_shared>>) offsets(%dma_start3A_32 : memref<128xi32, #tpu.memory_space<vmem>>) semaphore(%arg9 : memref<!tpu.dma_semaphore, #tpu.memory_space<semaphore_mem>>) {add = true}
    %dma_start3A_36 = arith.constant 4 : i32
    %dma_start3A_37 = arith.constant 0 : i32
    %dma_start3A_38 = tpu.memref_slice %arg5[%dma_start3A_36, %dma_start3A_37] : memref<79x128xi32, #tpu.memory_space<vmem>> -> memref<1x128xi32, #tpu.memory_space<vmem>>
    %dma_start3A_39 = tpu.memref_squeeze %dma_start3A_38 : memref<1x128xi32, #tpu.memory_space<vmem>> -> memref<128xi32, #tpu.memory_space<vmem>>
    %dma_start3A_40 = arith.constant 0 : i32
    %dma_start3A_41 = arith.constant 0 : i32
    %dma_start3A_42 = tpu.memref_slice %arg8[%dma_start3A_40, %dma_start3A_41] : memref<10240x128xf32, #tpu.memory_space<vmem_shared>> -> memref<10240x128xf32, #tpu.memory_space<vmem_shared>>
    tpu.enqueue_indirect_dma source(%arg6 : memref<128x128xf32, #tpu.memory_space<vmem>>) target(%dma_start3A_42 : memref<10240x128xf32, #tpu.memory_space<vmem_shared>>) offsets(%dma_start3A_39 : memref<128xi32, #tpu.memory_space<vmem>>) semaphore(%arg9 : memref<!tpu.dma_semaphore, #tpu.memory_space<semaphore_mem>>) {add = true}
    %dma_start3A_43 = arith.constant 5 : i32
    %dma_start3A_44 = arith.constant 0 : i32
    %dma_start3A_45 = tpu.memref_slice %arg5[%dma_start3A_43, %dma_start3A_44] : memref<79x128xi32, #tpu.memory_space<vmem>> -> memref<1x128xi32, #tpu.memory_space<vmem>>
    %dma_start3A_46 = tpu.memref_squeeze %dma_start3A_45 : memref<1x128xi32, #tpu.memory_space<vmem>> -> memref<128xi32, #tpu.memory_space<vmem>>
    %dma_start3A_47 = arith.constant 0 : i32
    %dma_start3A_48 = arith.constant 0 : i32
    %dma_start3A_49 = tpu.memref_slice %arg8[%dma_start3A_47, %dma_start3A_48] : memref<10240x128xf32, #tpu.memory_space<vmem_shared>> -> memref<10240x128xf32, #tpu.memory_space<vmem_shared>>
    tpu.enqueue_indirect_dma source(%arg6 : memref<128x128xf32, #tpu.memory_space<vmem>>) target(%dma_start3A_49 : memref<10240x128xf32, #tpu.memory_space<vmem_shared>>) offsets(%dma_start3A_46 : memref<128xi32, #tpu.memory_space<vmem>>) semaphore(%arg9 : memref<!tpu.dma_semaphore, #tpu.memory_space<semaphore_mem>>) {add = true}
    %dma_start3A_50 = arith.constant 6 : i32
    %dma_start3A_51 = arith.constant 0 : i32
    %dma_start3A_52 = tpu.memref_slice %arg5[%dma_start3A_50, %dma_start3A_51] : memref<79x128xi32, #tpu.memory_space<vmem>> -> memref<1x128xi32, #tpu.memory_space<vmem>>
    %dma_start3A_53 = tpu.memref_squeeze %dma_start3A_52 : memref<1x128xi32, #tpu.memory_space<vmem>> -> memref<128xi32, #tpu.memory_space<vmem>>
    %dma_start3A_54 = arith.constant 0 : i32
    %dma_start3A_55 = arith.constant 0 : i32
    %dma_start3A_56 = tpu.memref_slice %arg8[%dma_start3A_54, %dma_start3A_55] : memref<10240x128xf32, #tpu.memory_space<vmem_shared>> -> memref<10240x128xf32, #tpu.memory_space<vmem_shared>>
    tpu.enqueue_indirect_dma source(%arg6 : memref<128x128xf32, #tpu.memory_space<vmem>>) target(%dma_start3A_56 : memref<10240x128xf32, #tpu.memory_space<vmem_shared>>) offsets(%dma_start3A_53 : memref<128xi32, #tpu.memory_space<vmem>>) semaphore(%arg9 : memref<!tpu.dma_semaphore, #tpu.memory_space<semaphore_mem>>) {add = true}
    %dma_start3A_57 = arith.constant 7 : i32
    %dma_start3A_58 = arith.constant 0 : i32
    %dma_start3A_59 = tpu.memref_slice %arg5[%dma_start3A_57, %dma_start3A_58] : memref<79x128xi32, #tpu.memory_space<vmem>> -> memref<1x128xi32, #tpu.memory_space<vmem>>
    %dma_start3A_60 = tpu.memref_squeeze %dma_start3A_59 : memref<1x128xi32, #tpu.memory_space<vmem>> -> memref<128xi32, #tpu.memory_space<vmem>>
    %dma_start3A_61 = arith.constant 0 : i32
    %dma_start3A_62 = arith.constant 0 : i32
    %dma_start3A_63 = tpu.memref_slice %arg8[%dma_start3A_61, %dma_start3A_62] : memref<10240x128xf32, #tpu.memory_space<vmem_shared>> -> memref<10240x128xf32, #tpu.memory_space<vmem_shared>>
    tpu.enqueue_indirect_dma source(%arg6 : memref<128x128xf32, #tpu.memory_space<vmem>>) target(%dma_start3A_63 : memref<10240x128xf32, #tpu.memory_space<vmem_shared>>) offsets(%dma_start3A_60 : memref<128xi32, #tpu.memory_space<vmem>>) semaphore(%arg9 : memref<!tpu.dma_semaphore, #tpu.memory_space<semaphore_mem>>) {add = true}
    %scan3A_64 = arith.constant 0 : i32
    %scan3A_65 = arith.constant 0 : i32
    %scan3A_66 = arith.constant 71 : i32
    %scan3A_67 = arith.addi %scan3A_65, %scan3A_66 : i32
    %scan3A_68 = arith.constant 1 : i32
    scf.for %scan3A_134 = %scan3A_65 to %scan3A_67 step %scan3A_68  : i32 {
      %dma_wait3A_135 = arith.constant 0 : i32
      %dma_wait3A_136 = tpu.memref_slice %arg5[%scan3A_134, %dma_wait3A_135] : memref<79x128xi32, #tpu.memory_space<vmem>> -> memref<1x128xi32, #tpu.memory_space<vmem>>
      %dma_wait3A_137 = tpu.memref_squeeze %dma_wait3A_136 : memref<1x128xi32, #tpu.memory_space<vmem>> -> memref<128xi32, #tpu.memory_space<vmem>>
      %dma_wait3A_138 = arith.constant 0 : i32
      %dma_wait3A_139 = arith.constant 0 : i32
      %dma_wait3A_140 = tpu.memref_slice %arg8[%dma_wait3A_138, %dma_wait3A_139] : memref<10240x128xf32, #tpu.memory_space<vmem_shared>> -> memref<10240x128xf32, #tpu.memory_space<vmem_shared>>
      tpu.wait_indirect_dma semaphore(%arg9 : memref<!tpu.dma_semaphore, #tpu.memory_space<semaphore_mem>>) src(%arg6 : memref<128x128xf32, #tpu.memory_space<vmem>>) dst(%dma_wait3A_140 : memref<10240x128xf32, #tpu.memory_space<vmem_shared>>)
      %add3A_141 = arith.constant 8 : i32
      %add3A_142 = arith.addi %scan3A_134, %add3A_141 : i32
      %dma_start3A_143 = arith.constant 0 : i32
      %dma_start3A_144 = tpu.memref_slice %arg5[%add3A_142, %dma_start3A_143] : memref<79x128xi32, #tpu.memory_space<vmem>> -> memref<1x128xi32, #tpu.memory_space<vmem>>
      %dma_start3A_145 = tpu.memref_squeeze %dma_start3A_144 : memref<1x128xi32, #tpu.memory_space<vmem>> -> memref<128xi32, #tpu.memory_space<vmem>>
      %dma_start3A_146 = arith.constant 0 : i32
      %dma_start3A_147 = arith.constant 0 : i32
      %dma_start3A_148 = tpu.memref_slice %arg8[%dma_start3A_146, %dma_start3A_147] : memref<10240x128xf32, #tpu.memory_space<vmem_shared>> -> memref<10240x128xf32, #tpu.memory_space<vmem_shared>>
      tpu.enqueue_indirect_dma source(%arg6 : memref<128x128xf32, #tpu.memory_space<vmem>>) target(%dma_start3A_148 : memref<10240x128xf32, #tpu.memory_space<vmem_shared>>) offsets(%dma_start3A_145 : memref<128xi32, #tpu.memory_space<vmem>>) semaphore(%arg9 : memref<!tpu.dma_semaphore, #tpu.memory_space<semaphore_mem>>) {add = true}
    }
    %scan3A_69 = arith.constant 71 : i32
    %scan3A_70 = arith.constant 0 : i32
    %scan3A_71 = arith.constant 71 : i32
    %scan3A_72 = arith.constant 8 : i32
    %scan3A_73 = arith.addi %scan3A_71, %scan3A_72 : i32
    %scan3A_74 = arith.constant 1 : i32
    scf.for %scan3A_134 = %scan3A_71 to %scan3A_73 step %scan3A_74  : i32 {
      %dma_wait3A_135 = arith.constant 0 : i32
      %dma_wait3A_136 = tpu.memref_slice %arg5[%scan3A_134, %dma_wait3A_135] : memref<79x128xi32, #tpu.memory_space<vmem>> -> memref<1x128xi32, #tpu.memory_space<vmem>>
      %dma_wait3A_137 = tpu.memref_squeeze %dma_wait3A_136 : memref<1x128xi32, #tpu.memory_space<vmem>> -> memref<128xi32, #tpu.memory_space<vmem>>
      %dma_wait3A_138 = arith.constant 0 : i32
      %dma_wait3A_139 = arith.constant 0 : i32
      %dma_wait3A_140 = tpu.memref_slice %arg8[%dma_wait3A_138, %dma_wait3A_139] : memref<10240x128xf32, #tpu.memory_space<vmem_shared>> -> memref<10240x128xf32, #tpu.memory_space<vmem_shared>>
      tpu.wait_indirect_dma semaphore(%arg9 : memref<!tpu.dma_semaphore, #tpu.memory_space<semaphore_mem>>) src(%arg6 : memref<128x128xf32, #tpu.memory_space<vmem>>) dst(%dma_wait3A_140 : memref<10240x128xf32, #tpu.memory_space<vmem_shared>>)
    }
    %scan3A_75 = arith.constant 8 : i32
    %barrier3A_76 = arith.constant 0 : index
    tpu.barrier barrier_id(%barrier3A_76)
    %dma_start3A_77 = arith.constant 0 : i32
    %dma_start3A_78 = tpu.memref_slice %arg8[%mul3A_2, %dma_start3A_77] : memref<10240x128xf32, #tpu.memory_space<vmem_shared>> -> memref<128x128xf32, #tpu.memory_space<vmem_shared>>
    %dma_start3A_79 = arith.constant 0 : i32
    %dma_start3A_80 = tpu.memref_slice %arg8[%mul3A_2, %dma_start3A_79] : memref<10240x128xf32, #tpu.memory_space<vmem_shared>> -> memref<128x128xf32, #tpu.memory_space<vmem_shared>>
    tpu.enqueue_dma source(%dma_start3A_80 : memref<128x128xf32, #tpu.memory_space<vmem_shared>>) target(%arg7 : memref<128x128xf32, #tpu.memory_space<vmem>>) target_semaphore(%arg10 : memref<!tpu.dma_semaphore, #tpu.memory_space<semaphore_mem>>)
    %add3A_81 = arith.constant 0 : i32
    %add3A_82 = arith.addi %mul3A_2, %add3A_81 : i32
    %dma_wait3A = arith.constant 0 : i32
    %dma_wait3A_83 = tpu.memref_slice %arg8[%add3A_82, %dma_wait3A] : memref<10240x128xf32, #tpu.memory_space<vmem_shared>> -> memref<128x128xf32, #tpu.memory_space<vmem_shared>>
    %dma_wait3A_84 = arith.constant 0 : i32
    %dma_wait3A_85 = tpu.memref_slice %arg8[%add3A_82, %dma_wait3A_84] : memref<10240x128xf32, #tpu.memory_space<vmem_shared>> -> memref<128x128xf32, #tpu.memory_space<vmem_shared>>
    tpu.wait_dma2 semaphore(%arg10 : memref<!tpu.dma_semaphore, #tpu.memory_space<semaphore_mem>>) src(%dma_wait3A_85 : memref<128x128xf32, #tpu.memory_space<vmem_shared>>) dst(%arg7 : memref<128x128xf32, #tpu.memory_space<vmem>>)
    %add3A_86 = arith.constant 128 : i32
    %add3A_87 = arith.addi %add3A_82, %add3A_86 : i32
    %dma_start3A_88 = arith.constant 0 : i32
    %dma_start3A_89 = tpu.memref_slice %arg8[%add3A_87, %dma_start3A_88] : memref<10240x128xf32, #tpu.memory_space<vmem_shared>> -> memref<128x128xf32, #tpu.memory_space<vmem_shared>>
    %dma_start3A_90 = arith.constant 0 : i32
    %dma_start3A_91 = tpu.memref_slice %arg8[%add3A_87, %dma_start3A_90] : memref<10240x128xf32, #tpu.memory_space<vmem_shared>> -> memref<128x128xf32, #tpu.memory_space<vmem_shared>>
    tpu.enqueue_dma source(%dma_start3A_91 : memref<128x128xf32, #tpu.memory_space<vmem_shared>>) target(%arg6 : memref<128x128xf32, #tpu.memory_space<vmem>>) target_semaphore(%arg11 : memref<!tpu.dma_semaphore, #tpu.memory_space<semaphore_mem>>)
    "tpu.region"() ({
      %run_scoped3A_134 = tpu.sem_alloc : memref<!tpu.dma_semaphore, #tpu.memory_space<semaphore_mem>>
      %dma_start3A_135 = arith.constant 0 : i32
      %dma_start3A_136 = tpu.memref_slice %arg4[%arg0, %add3A_82, %dma_start3A_135] : memref<2x10240x128xf32, #tpu.memory_space<hbm>> -> memref<1x128x128xf32, #tpu.memory_space<hbm>>
      %dma_start3A_137 = tpu.memref_squeeze %dma_start3A_136 : memref<1x128x128xf32, #tpu.memory_space<hbm>> -> memref<128x128xf32, #tpu.memory_space<hbm>>
      %dma_start3A_138 = arith.constant 0 : i32
      %dma_start3A_139 = tpu.memref_slice %arg4[%arg0, %add3A_82, %dma_start3A_138] : memref<2x10240x128xf32, #tpu.memory_space<hbm>> -> memref<1x128x128xf32, #tpu.memory_space<hbm>>
      %dma_start3A_140 = tpu.memref_squeeze %dma_start3A_139 : memref<1x128x128xf32, #tpu.memory_space<hbm>> -> memref<128x128xf32, #tpu.memory_space<hbm>>
      tpu.enqueue_dma source(%arg7 : memref<128x128xf32, #tpu.memory_space<vmem>>) target(%dma_start3A_140 : memref<128x128xf32, #tpu.memory_space<hbm>>) target_semaphore(%run_scoped3A_134 : memref<!tpu.dma_semaphore, #tpu.memory_space<semaphore_mem>>)
      %dma_wait3A_141 = arith.constant 0 : i32
      %dma_wait3A_142 = tpu.memref_slice %arg4[%arg0, %add3A_82, %dma_wait3A_141] : memref<2x10240x128xf32, #tpu.memory_space<hbm>> -> memref<1x128x128xf32, #tpu.memory_space<hbm>>
      %dma_wait3A_143 = tpu.memref_squeeze %dma_wait3A_142 : memref<1x128x128xf32, #tpu.memory_space<hbm>> -> memref<128x128xf32, #tpu.memory_space<hbm>>
      %dma_wait3A_144 = arith.constant 0 : i32
      %dma_wait3A_145 = tpu.memref_slice %arg4[%arg0, %add3A_82, %dma_wait3A_144] : memref<2x10240x128xf32, #tpu.memory_space<hbm>> -> memref<1x128x128xf32, #tpu.memory_space<hbm>>
      %dma_wait3A_146 = tpu.memref_squeeze %dma_wait3A_145 : memref<1x128x128xf32, #tpu.memory_space<hbm>> -> memref<128x128xf32, #tpu.memory_space<hbm>>
      tpu.wait_dma2 semaphore(%run_scoped3A_134 : memref<!tpu.dma_semaphore, #tpu.memory_space<semaphore_mem>>) src(%arg7 : memref<128x128xf32, #tpu.memory_space<vmem>>) dst(%dma_wait3A_146 : memref<128x128xf32, #tpu.memory_space<hbm>>)
      tpu.yield
    }) : () -> ()
    %add3A_92 = arith.constant 128 : i32
    %add3A_93 = arith.addi %mul3A_2, %add3A_92 : i32
    %dma_wait3A_94 = arith.constant 0 : i32
    %dma_wait3A_95 = tpu.memref_slice %arg8[%add3A_93, %dma_wait3A_94] : memref<10240x128xf32, #tpu.memory_space<vmem_shared>> -> memref<128x128xf32, #tpu.memory_space<vmem_shared>>
    %dma_wait3A_96 = arith.constant 0 : i32
    %dma_wait3A_97 = tpu.memref_slice %arg8[%add3A_93, %dma_wait3A_96] : memref<10240x128xf32, #tpu.memory_space<vmem_shared>> -> memref<128x128xf32, #tpu.memory_space<vmem_shared>>
    tpu.wait_dma2 semaphore(%arg11 : memref<!tpu.dma_semaphore, #tpu.memory_space<semaphore_mem>>) src(%dma_wait3A_97 : memref<128x128xf32, #tpu.memory_space<vmem_shared>>) dst(%arg6 : memref<128x128xf32, #tpu.memory_space<vmem>>)
    %add3A_98 = arith.constant 128 : i32
    %add3A_99 = arith.addi %add3A_93, %add3A_98 : i32
    %dma_start3A_100 = arith.constant 0 : i32
    %dma_start3A_101 = tpu.memref_slice %arg8[%add3A_99, %dma_start3A_100] : memref<10240x128xf32, #tpu.memory_space<vmem_shared>> -> memref<128x128xf32, #tpu.memory_space<vmem_shared>>
    %dma_start3A_102 = arith.constant 0 : i32
    %dma_start3A_103 = tpu.memref_slice %arg8[%add3A_99, %dma_start3A_102] : memref<10240x128xf32, #tpu.memory_space<vmem_shared>> -> memref<128x128xf32, #tpu.memory_space<vmem_shared>>
    tpu.enqueue_dma source(%dma_start3A_103 : memref<128x128xf32, #tpu.memory_space<vmem_shared>>) target(%arg7 : memref<128x128xf32, #tpu.memory_space<vmem>>) target_semaphore(%arg10 : memref<!tpu.dma_semaphore, #tpu.memory_space<semaphore_mem>>)
    "tpu.region"() ({
      %run_scoped3A_134 = tpu.sem_alloc : memref<!tpu.dma_semaphore, #tpu.memory_space<semaphore_mem>>
      %dma_start3A_135 = arith.constant 0 : i32
      %dma_start3A_136 = tpu.memref_slice %arg4[%arg0, %add3A_93, %dma_start3A_135] : memref<2x10240x128xf32, #tpu.memory_space<hbm>> -> memref<1x128x128xf32, #tpu.memory_space<hbm>>
      %dma_start3A_137 = tpu.memref_squeeze %dma_start3A_136 : memref<1x128x128xf32, #tpu.memory_space<hbm>> -> memref<128x128xf32, #tpu.memory_space<hbm>>
      %dma_start3A_138 = arith.constant 0 : i32
      %dma_start3A_139 = tpu.memref_slice %arg4[%arg0, %add3A_93, %dma_start3A_138] : memref<2x10240x128xf32, #tpu.memory_space<hbm>> -> memref<1x128x128xf32, #tpu.memory_space<hbm>>
      %dma_start3A_140 = tpu.memref_squeeze %dma_start3A_139 : memref<1x128x128xf32, #tpu.memory_space<hbm>> -> memref<128x128xf32, #tpu.memory_space<hbm>>
      tpu.enqueue_dma source(%arg6 : memref<128x128xf32, #tpu.memory_space<vmem>>) target(%dma_start3A_140 : memref<128x128xf32, #tpu.memory_space<hbm>>) target_semaphore(%run_scoped3A_134 : memref<!tpu.dma_semaphore, #tpu.memory_space<semaphore_mem>>)
      %dma_wait3A_141 = arith.constant 0 : i32
      %dma_wait3A_142 = tpu.memref_slice %arg4[%arg0, %add3A_93, %dma_wait3A_141] : memref<2x10240x128xf32, #tpu.memory_space<hbm>> -> memref<1x128x128xf32, #tpu.memory_space<hbm>>
      %dma_wait3A_143 = tpu.memref_squeeze %dma_wait3A_142 : memref<1x128x128xf32, #tpu.memory_space<hbm>> -> memref<128x128xf32, #tpu.memory_space<hbm>>
      %dma_wait3A_144 = arith.constant 0 : i32
      %dma_wait3A_145 = tpu.memref_slice %arg4[%arg0, %add3A_93, %dma_wait3A_144] : memref<2x10240x128xf32, #tpu.memory_space<hbm>> -> memref<1x128x128xf32, #tpu.memory_space<hbm>>
      %dma_wait3A_146 = tpu.memref_squeeze %dma_wait3A_145 : memref<1x128x128xf32, #tpu.memory_space<hbm>> -> memref<128x128xf32, #tpu.memory_space<hbm>>
      tpu.wait_dma2 semaphore(%run_scoped3A_134 : memref<!tpu.dma_semaphore, #tpu.memory_space<semaphore_mem>>) src(%arg6 : memref<128x128xf32, #tpu.memory_space<vmem>>) dst(%dma_wait3A_146 : memref<128x128xf32, #tpu.memory_space<hbm>>)
      tpu.yield
    }) : () -> ()
    %add3A_104 = arith.constant 256 : i32
    %add3A_105 = arith.addi %mul3A_2, %add3A_104 : i32
    %dma_wait3A_106 = arith.constant 0 : i32
    %dma_wait3A_107 = tpu.memref_slice %arg8[%add3A_105, %dma_wait3A_106] : memref<10240x128xf32, #tpu.memory_space<vmem_shared>> -> memref<128x128xf32, #tpu.memory_space<vmem_shared>>
    %dma_wait3A_108 = arith.constant 0 : i32
    %dma_wait3A_109 = tpu.memref_slice %arg8[%add3A_105, %dma_wait3A_108] : memref<10240x128xf32, #tpu.memory_space<vmem_shared>> -> memref<128x128xf32, #tpu.memory_space<vmem_shared>>
    tpu.wait_dma2 semaphore(%arg10 : memref<!tpu.dma_semaphore, #tpu.memory_space<semaphore_mem>>) src(%dma_wait3A_109 : memref<128x128xf32, #tpu.memory_space<vmem_shared>>) dst(%arg7 : memref<128x128xf32, #tpu.memory_space<vmem>>)
    %add3A_110 = arith.constant 128 : i32
    %add3A_111 = arith.addi %add3A_105, %add3A_110 : i32
    %dma_start3A_112 = arith.constant 0 : i32
    %dma_start3A_113 = tpu.memref_slice %arg8[%add3A_111, %dma_start3A_112] : memref<10240x128xf32, #tpu.memory_space<vmem_shared>> -> memref<128x128xf32, #tpu.memory_space<vmem_shared>>
    %dma_start3A_114 = arith.constant 0 : i32
    %dma_start3A_115 = tpu.memref_slice %arg8[%add3A_111, %dma_start3A_114] : memref<10240x128xf32, #tpu.memory_space<vmem_shared>> -> memref<128x128xf32, #tpu.memory_space<vmem_shared>>
    tpu.enqueue_dma source(%dma_start3A_115 : memref<128x128xf32, #tpu.memory_space<vmem_shared>>) target(%arg6 : memref<128x128xf32, #tpu.memory_space<vmem>>) target_semaphore(%arg11 : memref<!tpu.dma_semaphore, #tpu.memory_space<semaphore_mem>>)
    "tpu.region"() ({
      %run_scoped3A_134 = tpu.sem_alloc : memref<!tpu.dma_semaphore, #tpu.memory_space<semaphore_mem>>
      %dma_start3A_135 = arith.constant 0 : i32
      %dma_start3A_136 = tpu.memref_slice %arg4[%arg0, %add3A_105, %dma_start3A_135] : memref<2x10240x128xf32, #tpu.memory_space<hbm>> -> memref<1x128x128xf32, #tpu.memory_space<hbm>>
      %dma_start3A_137 = tpu.memref_squeeze %dma_start3A_136 : memref<1x128x128xf32, #tpu.memory_space<hbm>> -> memref<128x128xf32, #tpu.memory_space<hbm>>
      %dma_start3A_138 = arith.constant 0 : i32
      %dma_start3A_139 = tpu.memref_slice %arg4[%arg0, %add3A_105, %dma_start3A_138] : memref<2x10240x128xf32, #tpu.memory_space<hbm>> -> memref<1x128x128xf32, #tpu.memory_space<hbm>>
      %dma_start3A_140 = tpu.memref_squeeze %dma_start3A_139 : memref<1x128x128xf32, #tpu.memory_space<hbm>> -> memref<128x128xf32, #tpu.memory_space<hbm>>
      tpu.enqueue_dma source(%arg7 : memref<128x128xf32, #tpu.memory_space<vmem>>) target(%dma_start3A_140 : memref<128x128xf32, #tpu.memory_space<hbm>>) target_semaphore(%run_scoped3A_134 : memref<!tpu.dma_semaphore, #tpu.memory_space<semaphore_mem>>)
      %dma_wait3A_141 = arith.constant 0 : i32
      %dma_wait3A_142 = tpu.memref_slice %arg4[%arg0, %add3A_105, %dma_wait3A_141] : memref<2x10240x128xf32, #tpu.memory_space<hbm>> -> memref<1x128x128xf32, #tpu.memory_space<hbm>>
      %dma_wait3A_143 = tpu.memref_squeeze %dma_wait3A_142 : memref<1x128x128xf32, #tpu.memory_space<hbm>> -> memref<128x128xf32, #tpu.memory_space<hbm>>
      %dma_wait3A_144 = arith.constant 0 : i32
      %dma_wait3A_145 = tpu.memref_slice %arg4[%arg0, %add3A_105, %dma_wait3A_144] : memref<2x10240x128xf32, #tpu.memory_space<hbm>> -> memref<1x128x128xf32, #tpu.memory_space<hbm>>
      %dma_wait3A_146 = tpu.memref_squeeze %dma_wait3A_145 : memref<1x128x128xf32, #tpu.memory_space<hbm>> -> memref<128x128xf32, #tpu.memory_space<hbm>>
      tpu.wait_dma2 semaphore(%run_scoped3A_134 : memref<!tpu.dma_semaphore, #tpu.memory_space<semaphore_mem>>) src(%arg7 : memref<128x128xf32, #tpu.memory_space<vmem>>) dst(%dma_wait3A_146 : memref<128x128xf32, #tpu.memory_space<hbm>>)
      tpu.yield
    }) : () -> ()
    %add3A_116 = arith.constant 384 : i32
    %add3A_117 = arith.addi %mul3A_2, %add3A_116 : i32
    %dma_wait3A_118 = arith.constant 0 : i32
    %dma_wait3A_119 = tpu.memref_slice %arg8[%add3A_117, %dma_wait3A_118] : memref<10240x128xf32, #tpu.memory_space<vmem_shared>> -> memref<128x128xf32, #tpu.memory_space<vmem_shared>>
    %dma_wait3A_120 = arith.constant 0 : i32
    %dma_wait3A_121 = tpu.memref_slice %arg8[%add3A_117, %dma_wait3A_120] : memref<10240x128xf32, #tpu.memory_space<vmem_shared>> -> memref<128x128xf32, #tpu.memory_space<vmem_shared>>
    tpu.wait_dma2 semaphore(%arg11 : memref<!tpu.dma_semaphore, #tpu.memory_space<semaphore_mem>>) src(%dma_wait3A_121 : memref<128x128xf32, #tpu.memory_space<vmem_shared>>) dst(%arg6 : memref<128x128xf32, #tpu.memory_space<vmem>>)
    %add3A_122 = arith.constant 128 : i32
    %add3A_123 = arith.addi %add3A_117, %add3A_122 : i32
    %dma_start3A_124 = arith.constant 0 : i32
    %dma_start3A_125 = tpu.memref_slice %arg8[%add3A_123, %dma_start3A_124] : memref<10240x128xf32, #tpu.memory_space<vmem_shared>> -> memref<128x128xf32, #tpu.memory_space<vmem_shared>>
    %dma_start3A_126 = arith.constant 0 : i32
    %dma_start3A_127 = tpu.memref_slice %arg8[%add3A_123, %dma_start3A_126] : memref<10240x128xf32, #tpu.memory_space<vmem_shared>> -> memref<128x128xf32, #tpu.memory_space<vmem_shared>>
    tpu.enqueue_dma source(%dma_start3A_127 : memref<128x128xf32, #tpu.memory_space<vmem_shared>>) target(%arg7 : memref<128x128xf32, #tpu.memory_space<vmem>>) target_semaphore(%arg10 : memref<!tpu.dma_semaphore, #tpu.memory_space<semaphore_mem>>)
    "tpu.region"() ({
      %run_scoped3A_134 = tpu.sem_alloc : memref<!tpu.dma_semaphore, #tpu.memory_space<semaphore_mem>>
      %dma_start3A_135 = arith.constant 0 : i32
      %dma_start3A_136 = tpu.memref_slice %arg4[%arg0, %add3A_117, %dma_start3A_135] : memref<2x10240x128xf32, #tpu.memory_space<hbm>> -> memref<1x128x128xf32, #tpu.memory_space<hbm>>
      %dma_start3A_137 = tpu.memref_squeeze %dma_start3A_136 : memref<1x128x128xf32, #tpu.memory_space<hbm>> -> memref<128x128xf32, #tpu.memory_space<hbm>>
      %dma_start3A_138 = arith.constant 0 : i32
      %dma_start3A_139 = tpu.memref_slice %arg4[%arg0, %add3A_117, %dma_start3A_138] : memref<2x10240x128xf32, #tpu.memory_space<hbm>> -> memref<1x128x128xf32, #tpu.memory_space<hbm>>
      %dma_start3A_140 = tpu.memref_squeeze %dma_start3A_139 : memref<1x128x128xf32, #tpu.memory_space<hbm>> -> memref<128x128xf32, #tpu.memory_space<hbm>>
      tpu.enqueue_dma source(%arg6 : memref<128x128xf32, #tpu.memory_space<vmem>>) target(%dma_start3A_140 : memref<128x128xf32, #tpu.memory_space<hbm>>) target_semaphore(%run_scoped3A_134 : memref<!tpu.dma_semaphore, #tpu.memory_space<semaphore_mem>>)
      %dma_wait3A_141 = arith.constant 0 : i32
      %dma_wait3A_142 = tpu.memref_slice %arg4[%arg0, %add3A_117, %dma_wait3A_141] : memref<2x10240x128xf32, #tpu.memory_space<hbm>> -> memref<1x128x128xf32, #tpu.memory_space<hbm>>
      %dma_wait3A_143 = tpu.memref_squeeze %dma_wait3A_142 : memref<1x128x128xf32, #tpu.memory_space<hbm>> -> memref<128x128xf32, #tpu.memory_space<hbm>>
      %dma_wait3A_144 = arith.constant 0 : i32
      %dma_wait3A_145 = tpu.memref_slice %arg4[%arg0, %add3A_117, %dma_wait3A_144] : memref<2x10240x128xf32, #tpu.memory_space<hbm>> -> memref<1x128x128xf32, #tpu.memory_space<hbm>>
      %dma_wait3A_146 = tpu.memref_squeeze %dma_wait3A_145 : memref<1x128x128xf32, #tpu.memory_space<hbm>> -> memref<128x128xf32, #tpu.memory_space<hbm>>
      tpu.wait_dma2 semaphore(%run_scoped3A_134 : memref<!tpu.dma_semaphore, #tpu.memory_space<semaphore_mem>>) src(%arg6 : memref<128x128xf32, #tpu.memory_space<vmem>>) dst(%dma_wait3A_146 : memref<128x128xf32, #tpu.memory_space<hbm>>)
      tpu.yield
    }) : () -> ()
    %add3A_128 = arith.constant 512 : i32
    %add3A_129 = arith.addi %mul3A_2, %add3A_128 : i32
    %dma_wait3A_130 = arith.constant 0 : i32
    %dma_wait3A_131 = tpu.memref_slice %arg8[%add3A_129, %dma_wait3A_130] : memref<10240x128xf32, #tpu.memory_space<vmem_shared>> -> memref<128x128xf32, #tpu.memory_space<vmem_shared>>
    %dma_wait3A_132 = arith.constant 0 : i32
    %dma_wait3A_133 = tpu.memref_slice %arg8[%add3A_129, %dma_wait3A_132] : memref<10240x128xf32, #tpu.memory_space<vmem_shared>> -> memref<128x128xf32, #tpu.memory_space<vmem_shared>>
    tpu.wait_dma2 semaphore(%arg10 : memref<!tpu.dma_semaphore, #tpu.memory_space<semaphore_mem>>) src(%dma_wait3A_133 : memref<128x128xf32, #tpu.memory_space<vmem_shared>>) dst(%arg7 : memref<128x128xf32, #tpu.memory_space<vmem>>)
    "tpu.region"() ({
      %run_scoped3A_134 = tpu.sem_alloc : memref<!tpu.dma_semaphore, #tpu.memory_space<semaphore_mem>>
      %dma_start3A_135 = arith.constant 0 : i32
      %dma_start3A_136 = tpu.memref_slice %arg4[%arg0, %add3A_129, %dma_start3A_135] : memref<2x10240x128xf32, #tpu.memory_space<hbm>> -> memref<1x128x128xf32, #tpu.memory_space<hbm>>
      %dma_start3A_137 = tpu.memref_squeeze %dma_start3A_136 : memref<1x128x128xf32, #tpu.memory_space<hbm>> -> memref<128x128xf32, #tpu.memory_space<hbm>>
      %dma_start3A_138 = arith.constant 0 : i32
      %dma_start3A_139 = tpu.memref_slice %arg4[%arg0, %add3A_129, %dma_start3A_138] : memref<2x10240x128xf32, #tpu.memory_space<hbm>> -> memref<1x128x128xf32, #tpu.memory_space<hbm>>
      %dma_start3A_140 = tpu.memref_squeeze %dma_start3A_139 : memref<1x128x128xf32, #tpu.memory_space<hbm>> -> memref<128x128xf32, #tpu.memory_space<hbm>>
      tpu.enqueue_dma source(%arg7 : memref<128x128xf32, #tpu.memory_space<vmem>>) target(%dma_start3A_140 : memref<128x128xf32, #tpu.memory_space<hbm>>) target_semaphore(%run_scoped3A_134 : memref<!tpu.dma_semaphore, #tpu.memory_space<semaphore_mem>>)
      %dma_wait3A_141 = arith.constant 0 : i32
      %dma_wait3A_142 = tpu.memref_slice %arg4[%arg0, %add3A_129, %dma_wait3A_141] : memref<2x10240x128xf32, #tpu.memory_space<hbm>> -> memref<1x128x128xf32, #tpu.memory_space<hbm>>
      %dma_wait3A_143 = tpu.memref_squeeze %dma_wait3A_142 : memref<1x128x128xf32, #tpu.memory_space<hbm>> -> memref<128x128xf32, #tpu.memory_space<hbm>>
      %dma_wait3A_144 = arith.constant 0 : i32
      %dma_wait3A_145 = tpu.memref_slice %arg4[%arg0, %add3A_129, %dma_wait3A_144] : memref<2x10240x128xf32, #tpu.memory_space<hbm>> -> memref<1x128x128xf32, #tpu.memory_space<hbm>>
      %dma_wait3A_146 = tpu.memref_squeeze %dma_wait3A_145 : memref<1x128x128xf32, #tpu.memory_space<hbm>> -> memref<128x128xf32, #tpu.memory_space<hbm>>
      tpu.wait_dma2 semaphore(%run_scoped3A_134 : memref<!tpu.dma_semaphore, #tpu.memory_space<semaphore_mem>>) src(%arg7 : memref<128x128xf32, #tpu.memory_space<vmem>>) dst(%dma_wait3A_146 : memref<128x128xf32, #tpu.memory_space<hbm>>)
      tpu.yield
    }) : () -> ()
    return
  }
}

#map = affine_map<(d0, d1) -> (0, 0)>
#map1 = affine_map<(d0, d1) -> (0, 0, 0)>
module attributes {stable_mosaic.version = 14 : i64} {
  func.func @_msg_body(%arg0: i32, %arg1: i32, %arg2: memref<10240x128xf32, #tpu.memory_space<hbm>>, %arg3: memref<32x79x128xi32, #tpu.memory_space<hbm>>, %arg4: memref<32x79x128xi32, #tpu.memory_space<hbm>>, %arg5: memref<2x10240x128xf32, #tpu.memory_space<hbm>>, %arg6: memref<40x128xi32, #tpu.memory_space<vmem>>, %arg7: memref<40x128xi32, #tpu.memory_space<vmem>>, %arg8: memref<128x128xf32, #tpu.memory_space<vmem>>, %arg9: memref<128x128xf32, #tpu.memory_space<vmem>>, %arg10: memref<10240x128xf32, #tpu.memory_space<vmem_shared>>, %arg11: memref<!tpu.dma_semaphore, #tpu.memory_space<semaphore_mem>>, %arg12: memref<!tpu.dma_semaphore, #tpu.memory_space<semaphore_mem>>) attributes {dimension_semantics = [#tpu.dimension_semantics<core_parallel>, #tpu.dimension_semantics<subcore_parallel>], iteration_bounds = array<i64: 2, 16>, scalar_prefetch = 0 : i64, scratch_operands = 7 : i64, tpu.core_type = #tpu.core_type<sc_vector_subcore>, window_params = [{transform_indices = #map}, {transform_indices = #map1}, {transform_indices = #map1}, {transform_indices = #map1}]} {
    %mul3A = arith.constant 2 : i32
    %mul3A_0 = arith.muli %arg1, %mul3A : i32
    %add3A = arith.addi %mul3A_0, %arg0 : i32
    %mul3A_1 = arith.constant 640 : i32
    %mul3A_2 = arith.muli %arg1, %mul3A_1 : i32
    %dma_start3A = arith.constant 0 : i32
    %dma_start3A_3 = tpu.memref_slice %arg2[%mul3A_2, %dma_start3A] : memref<10240x128xf32, #tpu.memory_space<hbm>> -> memref<128x128xf32, #tpu.memory_space<hbm>>
    %dma_start3A_4 = arith.constant 0 : i32
    %dma_start3A_5 = tpu.memref_slice %arg2[%mul3A_2, %dma_start3A_4] : memref<10240x128xf32, #tpu.memory_space<hbm>> -> memref<128x128xf32, #tpu.memory_space<hbm>>
    tpu.enqueue_dma source(%dma_start3A_5 : memref<128x128xf32, #tpu.memory_space<hbm>>) target(%arg8 : memref<128x128xf32, #tpu.memory_space<vmem>>) target_semaphore(%arg11 : memref<!tpu.dma_semaphore, #tpu.memory_space<semaphore_mem>>)
    %add3A_6 = arith.constant 0 : i32
    %add3A_7 = arith.addi %mul3A_2, %add3A_6 : i32
    %dma_wait3A = arith.constant 0 : i32
    %dma_wait3A_8 = tpu.memref_slice %arg2[%add3A_7, %dma_wait3A] : memref<10240x128xf32, #tpu.memory_space<hbm>> -> memref<128x128xf32, #tpu.memory_space<hbm>>
    %dma_wait3A_9 = arith.constant 0 : i32
    %dma_wait3A_10 = tpu.memref_slice %arg2[%add3A_7, %dma_wait3A_9] : memref<10240x128xf32, #tpu.memory_space<hbm>> -> memref<128x128xf32, #tpu.memory_space<hbm>>
    tpu.wait_dma2 semaphore(%arg11 : memref<!tpu.dma_semaphore, #tpu.memory_space<semaphore_mem>>) src(%dma_wait3A_10 : memref<128x128xf32, #tpu.memory_space<hbm>>) dst(%arg8 : memref<128x128xf32, #tpu.memory_space<vmem>>)
    %add3A_11 = arith.constant 128 : i32
    %add3A_12 = arith.addi %add3A_7, %add3A_11 : i32
    %dma_start3A_13 = arith.constant 0 : i32
    %dma_start3A_14 = tpu.memref_slice %arg2[%add3A_12, %dma_start3A_13] : memref<10240x128xf32, #tpu.memory_space<hbm>> -> memref<128x128xf32, #tpu.memory_space<hbm>>
    %dma_start3A_15 = arith.constant 0 : i32
    %dma_start3A_16 = tpu.memref_slice %arg2[%add3A_12, %dma_start3A_15] : memref<10240x128xf32, #tpu.memory_space<hbm>> -> memref<128x128xf32, #tpu.memory_space<hbm>>
    tpu.enqueue_dma source(%dma_start3A_16 : memref<128x128xf32, #tpu.memory_space<hbm>>) target(%arg9 : memref<128x128xf32, #tpu.memory_space<vmem>>) target_semaphore(%arg12 : memref<!tpu.dma_semaphore, #tpu.memory_space<semaphore_mem>>)
    "tpu.region"() ({
      %run_scoped3A_173 = tpu.sem_alloc : memref<!tpu.dma_semaphore, #tpu.memory_space<semaphore_mem>>
      %dma_start3A_174 = arith.constant 0 : i32
      %dma_start3A_175 = tpu.memref_slice %arg10[%add3A_7, %dma_start3A_174] : memref<10240x128xf32, #tpu.memory_space<vmem_shared>> -> memref<128x128xf32, #tpu.memory_space<vmem_shared>>
      %dma_start3A_176 = arith.constant 0 : i32
      %dma_start3A_177 = tpu.memref_slice %arg10[%add3A_7, %dma_start3A_176] : memref<10240x128xf32, #tpu.memory_space<vmem_shared>> -> memref<128x128xf32, #tpu.memory_space<vmem_shared>>
      tpu.enqueue_dma source(%arg8 : memref<128x128xf32, #tpu.memory_space<vmem>>) target(%dma_start3A_177 : memref<128x128xf32, #tpu.memory_space<vmem_shared>>) target_semaphore(%run_scoped3A_173 : memref<!tpu.dma_semaphore, #tpu.memory_space<semaphore_mem>>)
      %dma_wait3A_178 = arith.constant 0 : i32
      %dma_wait3A_179 = tpu.memref_slice %arg10[%add3A_7, %dma_wait3A_178] : memref<10240x128xf32, #tpu.memory_space<vmem_shared>> -> memref<128x128xf32, #tpu.memory_space<vmem_shared>>
      %dma_wait3A_180 = arith.constant 0 : i32
      %dma_wait3A_181 = tpu.memref_slice %arg10[%add3A_7, %dma_wait3A_180] : memref<10240x128xf32, #tpu.memory_space<vmem_shared>> -> memref<128x128xf32, #tpu.memory_space<vmem_shared>>
      tpu.wait_dma2 semaphore(%run_scoped3A_173 : memref<!tpu.dma_semaphore, #tpu.memory_space<semaphore_mem>>) src(%arg8 : memref<128x128xf32, #tpu.memory_space<vmem>>) dst(%dma_wait3A_181 : memref<128x128xf32, #tpu.memory_space<vmem_shared>>)
      tpu.yield
    }) : () -> ()
    %add3A_17 = arith.constant 128 : i32
    %add3A_18 = arith.addi %mul3A_2, %add3A_17 : i32
    %dma_wait3A_19 = arith.constant 0 : i32
    %dma_wait3A_20 = tpu.memref_slice %arg2[%add3A_18, %dma_wait3A_19] : memref<10240x128xf32, #tpu.memory_space<hbm>> -> memref<128x128xf32, #tpu.memory_space<hbm>>
    %dma_wait3A_21 = arith.constant 0 : i32
    %dma_wait3A_22 = tpu.memref_slice %arg2[%add3A_18, %dma_wait3A_21] : memref<10240x128xf32, #tpu.memory_space<hbm>> -> memref<128x128xf32, #tpu.memory_space<hbm>>
    tpu.wait_dma2 semaphore(%arg12 : memref<!tpu.dma_semaphore, #tpu.memory_space<semaphore_mem>>) src(%dma_wait3A_22 : memref<128x128xf32, #tpu.memory_space<hbm>>) dst(%arg9 : memref<128x128xf32, #tpu.memory_space<vmem>>)
    %add3A_23 = arith.constant 128 : i32
    %add3A_24 = arith.addi %add3A_18, %add3A_23 : i32
    %dma_start3A_25 = arith.constant 0 : i32
    %dma_start3A_26 = tpu.memref_slice %arg2[%add3A_24, %dma_start3A_25] : memref<10240x128xf32, #tpu.memory_space<hbm>> -> memref<128x128xf32, #tpu.memory_space<hbm>>
    %dma_start3A_27 = arith.constant 0 : i32
    %dma_start3A_28 = tpu.memref_slice %arg2[%add3A_24, %dma_start3A_27] : memref<10240x128xf32, #tpu.memory_space<hbm>> -> memref<128x128xf32, #tpu.memory_space<hbm>>
    tpu.enqueue_dma source(%dma_start3A_28 : memref<128x128xf32, #tpu.memory_space<hbm>>) target(%arg8 : memref<128x128xf32, #tpu.memory_space<vmem>>) target_semaphore(%arg11 : memref<!tpu.dma_semaphore, #tpu.memory_space<semaphore_mem>>)
    "tpu.region"() ({
      %run_scoped3A_173 = tpu.sem_alloc : memref<!tpu.dma_semaphore, #tpu.memory_space<semaphore_mem>>
      %dma_start3A_174 = arith.constant 0 : i32
      %dma_start3A_175 = tpu.memref_slice %arg10[%add3A_18, %dma_start3A_174] : memref<10240x128xf32, #tpu.memory_space<vmem_shared>> -> memref<128x128xf32, #tpu.memory_space<vmem_shared>>
      %dma_start3A_176 = arith.constant 0 : i32
      %dma_start3A_177 = tpu.memref_slice %arg10[%add3A_18, %dma_start3A_176] : memref<10240x128xf32, #tpu.memory_space<vmem_shared>> -> memref<128x128xf32, #tpu.memory_space<vmem_shared>>
      tpu.enqueue_dma source(%arg9 : memref<128x128xf32, #tpu.memory_space<vmem>>) target(%dma_start3A_177 : memref<128x128xf32, #tpu.memory_space<vmem_shared>>) target_semaphore(%run_scoped3A_173 : memref<!tpu.dma_semaphore, #tpu.memory_space<semaphore_mem>>)
      %dma_wait3A_178 = arith.constant 0 : i32
      %dma_wait3A_179 = tpu.memref_slice %arg10[%add3A_18, %dma_wait3A_178] : memref<10240x128xf32, #tpu.memory_space<vmem_shared>> -> memref<128x128xf32, #tpu.memory_space<vmem_shared>>
      %dma_wait3A_180 = arith.constant 0 : i32
      %dma_wait3A_181 = tpu.memref_slice %arg10[%add3A_18, %dma_wait3A_180] : memref<10240x128xf32, #tpu.memory_space<vmem_shared>> -> memref<128x128xf32, #tpu.memory_space<vmem_shared>>
      tpu.wait_dma2 semaphore(%run_scoped3A_173 : memref<!tpu.dma_semaphore, #tpu.memory_space<semaphore_mem>>) src(%arg9 : memref<128x128xf32, #tpu.memory_space<vmem>>) dst(%dma_wait3A_181 : memref<128x128xf32, #tpu.memory_space<vmem_shared>>)
      tpu.yield
    }) : () -> ()
    %add3A_29 = arith.constant 256 : i32
    %add3A_30 = arith.addi %mul3A_2, %add3A_29 : i32
    %dma_wait3A_31 = arith.constant 0 : i32
    %dma_wait3A_32 = tpu.memref_slice %arg2[%add3A_30, %dma_wait3A_31] : memref<10240x128xf32, #tpu.memory_space<hbm>> -> memref<128x128xf32, #tpu.memory_space<hbm>>
    %dma_wait3A_33 = arith.constant 0 : i32
    %dma_wait3A_34 = tpu.memref_slice %arg2[%add3A_30, %dma_wait3A_33] : memref<10240x128xf32, #tpu.memory_space<hbm>> -> memref<128x128xf32, #tpu.memory_space<hbm>>
    tpu.wait_dma2 semaphore(%arg11 : memref<!tpu.dma_semaphore, #tpu.memory_space<semaphore_mem>>) src(%dma_wait3A_34 : memref<128x128xf32, #tpu.memory_space<hbm>>) dst(%arg8 : memref<128x128xf32, #tpu.memory_space<vmem>>)
    %add3A_35 = arith.constant 128 : i32
    %add3A_36 = arith.addi %add3A_30, %add3A_35 : i32
    %dma_start3A_37 = arith.constant 0 : i32
    %dma_start3A_38 = tpu.memref_slice %arg2[%add3A_36, %dma_start3A_37] : memref<10240x128xf32, #tpu.memory_space<hbm>> -> memref<128x128xf32, #tpu.memory_space<hbm>>
    %dma_start3A_39 = arith.constant 0 : i32
    %dma_start3A_40 = tpu.memref_slice %arg2[%add3A_36, %dma_start3A_39] : memref<10240x128xf32, #tpu.memory_space<hbm>> -> memref<128x128xf32, #tpu.memory_space<hbm>>
    tpu.enqueue_dma source(%dma_start3A_40 : memref<128x128xf32, #tpu.memory_space<hbm>>) target(%arg9 : memref<128x128xf32, #tpu.memory_space<vmem>>) target_semaphore(%arg12 : memref<!tpu.dma_semaphore, #tpu.memory_space<semaphore_mem>>)
    "tpu.region"() ({
      %run_scoped3A_173 = tpu.sem_alloc : memref<!tpu.dma_semaphore, #tpu.memory_space<semaphore_mem>>
      %dma_start3A_174 = arith.constant 0 : i32
      %dma_start3A_175 = tpu.memref_slice %arg10[%add3A_30, %dma_start3A_174] : memref<10240x128xf32, #tpu.memory_space<vmem_shared>> -> memref<128x128xf32, #tpu.memory_space<vmem_shared>>
      %dma_start3A_176 = arith.constant 0 : i32
      %dma_start3A_177 = tpu.memref_slice %arg10[%add3A_30, %dma_start3A_176] : memref<10240x128xf32, #tpu.memory_space<vmem_shared>> -> memref<128x128xf32, #tpu.memory_space<vmem_shared>>
      tpu.enqueue_dma source(%arg8 : memref<128x128xf32, #tpu.memory_space<vmem>>) target(%dma_start3A_177 : memref<128x128xf32, #tpu.memory_space<vmem_shared>>) target_semaphore(%run_scoped3A_173 : memref<!tpu.dma_semaphore, #tpu.memory_space<semaphore_mem>>)
      %dma_wait3A_178 = arith.constant 0 : i32
      %dma_wait3A_179 = tpu.memref_slice %arg10[%add3A_30, %dma_wait3A_178] : memref<10240x128xf32, #tpu.memory_space<vmem_shared>> -> memref<128x128xf32, #tpu.memory_space<vmem_shared>>
      %dma_wait3A_180 = arith.constant 0 : i32
      %dma_wait3A_181 = tpu.memref_slice %arg10[%add3A_30, %dma_wait3A_180] : memref<10240x128xf32, #tpu.memory_space<vmem_shared>> -> memref<128x128xf32, #tpu.memory_space<vmem_shared>>
      tpu.wait_dma2 semaphore(%run_scoped3A_173 : memref<!tpu.dma_semaphore, #tpu.memory_space<semaphore_mem>>) src(%arg8 : memref<128x128xf32, #tpu.memory_space<vmem>>) dst(%dma_wait3A_181 : memref<128x128xf32, #tpu.memory_space<vmem_shared>>)
      tpu.yield
    }) : () -> ()
    %add3A_41 = arith.constant 384 : i32
    %add3A_42 = arith.addi %mul3A_2, %add3A_41 : i32
    %dma_wait3A_43 = arith.constant 0 : i32
    %dma_wait3A_44 = tpu.memref_slice %arg2[%add3A_42, %dma_wait3A_43] : memref<10240x128xf32, #tpu.memory_space<hbm>> -> memref<128x128xf32, #tpu.memory_space<hbm>>
    %dma_wait3A_45 = arith.constant 0 : i32
    %dma_wait3A_46 = tpu.memref_slice %arg2[%add3A_42, %dma_wait3A_45] : memref<10240x128xf32, #tpu.memory_space<hbm>> -> memref<128x128xf32, #tpu.memory_space<hbm>>
    tpu.wait_dma2 semaphore(%arg12 : memref<!tpu.dma_semaphore, #tpu.memory_space<semaphore_mem>>) src(%dma_wait3A_46 : memref<128x128xf32, #tpu.memory_space<hbm>>) dst(%arg9 : memref<128x128xf32, #tpu.memory_space<vmem>>)
    %add3A_47 = arith.constant 128 : i32
    %add3A_48 = arith.addi %add3A_42, %add3A_47 : i32
    %dma_start3A_49 = arith.constant 0 : i32
    %dma_start3A_50 = tpu.memref_slice %arg2[%add3A_48, %dma_start3A_49] : memref<10240x128xf32, #tpu.memory_space<hbm>> -> memref<128x128xf32, #tpu.memory_space<hbm>>
    %dma_start3A_51 = arith.constant 0 : i32
    %dma_start3A_52 = tpu.memref_slice %arg2[%add3A_48, %dma_start3A_51] : memref<10240x128xf32, #tpu.memory_space<hbm>> -> memref<128x128xf32, #tpu.memory_space<hbm>>
    tpu.enqueue_dma source(%dma_start3A_52 : memref<128x128xf32, #tpu.memory_space<hbm>>) target(%arg8 : memref<128x128xf32, #tpu.memory_space<vmem>>) target_semaphore(%arg11 : memref<!tpu.dma_semaphore, #tpu.memory_space<semaphore_mem>>)
    "tpu.region"() ({
      %run_scoped3A_173 = tpu.sem_alloc : memref<!tpu.dma_semaphore, #tpu.memory_space<semaphore_mem>>
      %dma_start3A_174 = arith.constant 0 : i32
      %dma_start3A_175 = tpu.memref_slice %arg10[%add3A_42, %dma_start3A_174] : memref<10240x128xf32, #tpu.memory_space<vmem_shared>> -> memref<128x128xf32, #tpu.memory_space<vmem_shared>>
      %dma_start3A_176 = arith.constant 0 : i32
      %dma_start3A_177 = tpu.memref_slice %arg10[%add3A_42, %dma_start3A_176] : memref<10240x128xf32, #tpu.memory_space<vmem_shared>> -> memref<128x128xf32, #tpu.memory_space<vmem_shared>>
      tpu.enqueue_dma source(%arg9 : memref<128x128xf32, #tpu.memory_space<vmem>>) target(%dma_start3A_177 : memref<128x128xf32, #tpu.memory_space<vmem_shared>>) target_semaphore(%run_scoped3A_173 : memref<!tpu.dma_semaphore, #tpu.memory_space<semaphore_mem>>)
      %dma_wait3A_178 = arith.constant 0 : i32
      %dma_wait3A_179 = tpu.memref_slice %arg10[%add3A_42, %dma_wait3A_178] : memref<10240x128xf32, #tpu.memory_space<vmem_shared>> -> memref<128x128xf32, #tpu.memory_space<vmem_shared>>
      %dma_wait3A_180 = arith.constant 0 : i32
      %dma_wait3A_181 = tpu.memref_slice %arg10[%add3A_42, %dma_wait3A_180] : memref<10240x128xf32, #tpu.memory_space<vmem_shared>> -> memref<128x128xf32, #tpu.memory_space<vmem_shared>>
      tpu.wait_dma2 semaphore(%run_scoped3A_173 : memref<!tpu.dma_semaphore, #tpu.memory_space<semaphore_mem>>) src(%arg9 : memref<128x128xf32, #tpu.memory_space<vmem>>) dst(%dma_wait3A_181 : memref<128x128xf32, #tpu.memory_space<vmem_shared>>)
      tpu.yield
    }) : () -> ()
    %add3A_53 = arith.constant 512 : i32
    %add3A_54 = arith.addi %mul3A_2, %add3A_53 : i32
    %dma_wait3A_55 = arith.constant 0 : i32
    %dma_wait3A_56 = tpu.memref_slice %arg2[%add3A_54, %dma_wait3A_55] : memref<10240x128xf32, #tpu.memory_space<hbm>> -> memref<128x128xf32, #tpu.memory_space<hbm>>
    %dma_wait3A_57 = arith.constant 0 : i32
    %dma_wait3A_58 = tpu.memref_slice %arg2[%add3A_54, %dma_wait3A_57] : memref<10240x128xf32, #tpu.memory_space<hbm>> -> memref<128x128xf32, #tpu.memory_space<hbm>>
    tpu.wait_dma2 semaphore(%arg11 : memref<!tpu.dma_semaphore, #tpu.memory_space<semaphore_mem>>) src(%dma_wait3A_58 : memref<128x128xf32, #tpu.memory_space<hbm>>) dst(%arg8 : memref<128x128xf32, #tpu.memory_space<vmem>>)
    "tpu.region"() ({
      %run_scoped3A_173 = tpu.sem_alloc : memref<!tpu.dma_semaphore, #tpu.memory_space<semaphore_mem>>
      %dma_start3A_174 = arith.constant 0 : i32
      %dma_start3A_175 = tpu.memref_slice %arg10[%add3A_54, %dma_start3A_174] : memref<10240x128xf32, #tpu.memory_space<vmem_shared>> -> memref<128x128xf32, #tpu.memory_space<vmem_shared>>
      %dma_start3A_176 = arith.constant 0 : i32
      %dma_start3A_177 = tpu.memref_slice %arg10[%add3A_54, %dma_start3A_176] : memref<10240x128xf32, #tpu.memory_space<vmem_shared>> -> memref<128x128xf32, #tpu.memory_space<vmem_shared>>
      tpu.enqueue_dma source(%arg8 : memref<128x128xf32, #tpu.memory_space<vmem>>) target(%dma_start3A_177 : memref<128x128xf32, #tpu.memory_space<vmem_shared>>) target_semaphore(%run_scoped3A_173 : memref<!tpu.dma_semaphore, #tpu.memory_space<semaphore_mem>>)
      %dma_wait3A_178 = arith.constant 0 : i32
      %dma_wait3A_179 = tpu.memref_slice %arg10[%add3A_54, %dma_wait3A_178] : memref<10240x128xf32, #tpu.memory_space<vmem_shared>> -> memref<128x128xf32, #tpu.memory_space<vmem_shared>>
      %dma_wait3A_180 = arith.constant 0 : i32
      %dma_wait3A_181 = tpu.memref_slice %arg10[%add3A_54, %dma_wait3A_180] : memref<10240x128xf32, #tpu.memory_space<vmem_shared>> -> memref<128x128xf32, #tpu.memory_space<vmem_shared>>
      tpu.wait_dma2 semaphore(%run_scoped3A_173 : memref<!tpu.dma_semaphore, #tpu.memory_space<semaphore_mem>>) src(%arg8 : memref<128x128xf32, #tpu.memory_space<vmem>>) dst(%dma_wait3A_181 : memref<128x128xf32, #tpu.memory_space<vmem_shared>>)
      tpu.yield
    }) : () -> ()
    %barrier3A = arith.constant 0 : index
    tpu.barrier barrier_id(%barrier3A)
    "tpu.region"() ({
      %run_scoped3A_173 = tpu.sem_alloc : memref<!tpu.dma_semaphore, #tpu.memory_space<semaphore_mem>>
      %dma_start3A_174 = arith.constant 0 : i32
      %dma_start3A_175 = arith.constant 0 : i32
      %dma_start3A_176 = tpu.memref_slice %arg6[%dma_start3A_174, %dma_start3A_175] : memref<40x128xi32, #tpu.memory_space<vmem>> -> memref<40x128xi32, #tpu.memory_space<vmem>>
      %dma_start3A_177 = arith.constant 0 : i32
      %dma_start3A_178 = arith.constant 0 : i32
      %dma_start3A_179 = tpu.memref_slice %arg3[%add3A, %dma_start3A_177, %dma_start3A_178] : memref<32x79x128xi32, #tpu.memory_space<hbm>> -> memref<1x40x128xi32, #tpu.memory_space<hbm>>
      %dma_start3A_180 = tpu.memref_squeeze %dma_start3A_179 : memref<1x40x128xi32, #tpu.memory_space<hbm>> -> memref<40x128xi32, #tpu.memory_space<hbm>>
      %dma_start3A_181 = arith.constant 0 : i32
      %dma_start3A_182 = arith.constant 0 : i32
      %dma_start3A_183 = tpu.memref_slice %arg6[%dma_start3A_181, %dma_start3A_182] : memref<40x128xi32, #tpu.memory_space<vmem>> -> memref<40x128xi32, #tpu.memory_space<vmem>>
      %dma_start3A_184 = arith.constant 0 : i32
      %dma_start3A_185 = arith.constant 0 : i32
      %dma_start3A_186 = tpu.memref_slice %arg3[%add3A, %dma_start3A_184, %dma_start3A_185] : memref<32x79x128xi32, #tpu.memory_space<hbm>> -> memref<1x40x128xi32, #tpu.memory_space<hbm>>
      %dma_start3A_187 = tpu.memref_squeeze %dma_start3A_186 : memref<1x40x128xi32, #tpu.memory_space<hbm>> -> memref<40x128xi32, #tpu.memory_space<hbm>>
      tpu.enqueue_dma source(%dma_start3A_187 : memref<40x128xi32, #tpu.memory_space<hbm>>) target(%dma_start3A_183 : memref<40x128xi32, #tpu.memory_space<vmem>>) target_semaphore(%run_scoped3A_173 : memref<!tpu.dma_semaphore, #tpu.memory_space<semaphore_mem>>)
      %dma_wait3A_188 = arith.constant 0 : i32
      %dma_wait3A_189 = arith.constant 0 : i32
      %dma_wait3A_190 = tpu.memref_slice %arg6[%dma_wait3A_188, %dma_wait3A_189] : memref<40x128xi32, #tpu.memory_space<vmem>> -> memref<40x128xi32, #tpu.memory_space<vmem>>
      %dma_wait3A_191 = arith.constant 0 : i32
      %dma_wait3A_192 = arith.constant 0 : i32
      %dma_wait3A_193 = tpu.memref_slice %arg3[%add3A, %dma_wait3A_191, %dma_wait3A_192] : memref<32x79x128xi32, #tpu.memory_space<hbm>> -> memref<1x40x128xi32, #tpu.memory_space<hbm>>
      %dma_wait3A_194 = tpu.memref_squeeze %dma_wait3A_193 : memref<1x40x128xi32, #tpu.memory_space<hbm>> -> memref<40x128xi32, #tpu.memory_space<hbm>>
      %dma_wait3A_195 = arith.constant 0 : i32
      %dma_wait3A_196 = arith.constant 0 : i32
      %dma_wait3A_197 = tpu.memref_slice %arg6[%dma_wait3A_195, %dma_wait3A_196] : memref<40x128xi32, #tpu.memory_space<vmem>> -> memref<40x128xi32, #tpu.memory_space<vmem>>
      %dma_wait3A_198 = arith.constant 0 : i32
      %dma_wait3A_199 = arith.constant 0 : i32
      %dma_wait3A_200 = tpu.memref_slice %arg3[%add3A, %dma_wait3A_198, %dma_wait3A_199] : memref<32x79x128xi32, #tpu.memory_space<hbm>> -> memref<1x40x128xi32, #tpu.memory_space<hbm>>
      %dma_wait3A_201 = tpu.memref_squeeze %dma_wait3A_200 : memref<1x40x128xi32, #tpu.memory_space<hbm>> -> memref<40x128xi32, #tpu.memory_space<hbm>>
      tpu.wait_dma2 semaphore(%run_scoped3A_173 : memref<!tpu.dma_semaphore, #tpu.memory_space<semaphore_mem>>) src(%dma_wait3A_201 : memref<40x128xi32, #tpu.memory_space<hbm>>) dst(%dma_wait3A_197 : memref<40x128xi32, #tpu.memory_space<vmem>>)
      tpu.yield
    }) : () -> ()
    "tpu.region"() ({
      %run_scoped3A_173 = tpu.sem_alloc : memref<!tpu.dma_semaphore, #tpu.memory_space<semaphore_mem>>
      %dma_start3A_174 = arith.constant 0 : i32
      %dma_start3A_175 = arith.constant 0 : i32
      %dma_start3A_176 = tpu.memref_slice %arg7[%dma_start3A_174, %dma_start3A_175] : memref<40x128xi32, #tpu.memory_space<vmem>> -> memref<40x128xi32, #tpu.memory_space<vmem>>
      %dma_start3A_177 = arith.constant 0 : i32
      %dma_start3A_178 = arith.constant 0 : i32
      %dma_start3A_179 = tpu.memref_slice %arg4[%add3A, %dma_start3A_177, %dma_start3A_178] : memref<32x79x128xi32, #tpu.memory_space<hbm>> -> memref<1x40x128xi32, #tpu.memory_space<hbm>>
      %dma_start3A_180 = tpu.memref_squeeze %dma_start3A_179 : memref<1x40x128xi32, #tpu.memory_space<hbm>> -> memref<40x128xi32, #tpu.memory_space<hbm>>
      %dma_start3A_181 = arith.constant 0 : i32
      %dma_start3A_182 = arith.constant 0 : i32
      %dma_start3A_183 = tpu.memref_slice %arg7[%dma_start3A_181, %dma_start3A_182] : memref<40x128xi32, #tpu.memory_space<vmem>> -> memref<40x128xi32, #tpu.memory_space<vmem>>
      %dma_start3A_184 = arith.constant 0 : i32
      %dma_start3A_185 = arith.constant 0 : i32
      %dma_start3A_186 = tpu.memref_slice %arg4[%add3A, %dma_start3A_184, %dma_start3A_185] : memref<32x79x128xi32, #tpu.memory_space<hbm>> -> memref<1x40x128xi32, #tpu.memory_space<hbm>>
      %dma_start3A_187 = tpu.memref_squeeze %dma_start3A_186 : memref<1x40x128xi32, #tpu.memory_space<hbm>> -> memref<40x128xi32, #tpu.memory_space<hbm>>
      tpu.enqueue_dma source(%dma_start3A_187 : memref<40x128xi32, #tpu.memory_space<hbm>>) target(%dma_start3A_183 : memref<40x128xi32, #tpu.memory_space<vmem>>) target_semaphore(%run_scoped3A_173 : memref<!tpu.dma_semaphore, #tpu.memory_space<semaphore_mem>>)
      %dma_wait3A_188 = arith.constant 0 : i32
      %dma_wait3A_189 = arith.constant 0 : i32
      %dma_wait3A_190 = tpu.memref_slice %arg7[%dma_wait3A_188, %dma_wait3A_189] : memref<40x128xi32, #tpu.memory_space<vmem>> -> memref<40x128xi32, #tpu.memory_space<vmem>>
      %dma_wait3A_191 = arith.constant 0 : i32
      %dma_wait3A_192 = arith.constant 0 : i32
      %dma_wait3A_193 = tpu.memref_slice %arg4[%add3A, %dma_wait3A_191, %dma_wait3A_192] : memref<32x79x128xi32, #tpu.memory_space<hbm>> -> memref<1x40x128xi32, #tpu.memory_space<hbm>>
      %dma_wait3A_194 = tpu.memref_squeeze %dma_wait3A_193 : memref<1x40x128xi32, #tpu.memory_space<hbm>> -> memref<40x128xi32, #tpu.memory_space<hbm>>
      %dma_wait3A_195 = arith.constant 0 : i32
      %dma_wait3A_196 = arith.constant 0 : i32
      %dma_wait3A_197 = tpu.memref_slice %arg7[%dma_wait3A_195, %dma_wait3A_196] : memref<40x128xi32, #tpu.memory_space<vmem>> -> memref<40x128xi32, #tpu.memory_space<vmem>>
      %dma_wait3A_198 = arith.constant 0 : i32
      %dma_wait3A_199 = arith.constant 0 : i32
      %dma_wait3A_200 = tpu.memref_slice %arg4[%add3A, %dma_wait3A_198, %dma_wait3A_199] : memref<32x79x128xi32, #tpu.memory_space<hbm>> -> memref<1x40x128xi32, #tpu.memory_space<hbm>>
      %dma_wait3A_201 = tpu.memref_squeeze %dma_wait3A_200 : memref<1x40x128xi32, #tpu.memory_space<hbm>> -> memref<40x128xi32, #tpu.memory_space<hbm>>
      tpu.wait_dma2 semaphore(%run_scoped3A_173 : memref<!tpu.dma_semaphore, #tpu.memory_space<semaphore_mem>>) src(%dma_wait3A_201 : memref<40x128xi32, #tpu.memory_space<hbm>>) dst(%dma_wait3A_197 : memref<40x128xi32, #tpu.memory_space<vmem>>)
      tpu.yield
    }) : () -> ()
    %dma_start3A_59 = arith.constant 0 : i32
    %dma_start3A_60 = arith.constant 0 : i32
    %dma_start3A_61 = tpu.memref_slice %arg6[%dma_start3A_59, %dma_start3A_60] : memref<40x128xi32, #tpu.memory_space<vmem>> -> memref<1x128xi32, #tpu.memory_space<vmem>>
    %dma_start3A_62 = tpu.memref_squeeze %dma_start3A_61 : memref<1x128xi32, #tpu.memory_space<vmem>> -> memref<128xi32, #tpu.memory_space<vmem>>
    %dma_start3A_63 = arith.constant 0 : i32
    %dma_start3A_64 = arith.constant 0 : i32
    %dma_start3A_65 = tpu.memref_slice %arg2[%dma_start3A_63, %dma_start3A_64] : memref<10240x128xf32, #tpu.memory_space<hbm>> -> memref<10240x128xf32, #tpu.memory_space<hbm>>
    tpu.enqueue_indirect_dma source(%dma_start3A_65 : memref<10240x128xf32, #tpu.memory_space<hbm>>) target(%arg8 : memref<128x128xf32, #tpu.memory_space<vmem>>) offsets(%dma_start3A_62 : memref<128xi32, #tpu.memory_space<vmem>>) semaphore(%arg11 : memref<!tpu.dma_semaphore, #tpu.memory_space<semaphore_mem>>)
    %scan3A = arith.constant 0 : i32
    %scan3A_66 = arith.constant 0 : i32
    %scan3A_67 = arith.constant 19 : i32
    %scan3A_68 = arith.addi %scan3A_66, %scan3A_67 : i32
    %scan3A_69 = arith.constant 1 : i32
    scf.for %scan3A_173 = %scan3A_66 to %scan3A_68 step %scan3A_69  : i32 {
      %mul3A_174 = arith.constant 2 : i32
      %mul3A_175 = arith.muli %mul3A_174, %scan3A_173 : i32
      %add3A_176 = arith.constant 1 : i32
      %add3A_177 = arith.addi %mul3A_175, %add3A_176 : i32
      %dma_start3A_178 = arith.constant 0 : i32
      %dma_start3A_179 = tpu.memref_slice %arg6[%add3A_177, %dma_start3A_178] : memref<40x128xi32, #tpu.memory_space<vmem>> -> memref<1x128xi32, #tpu.memory_space<vmem>>
      %dma_start3A_180 = tpu.memref_squeeze %dma_start3A_179 : memref<1x128xi32, #tpu.memory_space<vmem>> -> memref<128xi32, #tpu.memory_space<vmem>>
      %dma_start3A_181 = arith.constant 0 : i32
      %dma_start3A_182 = arith.constant 0 : i32
      %dma_start3A_183 = tpu.memref_slice %arg2[%dma_start3A_181, %dma_start3A_182] : memref<10240x128xf32, #tpu.memory_space<hbm>> -> memref<10240x128xf32, #tpu.memory_space<hbm>>
      tpu.enqueue_indirect_dma source(%dma_start3A_183 : memref<10240x128xf32, #tpu.memory_space<hbm>>) target(%arg9 : memref<128x128xf32, #tpu.memory_space<vmem>>) offsets(%dma_start3A_180 : memref<128xi32, #tpu.memory_space<vmem>>) semaphore(%arg12 : memref<!tpu.dma_semaphore, #tpu.memory_space<semaphore_mem>>)
      %dma_wait3A_184 = arith.constant 0 : i32
      %dma_wait3A_185 = tpu.memref_slice %arg6[%mul3A_175, %dma_wait3A_184] : memref<40x128xi32, #tpu.memory_space<vmem>> -> memref<1x128xi32, #tpu.memory_space<vmem>>
      %dma_wait3A_186 = tpu.memref_squeeze %dma_wait3A_185 : memref<1x128xi32, #tpu.memory_space<vmem>> -> memref<128xi32, #tpu.memory_space<vmem>>
      %dma_wait3A_187 = arith.constant 0 : i32
      %dma_wait3A_188 = arith.constant 0 : i32
      %dma_wait3A_189 = tpu.memref_slice %arg2[%dma_wait3A_187, %dma_wait3A_188] : memref<10240x128xf32, #tpu.memory_space<hbm>> -> memref<10240x128xf32, #tpu.memory_space<hbm>>
      tpu.wait_indirect_dma semaphore(%arg11 : memref<!tpu.dma_semaphore, #tpu.memory_space<semaphore_mem>>) src(%dma_wait3A_189 : memref<10240x128xf32, #tpu.memory_space<hbm>>) dst(%arg8 : memref<128x128xf32, #tpu.memory_space<vmem>>)
      "tpu.region"() ({
        %run_scoped3A_206 = tpu.sem_alloc : memref<!tpu.dma_semaphore, #tpu.memory_space<semaphore_mem>>
        %dma_start3A_207 = arith.constant 0 : i32
        %dma_start3A_208 = tpu.memref_slice %arg7[%mul3A_175, %dma_start3A_207] : memref<40x128xi32, #tpu.memory_space<vmem>> -> memref<1x128xi32, #tpu.memory_space<vmem>>
        %dma_start3A_209 = tpu.memref_squeeze %dma_start3A_208 : memref<1x128xi32, #tpu.memory_space<vmem>> -> memref<128xi32, #tpu.memory_space<vmem>>
        %dma_start3A_210 = arith.constant 0 : i32
        %dma_start3A_211 = arith.constant 0 : i32
        %dma_start3A_212 = tpu.memref_slice %arg10[%dma_start3A_210, %dma_start3A_211] : memref<10240x128xf32, #tpu.memory_space<vmem_shared>> -> memref<10240x128xf32, #tpu.memory_space<vmem_shared>>
        tpu.enqueue_indirect_dma source(%arg8 : memref<128x128xf32, #tpu.memory_space<vmem>>) target(%dma_start3A_212 : memref<10240x128xf32, #tpu.memory_space<vmem_shared>>) offsets(%dma_start3A_209 : memref<128xi32, #tpu.memory_space<vmem>>) semaphore(%run_scoped3A_206 : memref<!tpu.dma_semaphore, #tpu.memory_space<semaphore_mem>>) {add = true}
        %dma_wait3A_213 = arith.constant 0 : i32
        %dma_wait3A_214 = tpu.memref_slice %arg7[%mul3A_175, %dma_wait3A_213] : memref<40x128xi32, #tpu.memory_space<vmem>> -> memref<1x128xi32, #tpu.memory_space<vmem>>
        %dma_wait3A_215 = tpu.memref_squeeze %dma_wait3A_214 : memref<1x128xi32, #tpu.memory_space<vmem>> -> memref<128xi32, #tpu.memory_space<vmem>>
        %dma_wait3A_216 = arith.constant 0 : i32
        %dma_wait3A_217 = arith.constant 0 : i32
        %dma_wait3A_218 = tpu.memref_slice %arg10[%dma_wait3A_216, %dma_wait3A_217] : memref<10240x128xf32, #tpu.memory_space<vmem_shared>> -> memref<10240x128xf32, #tpu.memory_space<vmem_shared>>
        tpu.wait_indirect_dma semaphore(%run_scoped3A_206 : memref<!tpu.dma_semaphore, #tpu.memory_space<semaphore_mem>>) src(%arg8 : memref<128x128xf32, #tpu.memory_space<vmem>>) dst(%dma_wait3A_218 : memref<10240x128xf32, #tpu.memory_space<vmem_shared>>)
        tpu.yield
      }) : () -> ()
      %add3A_190 = arith.constant 2 : i32
      %add3A_191 = arith.addi %mul3A_175, %add3A_190 : i32
      %dma_start3A_192 = arith.constant 0 : i32
      %dma_start3A_193 = tpu.memref_slice %arg6[%add3A_191, %dma_start3A_192] : memref<40x128xi32, #tpu.memory_space<vmem>> -> memref<1x128xi32, #tpu.memory_space<vmem>>
      %dma_start3A_194 = tpu.memref_squeeze %dma_start3A_193 : memref<1x128xi32, #tpu.memory_space<vmem>> -> memref<128xi32, #tpu.memory_space<vmem>>
      %dma_start3A_195 = arith.constant 0 : i32
      %dma_start3A_196 = arith.constant 0 : i32
      %dma_start3A_197 = tpu.memref_slice %arg2[%dma_start3A_195, %dma_start3A_196] : memref<10240x128xf32, #tpu.memory_space<hbm>> -> memref<10240x128xf32, #tpu.memory_space<hbm>>
      tpu.enqueue_indirect_dma source(%dma_start3A_197 : memref<10240x128xf32, #tpu.memory_space<hbm>>) target(%arg8 : memref<128x128xf32, #tpu.memory_space<vmem>>) offsets(%dma_start3A_194 : memref<128xi32, #tpu.memory_space<vmem>>) semaphore(%arg11 : memref<!tpu.dma_semaphore, #tpu.memory_space<semaphore_mem>>)
      %add3A_198 = arith.constant 1 : i32
      %add3A_199 = arith.addi %mul3A_175, %add3A_198 : i32
      %dma_wait3A_200 = arith.constant 0 : i32
      %dma_wait3A_201 = tpu.memref_slice %arg6[%add3A_199, %dma_wait3A_200] : memref<40x128xi32, #tpu.memory_space<vmem>> -> memref<1x128xi32, #tpu.memory_space<vmem>>
      %dma_wait3A_202 = tpu.memref_squeeze %dma_wait3A_201 : memref<1x128xi32, #tpu.memory_space<vmem>> -> memref<128xi32, #tpu.memory_space<vmem>>
      %dma_wait3A_203 = arith.constant 0 : i32
      %dma_wait3A_204 = arith.constant 0 : i32
      %dma_wait3A_205 = tpu.memref_slice %arg2[%dma_wait3A_203, %dma_wait3A_204] : memref<10240x128xf32, #tpu.memory_space<hbm>> -> memref<10240x128xf32, #tpu.memory_space<hbm>>
      tpu.wait_indirect_dma semaphore(%arg12 : memref<!tpu.dma_semaphore, #tpu.memory_space<semaphore_mem>>) src(%dma_wait3A_205 : memref<10240x128xf32, #tpu.memory_space<hbm>>) dst(%arg9 : memref<128x128xf32, #tpu.memory_space<vmem>>)
      "tpu.region"() ({
        %run_scoped3A_206 = tpu.sem_alloc : memref<!tpu.dma_semaphore, #tpu.memory_space<semaphore_mem>>
        %dma_start3A_207 = arith.constant 0 : i32
        %dma_start3A_208 = tpu.memref_slice %arg7[%add3A_199, %dma_start3A_207] : memref<40x128xi32, #tpu.memory_space<vmem>> -> memref<1x128xi32, #tpu.memory_space<vmem>>
        %dma_start3A_209 = tpu.memref_squeeze %dma_start3A_208 : memref<1x128xi32, #tpu.memory_space<vmem>> -> memref<128xi32, #tpu.memory_space<vmem>>
        %dma_start3A_210 = arith.constant 0 : i32
        %dma_start3A_211 = arith.constant 0 : i32
        %dma_start3A_212 = tpu.memref_slice %arg10[%dma_start3A_210, %dma_start3A_211] : memref<10240x128xf32, #tpu.memory_space<vmem_shared>> -> memref<10240x128xf32, #tpu.memory_space<vmem_shared>>
        tpu.enqueue_indirect_dma source(%arg9 : memref<128x128xf32, #tpu.memory_space<vmem>>) target(%dma_start3A_212 : memref<10240x128xf32, #tpu.memory_space<vmem_shared>>) offsets(%dma_start3A_209 : memref<128xi32, #tpu.memory_space<vmem>>) semaphore(%run_scoped3A_206 : memref<!tpu.dma_semaphore, #tpu.memory_space<semaphore_mem>>) {add = true}
        %dma_wait3A_213 = arith.constant 0 : i32
        %dma_wait3A_214 = tpu.memref_slice %arg7[%add3A_199, %dma_wait3A_213] : memref<40x128xi32, #tpu.memory_space<vmem>> -> memref<1x128xi32, #tpu.memory_space<vmem>>
        %dma_wait3A_215 = tpu.memref_squeeze %dma_wait3A_214 : memref<1x128xi32, #tpu.memory_space<vmem>> -> memref<128xi32, #tpu.memory_space<vmem>>
        %dma_wait3A_216 = arith.constant 0 : i32
        %dma_wait3A_217 = arith.constant 0 : i32
        %dma_wait3A_218 = tpu.memref_slice %arg10[%dma_wait3A_216, %dma_wait3A_217] : memref<10240x128xf32, #tpu.memory_space<vmem_shared>> -> memref<10240x128xf32, #tpu.memory_space<vmem_shared>>
        tpu.wait_indirect_dma semaphore(%run_scoped3A_206 : memref<!tpu.dma_semaphore, #tpu.memory_space<semaphore_mem>>) src(%arg9 : memref<128x128xf32, #tpu.memory_space<vmem>>) dst(%dma_wait3A_218 : memref<10240x128xf32, #tpu.memory_space<vmem_shared>>)
        tpu.yield
      }) : () -> ()
    }
    %scan3A_70 = arith.constant 19 : i32
    %dma_start3A_71 = arith.constant 39 : i32
    %dma_start3A_72 = arith.constant 0 : i32
    %dma_start3A_73 = tpu.memref_slice %arg6[%dma_start3A_71, %dma_start3A_72] : memref<40x128xi32, #tpu.memory_space<vmem>> -> memref<1x128xi32, #tpu.memory_space<vmem>>
    %dma_start3A_74 = tpu.memref_squeeze %dma_start3A_73 : memref<1x128xi32, #tpu.memory_space<vmem>> -> memref<128xi32, #tpu.memory_space<vmem>>
    %dma_start3A_75 = arith.constant 0 : i32
    %dma_start3A_76 = arith.constant 0 : i32
    %dma_start3A_77 = tpu.memref_slice %arg2[%dma_start3A_75, %dma_start3A_76] : memref<10240x128xf32, #tpu.memory_space<hbm>> -> memref<10240x128xf32, #tpu.memory_space<hbm>>
    tpu.enqueue_indirect_dma source(%dma_start3A_77 : memref<10240x128xf32, #tpu.memory_space<hbm>>) target(%arg9 : memref<128x128xf32, #tpu.memory_space<vmem>>) offsets(%dma_start3A_74 : memref<128xi32, #tpu.memory_space<vmem>>) semaphore(%arg12 : memref<!tpu.dma_semaphore, #tpu.memory_space<semaphore_mem>>)
    %dma_wait3A_78 = arith.constant 38 : i32
    %dma_wait3A_79 = arith.constant 0 : i32
    %dma_wait3A_80 = tpu.memref_slice %arg6[%dma_wait3A_78, %dma_wait3A_79] : memref<40x128xi32, #tpu.memory_space<vmem>> -> memref<1x128xi32, #tpu.memory_space<vmem>>
    %dma_wait3A_81 = tpu.memref_squeeze %dma_wait3A_80 : memref<1x128xi32, #tpu.memory_space<vmem>> -> memref<128xi32, #tpu.memory_space<vmem>>
    %dma_wait3A_82 = arith.constant 0 : i32
    %dma_wait3A_83 = arith.constant 0 : i32
    %dma_wait3A_84 = tpu.memref_slice %arg2[%dma_wait3A_82, %dma_wait3A_83] : memref<10240x128xf32, #tpu.memory_space<hbm>> -> memref<10240x128xf32, #tpu.memory_space<hbm>>
    tpu.wait_indirect_dma semaphore(%arg11 : memref<!tpu.dma_semaphore, #tpu.memory_space<semaphore_mem>>) src(%dma_wait3A_84 : memref<10240x128xf32, #tpu.memory_space<hbm>>) dst(%arg8 : memref<128x128xf32, #tpu.memory_space<vmem>>)
    %run_scoped3A = arith.constant 38 : i32
    "tpu.region"() ({
      %run_scoped3A_173 = tpu.sem_alloc : memref<!tpu.dma_semaphore, #tpu.memory_space<semaphore_mem>>
      %dma_start3A_174 = arith.constant 0 : i32
      %dma_start3A_175 = tpu.memref_slice %arg7[%run_scoped3A, %dma_start3A_174] : memref<40x128xi32, #tpu.memory_space<vmem>> -> memref<1x128xi32, #tpu.memory_space<vmem>>
      %dma_start3A_176 = tpu.memref_squeeze %dma_start3A_175 : memref<1x128xi32, #tpu.memory_space<vmem>> -> memref<128xi32, #tpu.memory_space<vmem>>
      %dma_start3A_177 = arith.constant 0 : i32
      %dma_start3A_178 = arith.constant 0 : i32
      %dma_start3A_179 = tpu.memref_slice %arg10[%dma_start3A_177, %dma_start3A_178] : memref<10240x128xf32, #tpu.memory_space<vmem_shared>> -> memref<10240x128xf32, #tpu.memory_space<vmem_shared>>
      tpu.enqueue_indirect_dma source(%arg8 : memref<128x128xf32, #tpu.memory_space<vmem>>) target(%dma_start3A_179 : memref<10240x128xf32, #tpu.memory_space<vmem_shared>>) offsets(%dma_start3A_176 : memref<128xi32, #tpu.memory_space<vmem>>) semaphore(%run_scoped3A_173 : memref<!tpu.dma_semaphore, #tpu.memory_space<semaphore_mem>>) {add = true}
      %dma_wait3A_180 = arith.constant 0 : i32
      %dma_wait3A_181 = tpu.memref_slice %arg7[%run_scoped3A, %dma_wait3A_180] : memref<40x128xi32, #tpu.memory_space<vmem>> -> memref<1x128xi32, #tpu.memory_space<vmem>>
      %dma_wait3A_182 = tpu.memref_squeeze %dma_wait3A_181 : memref<1x128xi32, #tpu.memory_space<vmem>> -> memref<128xi32, #tpu.memory_space<vmem>>
      %dma_wait3A_183 = arith.constant 0 : i32
      %dma_wait3A_184 = arith.constant 0 : i32
      %dma_wait3A_185 = tpu.memref_slice %arg10[%dma_wait3A_183, %dma_wait3A_184] : memref<10240x128xf32, #tpu.memory_space<vmem_shared>> -> memref<10240x128xf32, #tpu.memory_space<vmem_shared>>
      tpu.wait_indirect_dma semaphore(%run_scoped3A_173 : memref<!tpu.dma_semaphore, #tpu.memory_space<semaphore_mem>>) src(%arg8 : memref<128x128xf32, #tpu.memory_space<vmem>>) dst(%dma_wait3A_185 : memref<10240x128xf32, #tpu.memory_space<vmem_shared>>)
      tpu.yield
    }) : () -> ()
    %dma_wait3A_85 = arith.constant 39 : i32
    %dma_wait3A_86 = arith.constant 0 : i32
    %dma_wait3A_87 = tpu.memref_slice %arg6[%dma_wait3A_85, %dma_wait3A_86] : memref<40x128xi32, #tpu.memory_space<vmem>> -> memref<1x128xi32, #tpu.memory_space<vmem>>
    %dma_wait3A_88 = tpu.memref_squeeze %dma_wait3A_87 : memref<1x128xi32, #tpu.memory_space<vmem>> -> memref<128xi32, #tpu.memory_space<vmem>>
    %dma_wait3A_89 = arith.constant 0 : i32
    %dma_wait3A_90 = arith.constant 0 : i32
    %dma_wait3A_91 = tpu.memref_slice %arg2[%dma_wait3A_89, %dma_wait3A_90] : memref<10240x128xf32, #tpu.memory_space<hbm>> -> memref<10240x128xf32, #tpu.memory_space<hbm>>
    tpu.wait_indirect_dma semaphore(%arg12 : memref<!tpu.dma_semaphore, #tpu.memory_space<semaphore_mem>>) src(%dma_wait3A_91 : memref<10240x128xf32, #tpu.memory_space<hbm>>) dst(%arg9 : memref<128x128xf32, #tpu.memory_space<vmem>>)
    %run_scoped3A_92 = arith.constant 39 : i32
    "tpu.region"() ({
      %run_scoped3A_173 = tpu.sem_alloc : memref<!tpu.dma_semaphore, #tpu.memory_space<semaphore_mem>>
      %dma_start3A_174 = arith.constant 0 : i32
      %dma_start3A_175 = tpu.memref_slice %arg7[%run_scoped3A_92, %dma_start3A_174] : memref<40x128xi32, #tpu.memory_space<vmem>> -> memref<1x128xi32, #tpu.memory_space<vmem>>
      %dma_start3A_176 = tpu.memref_squeeze %dma_start3A_175 : memref<1x128xi32, #tpu.memory_space<vmem>> -> memref<128xi32, #tpu.memory_space<vmem>>
      %dma_start3A_177 = arith.constant 0 : i32
      %dma_start3A_178 = arith.constant 0 : i32
      %dma_start3A_179 = tpu.memref_slice %arg10[%dma_start3A_177, %dma_start3A_178] : memref<10240x128xf32, #tpu.memory_space<vmem_shared>> -> memref<10240x128xf32, #tpu.memory_space<vmem_shared>>
      tpu.enqueue_indirect_dma source(%arg9 : memref<128x128xf32, #tpu.memory_space<vmem>>) target(%dma_start3A_179 : memref<10240x128xf32, #tpu.memory_space<vmem_shared>>) offsets(%dma_start3A_176 : memref<128xi32, #tpu.memory_space<vmem>>) semaphore(%run_scoped3A_173 : memref<!tpu.dma_semaphore, #tpu.memory_space<semaphore_mem>>) {add = true}
      %dma_wait3A_180 = arith.constant 0 : i32
      %dma_wait3A_181 = tpu.memref_slice %arg7[%run_scoped3A_92, %dma_wait3A_180] : memref<40x128xi32, #tpu.memory_space<vmem>> -> memref<1x128xi32, #tpu.memory_space<vmem>>
      %dma_wait3A_182 = tpu.memref_squeeze %dma_wait3A_181 : memref<1x128xi32, #tpu.memory_space<vmem>> -> memref<128xi32, #tpu.memory_space<vmem>>
      %dma_wait3A_183 = arith.constant 0 : i32
      %dma_wait3A_184 = arith.constant 0 : i32
      %dma_wait3A_185 = tpu.memref_slice %arg10[%dma_wait3A_183, %dma_wait3A_184] : memref<10240x128xf32, #tpu.memory_space<vmem_shared>> -> memref<10240x128xf32, #tpu.memory_space<vmem_shared>>
      tpu.wait_indirect_dma semaphore(%run_scoped3A_173 : memref<!tpu.dma_semaphore, #tpu.memory_space<semaphore_mem>>) src(%arg9 : memref<128x128xf32, #tpu.memory_space<vmem>>) dst(%dma_wait3A_185 : memref<10240x128xf32, #tpu.memory_space<vmem_shared>>)
      tpu.yield
    }) : () -> ()
    "tpu.region"() ({
      %run_scoped3A_173 = tpu.sem_alloc : memref<!tpu.dma_semaphore, #tpu.memory_space<semaphore_mem>>
      %dma_start3A_174 = arith.constant 0 : i32
      %dma_start3A_175 = arith.constant 0 : i32
      %dma_start3A_176 = tpu.memref_slice %arg6[%dma_start3A_174, %dma_start3A_175] : memref<40x128xi32, #tpu.memory_space<vmem>> -> memref<39x128xi32, #tpu.memory_space<vmem>>
      %dma_start3A_177 = arith.constant 40 : i32
      %dma_start3A_178 = arith.constant 0 : i32
      %dma_start3A_179 = tpu.memref_slice %arg3[%add3A, %dma_start3A_177, %dma_start3A_178] : memref<32x79x128xi32, #tpu.memory_space<hbm>> -> memref<1x39x128xi32, #tpu.memory_space<hbm>>
      %dma_start3A_180 = tpu.memref_squeeze %dma_start3A_179 : memref<1x39x128xi32, #tpu.memory_space<hbm>> -> memref<39x128xi32, #tpu.memory_space<hbm>>
      %dma_start3A_181 = arith.constant 0 : i32
      %dma_start3A_182 = arith.constant 0 : i32
      %dma_start3A_183 = tpu.memref_slice %arg6[%dma_start3A_181, %dma_start3A_182] : memref<40x128xi32, #tpu.memory_space<vmem>> -> memref<39x128xi32, #tpu.memory_space<vmem>>
      %dma_start3A_184 = arith.constant 40 : i32
      %dma_start3A_185 = arith.constant 0 : i32
      %dma_start3A_186 = tpu.memref_slice %arg3[%add3A, %dma_start3A_184, %dma_start3A_185] : memref<32x79x128xi32, #tpu.memory_space<hbm>> -> memref<1x39x128xi32, #tpu.memory_space<hbm>>
      %dma_start3A_187 = tpu.memref_squeeze %dma_start3A_186 : memref<1x39x128xi32, #tpu.memory_space<hbm>> -> memref<39x128xi32, #tpu.memory_space<hbm>>
      tpu.enqueue_dma source(%dma_start3A_187 : memref<39x128xi32, #tpu.memory_space<hbm>>) target(%dma_start3A_183 : memref<39x128xi32, #tpu.memory_space<vmem>>) target_semaphore(%run_scoped3A_173 : memref<!tpu.dma_semaphore, #tpu.memory_space<semaphore_mem>>)
      %dma_wait3A_188 = arith.constant 0 : i32
      %dma_wait3A_189 = arith.constant 0 : i32
      %dma_wait3A_190 = tpu.memref_slice %arg6[%dma_wait3A_188, %dma_wait3A_189] : memref<40x128xi32, #tpu.memory_space<vmem>> -> memref<39x128xi32, #tpu.memory_space<vmem>>
      %dma_wait3A_191 = arith.constant 40 : i32
      %dma_wait3A_192 = arith.constant 0 : i32
      %dma_wait3A_193 = tpu.memref_slice %arg3[%add3A, %dma_wait3A_191, %dma_wait3A_192] : memref<32x79x128xi32, #tpu.memory_space<hbm>> -> memref<1x39x128xi32, #tpu.memory_space<hbm>>
      %dma_wait3A_194 = tpu.memref_squeeze %dma_wait3A_193 : memref<1x39x128xi32, #tpu.memory_space<hbm>> -> memref<39x128xi32, #tpu.memory_space<hbm>>
      %dma_wait3A_195 = arith.constant 0 : i32
      %dma_wait3A_196 = arith.constant 0 : i32
      %dma_wait3A_197 = tpu.memref_slice %arg6[%dma_wait3A_195, %dma_wait3A_196] : memref<40x128xi32, #tpu.memory_space<vmem>> -> memref<39x128xi32, #tpu.memory_space<vmem>>
      %dma_wait3A_198 = arith.constant 40 : i32
      %dma_wait3A_199 = arith.constant 0 : i32
      %dma_wait3A_200 = tpu.memref_slice %arg3[%add3A, %dma_wait3A_198, %dma_wait3A_199] : memref<32x79x128xi32, #tpu.memory_space<hbm>> -> memref<1x39x128xi32, #tpu.memory_space<hbm>>
      %dma_wait3A_201 = tpu.memref_squeeze %dma_wait3A_200 : memref<1x39x128xi32, #tpu.memory_space<hbm>> -> memref<39x128xi32, #tpu.memory_space<hbm>>
      tpu.wait_dma2 semaphore(%run_scoped3A_173 : memref<!tpu.dma_semaphore, #tpu.memory_space<semaphore_mem>>) src(%dma_wait3A_201 : memref<39x128xi32, #tpu.memory_space<hbm>>) dst(%dma_wait3A_197 : memref<39x128xi32, #tpu.memory_space<vmem>>)
      tpu.yield
    }) : () -> ()
    "tpu.region"() ({
      %run_scoped3A_173 = tpu.sem_alloc : memref<!tpu.dma_semaphore, #tpu.memory_space<semaphore_mem>>
      %dma_start3A_174 = arith.constant 0 : i32
      %dma_start3A_175 = arith.constant 0 : i32
      %dma_start3A_176 = tpu.memref_slice %arg7[%dma_start3A_174, %dma_start3A_175] : memref<40x128xi32, #tpu.memory_space<vmem>> -> memref<39x128xi32, #tpu.memory_space<vmem>>
      %dma_start3A_177 = arith.constant 40 : i32
      %dma_start3A_178 = arith.constant 0 : i32
      %dma_start3A_179 = tpu.memref_slice %arg4[%add3A, %dma_start3A_177, %dma_start3A_178] : memref<32x79x128xi32, #tpu.memory_space<hbm>> -> memref<1x39x128xi32, #tpu.memory_space<hbm>>
      %dma_start3A_180 = tpu.memref_squeeze %dma_start3A_179 : memref<1x39x128xi32, #tpu.memory_space<hbm>> -> memref<39x128xi32, #tpu.memory_space<hbm>>
      %dma_start3A_181 = arith.constant 0 : i32
      %dma_start3A_182 = arith.constant 0 : i32
      %dma_start3A_183 = tpu.memref_slice %arg7[%dma_start3A_181, %dma_start3A_182] : memref<40x128xi32, #tpu.memory_space<vmem>> -> memref<39x128xi32, #tpu.memory_space<vmem>>
      %dma_start3A_184 = arith.constant 40 : i32
      %dma_start3A_185 = arith.constant 0 : i32
      %dma_start3A_186 = tpu.memref_slice %arg4[%add3A, %dma_start3A_184, %dma_start3A_185] : memref<32x79x128xi32, #tpu.memory_space<hbm>> -> memref<1x39x128xi32, #tpu.memory_space<hbm>>
      %dma_start3A_187 = tpu.memref_squeeze %dma_start3A_186 : memref<1x39x128xi32, #tpu.memory_space<hbm>> -> memref<39x128xi32, #tpu.memory_space<hbm>>
      tpu.enqueue_dma source(%dma_start3A_187 : memref<39x128xi32, #tpu.memory_space<hbm>>) target(%dma_start3A_183 : memref<39x128xi32, #tpu.memory_space<vmem>>) target_semaphore(%run_scoped3A_173 : memref<!tpu.dma_semaphore, #tpu.memory_space<semaphore_mem>>)
      %dma_wait3A_188 = arith.constant 0 : i32
      %dma_wait3A_189 = arith.constant 0 : i32
      %dma_wait3A_190 = tpu.memref_slice %arg7[%dma_wait3A_188, %dma_wait3A_189] : memref<40x128xi32, #tpu.memory_space<vmem>> -> memref<39x128xi32, #tpu.memory_space<vmem>>
      %dma_wait3A_191 = arith.constant 40 : i32
      %dma_wait3A_192 = arith.constant 0 : i32
      %dma_wait3A_193 = tpu.memref_slice %arg4[%add3A, %dma_wait3A_191, %dma_wait3A_192] : memref<32x79x128xi32, #tpu.memory_space<hbm>> -> memref<1x39x128xi32, #tpu.memory_space<hbm>>
      %dma_wait3A_194 = tpu.memref_squeeze %dma_wait3A_193 : memref<1x39x128xi32, #tpu.memory_space<hbm>> -> memref<39x128xi32, #tpu.memory_space<hbm>>
      %dma_wait3A_195 = arith.constant 0 : i32
      %dma_wait3A_196 = arith.constant 0 : i32
      %dma_wait3A_197 = tpu.memref_slice %arg7[%dma_wait3A_195, %dma_wait3A_196] : memref<40x128xi32, #tpu.memory_space<vmem>> -> memref<39x128xi32, #tpu.memory_space<vmem>>
      %dma_wait3A_198 = arith.constant 40 : i32
      %dma_wait3A_199 = arith.constant 0 : i32
      %dma_wait3A_200 = tpu.memref_slice %arg4[%add3A, %dma_wait3A_198, %dma_wait3A_199] : memref<32x79x128xi32, #tpu.memory_space<hbm>> -> memref<1x39x128xi32, #tpu.memory_space<hbm>>
      %dma_wait3A_201 = tpu.memref_squeeze %dma_wait3A_200 : memref<1x39x128xi32, #tpu.memory_space<hbm>> -> memref<39x128xi32, #tpu.memory_space<hbm>>
      tpu.wait_dma2 semaphore(%run_scoped3A_173 : memref<!tpu.dma_semaphore, #tpu.memory_space<semaphore_mem>>) src(%dma_wait3A_201 : memref<39x128xi32, #tpu.memory_space<hbm>>) dst(%dma_wait3A_197 : memref<39x128xi32, #tpu.memory_space<vmem>>)
      tpu.yield
    }) : () -> ()
    %dma_start3A_93 = arith.constant 0 : i32
    %dma_start3A_94 = arith.constant 0 : i32
    %dma_start3A_95 = tpu.memref_slice %arg6[%dma_start3A_93, %dma_start3A_94] : memref<40x128xi32, #tpu.memory_space<vmem>> -> memref<1x128xi32, #tpu.memory_space<vmem>>
    %dma_start3A_96 = tpu.memref_squeeze %dma_start3A_95 : memref<1x128xi32, #tpu.memory_space<vmem>> -> memref<128xi32, #tpu.memory_space<vmem>>
    %dma_start3A_97 = arith.constant 0 : i32
    %dma_start3A_98 = arith.constant 0 : i32
    %dma_start3A_99 = tpu.memref_slice %arg2[%dma_start3A_97, %dma_start3A_98] : memref<10240x128xf32, #tpu.memory_space<hbm>> -> memref<10240x128xf32, #tpu.memory_space<hbm>>
    tpu.enqueue_indirect_dma source(%dma_start3A_99 : memref<10240x128xf32, #tpu.memory_space<hbm>>) target(%arg8 : memref<128x128xf32, #tpu.memory_space<vmem>>) offsets(%dma_start3A_96 : memref<128xi32, #tpu.memory_space<vmem>>) semaphore(%arg11 : memref<!tpu.dma_semaphore, #tpu.memory_space<semaphore_mem>>)
    %scan3A_100 = arith.constant 0 : i32
    %scan3A_101 = arith.constant 0 : i32
    %scan3A_102 = arith.constant 19 : i32
    %scan3A_103 = arith.addi %scan3A_101, %scan3A_102 : i32
    %scan3A_104 = arith.constant 1 : i32
    scf.for %scan3A_173 = %scan3A_101 to %scan3A_103 step %scan3A_104  : i32 {
      %mul3A_174 = arith.constant 2 : i32
      %mul3A_175 = arith.muli %mul3A_174, %scan3A_173 : i32
      %add3A_176 = arith.constant 1 : i32
      %add3A_177 = arith.addi %mul3A_175, %add3A_176 : i32
      %dma_start3A_178 = arith.constant 0 : i32
      %dma_start3A_179 = tpu.memref_slice %arg6[%add3A_177, %dma_start3A_178] : memref<40x128xi32, #tpu.memory_space<vmem>> -> memref<1x128xi32, #tpu.memory_space<vmem>>
      %dma_start3A_180 = tpu.memref_squeeze %dma_start3A_179 : memref<1x128xi32, #tpu.memory_space<vmem>> -> memref<128xi32, #tpu.memory_space<vmem>>
      %dma_start3A_181 = arith.constant 0 : i32
      %dma_start3A_182 = arith.constant 0 : i32
      %dma_start3A_183 = tpu.memref_slice %arg2[%dma_start3A_181, %dma_start3A_182] : memref<10240x128xf32, #tpu.memory_space<hbm>> -> memref<10240x128xf32, #tpu.memory_space<hbm>>
      tpu.enqueue_indirect_dma source(%dma_start3A_183 : memref<10240x128xf32, #tpu.memory_space<hbm>>) target(%arg9 : memref<128x128xf32, #tpu.memory_space<vmem>>) offsets(%dma_start3A_180 : memref<128xi32, #tpu.memory_space<vmem>>) semaphore(%arg12 : memref<!tpu.dma_semaphore, #tpu.memory_space<semaphore_mem>>)
      %dma_wait3A_184 = arith.constant 0 : i32
      %dma_wait3A_185 = tpu.memref_slice %arg6[%mul3A_175, %dma_wait3A_184] : memref<40x128xi32, #tpu.memory_space<vmem>> -> memref<1x128xi32, #tpu.memory_space<vmem>>
      %dma_wait3A_186 = tpu.memref_squeeze %dma_wait3A_185 : memref<1x128xi32, #tpu.memory_space<vmem>> -> memref<128xi32, #tpu.memory_space<vmem>>
      %dma_wait3A_187 = arith.constant 0 : i32
      %dma_wait3A_188 = arith.constant 0 : i32
      %dma_wait3A_189 = tpu.memref_slice %arg2[%dma_wait3A_187, %dma_wait3A_188] : memref<10240x128xf32, #tpu.memory_space<hbm>> -> memref<10240x128xf32, #tpu.memory_space<hbm>>
      tpu.wait_indirect_dma semaphore(%arg11 : memref<!tpu.dma_semaphore, #tpu.memory_space<semaphore_mem>>) src(%dma_wait3A_189 : memref<10240x128xf32, #tpu.memory_space<hbm>>) dst(%arg8 : memref<128x128xf32, #tpu.memory_space<vmem>>)
      "tpu.region"() ({
        %run_scoped3A_206 = tpu.sem_alloc : memref<!tpu.dma_semaphore, #tpu.memory_space<semaphore_mem>>
        %dma_start3A_207 = arith.constant 0 : i32
        %dma_start3A_208 = tpu.memref_slice %arg7[%mul3A_175, %dma_start3A_207] : memref<40x128xi32, #tpu.memory_space<vmem>> -> memref<1x128xi32, #tpu.memory_space<vmem>>
        %dma_start3A_209 = tpu.memref_squeeze %dma_start3A_208 : memref<1x128xi32, #tpu.memory_space<vmem>> -> memref<128xi32, #tpu.memory_space<vmem>>
        %dma_start3A_210 = arith.constant 0 : i32
        %dma_start3A_211 = arith.constant 0 : i32
        %dma_start3A_212 = tpu.memref_slice %arg10[%dma_start3A_210, %dma_start3A_211] : memref<10240x128xf32, #tpu.memory_space<vmem_shared>> -> memref<10240x128xf32, #tpu.memory_space<vmem_shared>>
        tpu.enqueue_indirect_dma source(%arg8 : memref<128x128xf32, #tpu.memory_space<vmem>>) target(%dma_start3A_212 : memref<10240x128xf32, #tpu.memory_space<vmem_shared>>) offsets(%dma_start3A_209 : memref<128xi32, #tpu.memory_space<vmem>>) semaphore(%run_scoped3A_206 : memref<!tpu.dma_semaphore, #tpu.memory_space<semaphore_mem>>) {add = true}
        %dma_wait3A_213 = arith.constant 0 : i32
        %dma_wait3A_214 = tpu.memref_slice %arg7[%mul3A_175, %dma_wait3A_213] : memref<40x128xi32, #tpu.memory_space<vmem>> -> memref<1x128xi32, #tpu.memory_space<vmem>>
        %dma_wait3A_215 = tpu.memref_squeeze %dma_wait3A_214 : memref<1x128xi32, #tpu.memory_space<vmem>> -> memref<128xi32, #tpu.memory_space<vmem>>
        %dma_wait3A_216 = arith.constant 0 : i32
        %dma_wait3A_217 = arith.constant 0 : i32
        %dma_wait3A_218 = tpu.memref_slice %arg10[%dma_wait3A_216, %dma_wait3A_217] : memref<10240x128xf32, #tpu.memory_space<vmem_shared>> -> memref<10240x128xf32, #tpu.memory_space<vmem_shared>>
        tpu.wait_indirect_dma semaphore(%run_scoped3A_206 : memref<!tpu.dma_semaphore, #tpu.memory_space<semaphore_mem>>) src(%arg8 : memref<128x128xf32, #tpu.memory_space<vmem>>) dst(%dma_wait3A_218 : memref<10240x128xf32, #tpu.memory_space<vmem_shared>>)
        tpu.yield
      }) : () -> ()
      %add3A_190 = arith.constant 2 : i32
      %add3A_191 = arith.addi %mul3A_175, %add3A_190 : i32
      %dma_start3A_192 = arith.constant 0 : i32
      %dma_start3A_193 = tpu.memref_slice %arg6[%add3A_191, %dma_start3A_192] : memref<40x128xi32, #tpu.memory_space<vmem>> -> memref<1x128xi32, #tpu.memory_space<vmem>>
      %dma_start3A_194 = tpu.memref_squeeze %dma_start3A_193 : memref<1x128xi32, #tpu.memory_space<vmem>> -> memref<128xi32, #tpu.memory_space<vmem>>
      %dma_start3A_195 = arith.constant 0 : i32
      %dma_start3A_196 = arith.constant 0 : i32
      %dma_start3A_197 = tpu.memref_slice %arg2[%dma_start3A_195, %dma_start3A_196] : memref<10240x128xf32, #tpu.memory_space<hbm>> -> memref<10240x128xf32, #tpu.memory_space<hbm>>
      tpu.enqueue_indirect_dma source(%dma_start3A_197 : memref<10240x128xf32, #tpu.memory_space<hbm>>) target(%arg8 : memref<128x128xf32, #tpu.memory_space<vmem>>) offsets(%dma_start3A_194 : memref<128xi32, #tpu.memory_space<vmem>>) semaphore(%arg11 : memref<!tpu.dma_semaphore, #tpu.memory_space<semaphore_mem>>)
      %add3A_198 = arith.constant 1 : i32
      %add3A_199 = arith.addi %mul3A_175, %add3A_198 : i32
      %dma_wait3A_200 = arith.constant 0 : i32
      %dma_wait3A_201 = tpu.memref_slice %arg6[%add3A_199, %dma_wait3A_200] : memref<40x128xi32, #tpu.memory_space<vmem>> -> memref<1x128xi32, #tpu.memory_space<vmem>>
      %dma_wait3A_202 = tpu.memref_squeeze %dma_wait3A_201 : memref<1x128xi32, #tpu.memory_space<vmem>> -> memref<128xi32, #tpu.memory_space<vmem>>
      %dma_wait3A_203 = arith.constant 0 : i32
      %dma_wait3A_204 = arith.constant 0 : i32
      %dma_wait3A_205 = tpu.memref_slice %arg2[%dma_wait3A_203, %dma_wait3A_204] : memref<10240x128xf32, #tpu.memory_space<hbm>> -> memref<10240x128xf32, #tpu.memory_space<hbm>>
      tpu.wait_indirect_dma semaphore(%arg12 : memref<!tpu.dma_semaphore, #tpu.memory_space<semaphore_mem>>) src(%dma_wait3A_205 : memref<10240x128xf32, #tpu.memory_space<hbm>>) dst(%arg9 : memref<128x128xf32, #tpu.memory_space<vmem>>)
      "tpu.region"() ({
        %run_scoped3A_206 = tpu.sem_alloc : memref<!tpu.dma_semaphore, #tpu.memory_space<semaphore_mem>>
        %dma_start3A_207 = arith.constant 0 : i32
        %dma_start3A_208 = tpu.memref_slice %arg7[%add3A_199, %dma_start3A_207] : memref<40x128xi32, #tpu.memory_space<vmem>> -> memref<1x128xi32, #tpu.memory_space<vmem>>
        %dma_start3A_209 = tpu.memref_squeeze %dma_start3A_208 : memref<1x128xi32, #tpu.memory_space<vmem>> -> memref<128xi32, #tpu.memory_space<vmem>>
        %dma_start3A_210 = arith.constant 0 : i32
        %dma_start3A_211 = arith.constant 0 : i32
        %dma_start3A_212 = tpu.memref_slice %arg10[%dma_start3A_210, %dma_start3A_211] : memref<10240x128xf32, #tpu.memory_space<vmem_shared>> -> memref<10240x128xf32, #tpu.memory_space<vmem_shared>>
        tpu.enqueue_indirect_dma source(%arg9 : memref<128x128xf32, #tpu.memory_space<vmem>>) target(%dma_start3A_212 : memref<10240x128xf32, #tpu.memory_space<vmem_shared>>) offsets(%dma_start3A_209 : memref<128xi32, #tpu.memory_space<vmem>>) semaphore(%run_scoped3A_206 : memref<!tpu.dma_semaphore, #tpu.memory_space<semaphore_mem>>) {add = true}
        %dma_wait3A_213 = arith.constant 0 : i32
        %dma_wait3A_214 = tpu.memref_slice %arg7[%add3A_199, %dma_wait3A_213] : memref<40x128xi32, #tpu.memory_space<vmem>> -> memref<1x128xi32, #tpu.memory_space<vmem>>
        %dma_wait3A_215 = tpu.memref_squeeze %dma_wait3A_214 : memref<1x128xi32, #tpu.memory_space<vmem>> -> memref<128xi32, #tpu.memory_space<vmem>>
        %dma_wait3A_216 = arith.constant 0 : i32
        %dma_wait3A_217 = arith.constant 0 : i32
        %dma_wait3A_218 = tpu.memref_slice %arg10[%dma_wait3A_216, %dma_wait3A_217] : memref<10240x128xf32, #tpu.memory_space<vmem_shared>> -> memref<10240x128xf32, #tpu.memory_space<vmem_shared>>
        tpu.wait_indirect_dma semaphore(%run_scoped3A_206 : memref<!tpu.dma_semaphore, #tpu.memory_space<semaphore_mem>>) src(%arg9 : memref<128x128xf32, #tpu.memory_space<vmem>>) dst(%dma_wait3A_218 : memref<10240x128xf32, #tpu.memory_space<vmem_shared>>)
        tpu.yield
      }) : () -> ()
    }
    %scan3A_105 = arith.constant 19 : i32
    %dma_wait3A_106 = arith.constant 38 : i32
    %dma_wait3A_107 = arith.constant 0 : i32
    %dma_wait3A_108 = tpu.memref_slice %arg6[%dma_wait3A_106, %dma_wait3A_107] : memref<40x128xi32, #tpu.memory_space<vmem>> -> memref<1x128xi32, #tpu.memory_space<vmem>>
    %dma_wait3A_109 = tpu.memref_squeeze %dma_wait3A_108 : memref<1x128xi32, #tpu.memory_space<vmem>> -> memref<128xi32, #tpu.memory_space<vmem>>
    %dma_wait3A_110 = arith.constant 0 : i32
    %dma_wait3A_111 = arith.constant 0 : i32
    %dma_wait3A_112 = tpu.memref_slice %arg2[%dma_wait3A_110, %dma_wait3A_111] : memref<10240x128xf32, #tpu.memory_space<hbm>> -> memref<10240x128xf32, #tpu.memory_space<hbm>>
    tpu.wait_indirect_dma semaphore(%arg11 : memref<!tpu.dma_semaphore, #tpu.memory_space<semaphore_mem>>) src(%dma_wait3A_112 : memref<10240x128xf32, #tpu.memory_space<hbm>>) dst(%arg8 : memref<128x128xf32, #tpu.memory_space<vmem>>)
    %run_scoped3A_113 = arith.constant 38 : i32
    "tpu.region"() ({
      %run_scoped3A_173 = tpu.sem_alloc : memref<!tpu.dma_semaphore, #tpu.memory_space<semaphore_mem>>
      %dma_start3A_174 = arith.constant 0 : i32
      %dma_start3A_175 = tpu.memref_slice %arg7[%run_scoped3A_113, %dma_start3A_174] : memref<40x128xi32, #tpu.memory_space<vmem>> -> memref<1x128xi32, #tpu.memory_space<vmem>>
      %dma_start3A_176 = tpu.memref_squeeze %dma_start3A_175 : memref<1x128xi32, #tpu.memory_space<vmem>> -> memref<128xi32, #tpu.memory_space<vmem>>
      %dma_start3A_177 = arith.constant 0 : i32
      %dma_start3A_178 = arith.constant 0 : i32
      %dma_start3A_179 = tpu.memref_slice %arg10[%dma_start3A_177, %dma_start3A_178] : memref<10240x128xf32, #tpu.memory_space<vmem_shared>> -> memref<10240x128xf32, #tpu.memory_space<vmem_shared>>
      tpu.enqueue_indirect_dma source(%arg8 : memref<128x128xf32, #tpu.memory_space<vmem>>) target(%dma_start3A_179 : memref<10240x128xf32, #tpu.memory_space<vmem_shared>>) offsets(%dma_start3A_176 : memref<128xi32, #tpu.memory_space<vmem>>) semaphore(%run_scoped3A_173 : memref<!tpu.dma_semaphore, #tpu.memory_space<semaphore_mem>>) {add = true}
      %dma_wait3A_180 = arith.constant 0 : i32
      %dma_wait3A_181 = tpu.memref_slice %arg7[%run_scoped3A_113, %dma_wait3A_180] : memref<40x128xi32, #tpu.memory_space<vmem>> -> memref<1x128xi32, #tpu.memory_space<vmem>>
      %dma_wait3A_182 = tpu.memref_squeeze %dma_wait3A_181 : memref<1x128xi32, #tpu.memory_space<vmem>> -> memref<128xi32, #tpu.memory_space<vmem>>
      %dma_wait3A_183 = arith.constant 0 : i32
      %dma_wait3A_184 = arith.constant 0 : i32
      %dma_wait3A_185 = tpu.memref_slice %arg10[%dma_wait3A_183, %dma_wait3A_184] : memref<10240x128xf32, #tpu.memory_space<vmem_shared>> -> memref<10240x128xf32, #tpu.memory_space<vmem_shared>>
      tpu.wait_indirect_dma semaphore(%run_scoped3A_173 : memref<!tpu.dma_semaphore, #tpu.memory_space<semaphore_mem>>) src(%arg8 : memref<128x128xf32, #tpu.memory_space<vmem>>) dst(%dma_wait3A_185 : memref<10240x128xf32, #tpu.memory_space<vmem_shared>>)
      tpu.yield
    }) : () -> ()
    %barrier3A_114 = arith.constant 0 : index
    tpu.barrier barrier_id(%barrier3A_114)
    %dma_start3A_115 = arith.constant 0 : i32
    %dma_start3A_116 = tpu.memref_slice %arg10[%mul3A_2, %dma_start3A_115] : memref<10240x128xf32, #tpu.memory_space<vmem_shared>> -> memref<128x128xf32, #tpu.memory_space<vmem_shared>>
    %dma_start3A_117 = arith.constant 0 : i32
    %dma_start3A_118 = tpu.memref_slice %arg10[%mul3A_2, %dma_start3A_117] : memref<10240x128xf32, #tpu.memory_space<vmem_shared>> -> memref<128x128xf32, #tpu.memory_space<vmem_shared>>
    tpu.enqueue_dma source(%dma_start3A_118 : memref<128x128xf32, #tpu.memory_space<vmem_shared>>) target(%arg8 : memref<128x128xf32, #tpu.memory_space<vmem>>) target_semaphore(%arg11 : memref<!tpu.dma_semaphore, #tpu.memory_space<semaphore_mem>>)
    %add3A_119 = arith.constant 0 : i32
    %add3A_120 = arith.addi %mul3A_2, %add3A_119 : i32
    %dma_wait3A_121 = arith.constant 0 : i32
    %dma_wait3A_122 = tpu.memref_slice %arg10[%add3A_120, %dma_wait3A_121] : memref<10240x128xf32, #tpu.memory_space<vmem_shared>> -> memref<128x128xf32, #tpu.memory_space<vmem_shared>>
    %dma_wait3A_123 = arith.constant 0 : i32
    %dma_wait3A_124 = tpu.memref_slice %arg10[%add3A_120, %dma_wait3A_123] : memref<10240x128xf32, #tpu.memory_space<vmem_shared>> -> memref<128x128xf32, #tpu.memory_space<vmem_shared>>
    tpu.wait_dma2 semaphore(%arg11 : memref<!tpu.dma_semaphore, #tpu.memory_space<semaphore_mem>>) src(%dma_wait3A_124 : memref<128x128xf32, #tpu.memory_space<vmem_shared>>) dst(%arg8 : memref<128x128xf32, #tpu.memory_space<vmem>>)
    %add3A_125 = arith.constant 128 : i32
    %add3A_126 = arith.addi %add3A_120, %add3A_125 : i32
    %dma_start3A_127 = arith.constant 0 : i32
    %dma_start3A_128 = tpu.memref_slice %arg10[%add3A_126, %dma_start3A_127] : memref<10240x128xf32, #tpu.memory_space<vmem_shared>> -> memref<128x128xf32, #tpu.memory_space<vmem_shared>>
    %dma_start3A_129 = arith.constant 0 : i32
    %dma_start3A_130 = tpu.memref_slice %arg10[%add3A_126, %dma_start3A_129] : memref<10240x128xf32, #tpu.memory_space<vmem_shared>> -> memref<128x128xf32, #tpu.memory_space<vmem_shared>>
    tpu.enqueue_dma source(%dma_start3A_130 : memref<128x128xf32, #tpu.memory_space<vmem_shared>>) target(%arg9 : memref<128x128xf32, #tpu.memory_space<vmem>>) target_semaphore(%arg12 : memref<!tpu.dma_semaphore, #tpu.memory_space<semaphore_mem>>)
    "tpu.region"() ({
      %run_scoped3A_173 = tpu.sem_alloc : memref<!tpu.dma_semaphore, #tpu.memory_space<semaphore_mem>>
      %dma_start3A_174 = arith.constant 0 : i32
      %dma_start3A_175 = tpu.memref_slice %arg5[%arg0, %add3A_120, %dma_start3A_174] : memref<2x10240x128xf32, #tpu.memory_space<hbm>> -> memref<1x128x128xf32, #tpu.memory_space<hbm>>
      %dma_start3A_176 = tpu.memref_squeeze %dma_start3A_175 : memref<1x128x128xf32, #tpu.memory_space<hbm>> -> memref<128x128xf32, #tpu.memory_space<hbm>>
      %dma_start3A_177 = arith.constant 0 : i32
      %dma_start3A_178 = tpu.memref_slice %arg5[%arg0, %add3A_120, %dma_start3A_177] : memref<2x10240x128xf32, #tpu.memory_space<hbm>> -> memref<1x128x128xf32, #tpu.memory_space<hbm>>
      %dma_start3A_179 = tpu.memref_squeeze %dma_start3A_178 : memref<1x128x128xf32, #tpu.memory_space<hbm>> -> memref<128x128xf32, #tpu.memory_space<hbm>>
      tpu.enqueue_dma source(%arg8 : memref<128x128xf32, #tpu.memory_space<vmem>>) target(%dma_start3A_179 : memref<128x128xf32, #tpu.memory_space<hbm>>) target_semaphore(%run_scoped3A_173 : memref<!tpu.dma_semaphore, #tpu.memory_space<semaphore_mem>>)
      %dma_wait3A_180 = arith.constant 0 : i32
      %dma_wait3A_181 = tpu.memref_slice %arg5[%arg0, %add3A_120, %dma_wait3A_180] : memref<2x10240x128xf32, #tpu.memory_space<hbm>> -> memref<1x128x128xf32, #tpu.memory_space<hbm>>
      %dma_wait3A_182 = tpu.memref_squeeze %dma_wait3A_181 : memref<1x128x128xf32, #tpu.memory_space<hbm>> -> memref<128x128xf32, #tpu.memory_space<hbm>>
      %dma_wait3A_183 = arith.constant 0 : i32
      %dma_wait3A_184 = tpu.memref_slice %arg5[%arg0, %add3A_120, %dma_wait3A_183] : memref<2x10240x128xf32, #tpu.memory_space<hbm>> -> memref<1x128x128xf32, #tpu.memory_space<hbm>>
      %dma_wait3A_185 = tpu.memref_squeeze %dma_wait3A_184 : memref<1x128x128xf32, #tpu.memory_space<hbm>> -> memref<128x128xf32, #tpu.memory_space<hbm>>
      tpu.wait_dma2 semaphore(%run_scoped3A_173 : memref<!tpu.dma_semaphore, #tpu.memory_space<semaphore_mem>>) src(%arg8 : memref<128x128xf32, #tpu.memory_space<vmem>>) dst(%dma_wait3A_185 : memref<128x128xf32, #tpu.memory_space<hbm>>)
      tpu.yield
    }) : () -> ()
    %add3A_131 = arith.constant 128 : i32
    %add3A_132 = arith.addi %mul3A_2, %add3A_131 : i32
    %dma_wait3A_133 = arith.constant 0 : i32
    %dma_wait3A_134 = tpu.memref_slice %arg10[%add3A_132, %dma_wait3A_133] : memref<10240x128xf32, #tpu.memory_space<vmem_shared>> -> memref<128x128xf32, #tpu.memory_space<vmem_shared>>
    %dma_wait3A_135 = arith.constant 0 : i32
    %dma_wait3A_136 = tpu.memref_slice %arg10[%add3A_132, %dma_wait3A_135] : memref<10240x128xf32, #tpu.memory_space<vmem_shared>> -> memref<128x128xf32, #tpu.memory_space<vmem_shared>>
    tpu.wait_dma2 semaphore(%arg12 : memref<!tpu.dma_semaphore, #tpu.memory_space<semaphore_mem>>) src(%dma_wait3A_136 : memref<128x128xf32, #tpu.memory_space<vmem_shared>>) dst(%arg9 : memref<128x128xf32, #tpu.memory_space<vmem>>)
    %add3A_137 = arith.constant 128 : i32
    %add3A_138 = arith.addi %add3A_132, %add3A_137 : i32
    %dma_start3A_139 = arith.constant 0 : i32
    %dma_start3A_140 = tpu.memref_slice %arg10[%add3A_138, %dma_start3A_139] : memref<10240x128xf32, #tpu.memory_space<vmem_shared>> -> memref<128x128xf32, #tpu.memory_space<vmem_shared>>
    %dma_start3A_141 = arith.constant 0 : i32
    %dma_start3A_142 = tpu.memref_slice %arg10[%add3A_138, %dma_start3A_141] : memref<10240x128xf32, #tpu.memory_space<vmem_shared>> -> memref<128x128xf32, #tpu.memory_space<vmem_shared>>
    tpu.enqueue_dma source(%dma_start3A_142 : memref<128x128xf32, #tpu.memory_space<vmem_shared>>) target(%arg8 : memref<128x128xf32, #tpu.memory_space<vmem>>) target_semaphore(%arg11 : memref<!tpu.dma_semaphore, #tpu.memory_space<semaphore_mem>>)
    "tpu.region"() ({
      %run_scoped3A_173 = tpu.sem_alloc : memref<!tpu.dma_semaphore, #tpu.memory_space<semaphore_mem>>
      %dma_start3A_174 = arith.constant 0 : i32
      %dma_start3A_175 = tpu.memref_slice %arg5[%arg0, %add3A_132, %dma_start3A_174] : memref<2x10240x128xf32, #tpu.memory_space<hbm>> -> memref<1x128x128xf32, #tpu.memory_space<hbm>>
      %dma_start3A_176 = tpu.memref_squeeze %dma_start3A_175 : memref<1x128x128xf32, #tpu.memory_space<hbm>> -> memref<128x128xf32, #tpu.memory_space<hbm>>
      %dma_start3A_177 = arith.constant 0 : i32
      %dma_start3A_178 = tpu.memref_slice %arg5[%arg0, %add3A_132, %dma_start3A_177] : memref<2x10240x128xf32, #tpu.memory_space<hbm>> -> memref<1x128x128xf32, #tpu.memory_space<hbm>>
      %dma_start3A_179 = tpu.memref_squeeze %dma_start3A_178 : memref<1x128x128xf32, #tpu.memory_space<hbm>> -> memref<128x128xf32, #tpu.memory_space<hbm>>
      tpu.enqueue_dma source(%arg9 : memref<128x128xf32, #tpu.memory_space<vmem>>) target(%dma_start3A_179 : memref<128x128xf32, #tpu.memory_space<hbm>>) target_semaphore(%run_scoped3A_173 : memref<!tpu.dma_semaphore, #tpu.memory_space<semaphore_mem>>)
      %dma_wait3A_180 = arith.constant 0 : i32
      %dma_wait3A_181 = tpu.memref_slice %arg5[%arg0, %add3A_132, %dma_wait3A_180] : memref<2x10240x128xf32, #tpu.memory_space<hbm>> -> memref<1x128x128xf32, #tpu.memory_space<hbm>>
      %dma_wait3A_182 = tpu.memref_squeeze %dma_wait3A_181 : memref<1x128x128xf32, #tpu.memory_space<hbm>> -> memref<128x128xf32, #tpu.memory_space<hbm>>
      %dma_wait3A_183 = arith.constant 0 : i32
      %dma_wait3A_184 = tpu.memref_slice %arg5[%arg0, %add3A_132, %dma_wait3A_183] : memref<2x10240x128xf32, #tpu.memory_space<hbm>> -> memref<1x128x128xf32, #tpu.memory_space<hbm>>
      %dma_wait3A_185 = tpu.memref_squeeze %dma_wait3A_184 : memref<1x128x128xf32, #tpu.memory_space<hbm>> -> memref<128x128xf32, #tpu.memory_space<hbm>>
      tpu.wait_dma2 semaphore(%run_scoped3A_173 : memref<!tpu.dma_semaphore, #tpu.memory_space<semaphore_mem>>) src(%arg9 : memref<128x128xf32, #tpu.memory_space<vmem>>) dst(%dma_wait3A_185 : memref<128x128xf32, #tpu.memory_space<hbm>>)
      tpu.yield
    }) : () -> ()
    %add3A_143 = arith.constant 256 : i32
    %add3A_144 = arith.addi %mul3A_2, %add3A_143 : i32
    %dma_wait3A_145 = arith.constant 0 : i32
    %dma_wait3A_146 = tpu.memref_slice %arg10[%add3A_144, %dma_wait3A_145] : memref<10240x128xf32, #tpu.memory_space<vmem_shared>> -> memref<128x128xf32, #tpu.memory_space<vmem_shared>>
    %dma_wait3A_147 = arith.constant 0 : i32
    %dma_wait3A_148 = tpu.memref_slice %arg10[%add3A_144, %dma_wait3A_147] : memref<10240x128xf32, #tpu.memory_space<vmem_shared>> -> memref<128x128xf32, #tpu.memory_space<vmem_shared>>
    tpu.wait_dma2 semaphore(%arg11 : memref<!tpu.dma_semaphore, #tpu.memory_space<semaphore_mem>>) src(%dma_wait3A_148 : memref<128x128xf32, #tpu.memory_space<vmem_shared>>) dst(%arg8 : memref<128x128xf32, #tpu.memory_space<vmem>>)
    %add3A_149 = arith.constant 128 : i32
    %add3A_150 = arith.addi %add3A_144, %add3A_149 : i32
    %dma_start3A_151 = arith.constant 0 : i32
    %dma_start3A_152 = tpu.memref_slice %arg10[%add3A_150, %dma_start3A_151] : memref<10240x128xf32, #tpu.memory_space<vmem_shared>> -> memref<128x128xf32, #tpu.memory_space<vmem_shared>>
    %dma_start3A_153 = arith.constant 0 : i32
    %dma_start3A_154 = tpu.memref_slice %arg10[%add3A_150, %dma_start3A_153] : memref<10240x128xf32, #tpu.memory_space<vmem_shared>> -> memref<128x128xf32, #tpu.memory_space<vmem_shared>>
    tpu.enqueue_dma source(%dma_start3A_154 : memref<128x128xf32, #tpu.memory_space<vmem_shared>>) target(%arg9 : memref<128x128xf32, #tpu.memory_space<vmem>>) target_semaphore(%arg12 : memref<!tpu.dma_semaphore, #tpu.memory_space<semaphore_mem>>)
    "tpu.region"() ({
      %run_scoped3A_173 = tpu.sem_alloc : memref<!tpu.dma_semaphore, #tpu.memory_space<semaphore_mem>>
      %dma_start3A_174 = arith.constant 0 : i32
      %dma_start3A_175 = tpu.memref_slice %arg5[%arg0, %add3A_144, %dma_start3A_174] : memref<2x10240x128xf32, #tpu.memory_space<hbm>> -> memref<1x128x128xf32, #tpu.memory_space<hbm>>
      %dma_start3A_176 = tpu.memref_squeeze %dma_start3A_175 : memref<1x128x128xf32, #tpu.memory_space<hbm>> -> memref<128x128xf32, #tpu.memory_space<hbm>>
      %dma_start3A_177 = arith.constant 0 : i32
      %dma_start3A_178 = tpu.memref_slice %arg5[%arg0, %add3A_144, %dma_start3A_177] : memref<2x10240x128xf32, #tpu.memory_space<hbm>> -> memref<1x128x128xf32, #tpu.memory_space<hbm>>
      %dma_start3A_179 = tpu.memref_squeeze %dma_start3A_178 : memref<1x128x128xf32, #tpu.memory_space<hbm>> -> memref<128x128xf32, #tpu.memory_space<hbm>>
      tpu.enqueue_dma source(%arg8 : memref<128x128xf32, #tpu.memory_space<vmem>>) target(%dma_start3A_179 : memref<128x128xf32, #tpu.memory_space<hbm>>) target_semaphore(%run_scoped3A_173 : memref<!tpu.dma_semaphore, #tpu.memory_space<semaphore_mem>>)
      %dma_wait3A_180 = arith.constant 0 : i32
      %dma_wait3A_181 = tpu.memref_slice %arg5[%arg0, %add3A_144, %dma_wait3A_180] : memref<2x10240x128xf32, #tpu.memory_space<hbm>> -> memref<1x128x128xf32, #tpu.memory_space<hbm>>
      %dma_wait3A_182 = tpu.memref_squeeze %dma_wait3A_181 : memref<1x128x128xf32, #tpu.memory_space<hbm>> -> memref<128x128xf32, #tpu.memory_space<hbm>>
      %dma_wait3A_183 = arith.constant 0 : i32
      %dma_wait3A_184 = tpu.memref_slice %arg5[%arg0, %add3A_144, %dma_wait3A_183] : memref<2x10240x128xf32, #tpu.memory_space<hbm>> -> memref<1x128x128xf32, #tpu.memory_space<hbm>>
      %dma_wait3A_185 = tpu.memref_squeeze %dma_wait3A_184 : memref<1x128x128xf32, #tpu.memory_space<hbm>> -> memref<128x128xf32, #tpu.memory_space<hbm>>
      tpu.wait_dma2 semaphore(%run_scoped3A_173 : memref<!tpu.dma_semaphore, #tpu.memory_space<semaphore_mem>>) src(%arg8 : memref<128x128xf32, #tpu.memory_space<vmem>>) dst(%dma_wait3A_185 : memref<128x128xf32, #tpu.memory_space<hbm>>)
      tpu.yield
    }) : () -> ()
    %add3A_155 = arith.constant 384 : i32
    %add3A_156 = arith.addi %mul3A_2, %add3A_155 : i32
    %dma_wait3A_157 = arith.constant 0 : i32
    %dma_wait3A_158 = tpu.memref_slice %arg10[%add3A_156, %dma_wait3A_157] : memref<10240x128xf32, #tpu.memory_space<vmem_shared>> -> memref<128x128xf32, #tpu.memory_space<vmem_shared>>
    %dma_wait3A_159 = arith.constant 0 : i32
    %dma_wait3A_160 = tpu.memref_slice %arg10[%add3A_156, %dma_wait3A_159] : memref<10240x128xf32, #tpu.memory_space<vmem_shared>> -> memref<128x128xf32, #tpu.memory_space<vmem_shared>>
    tpu.wait_dma2 semaphore(%arg12 : memref<!tpu.dma_semaphore, #tpu.memory_space<semaphore_mem>>) src(%dma_wait3A_160 : memref<128x128xf32, #tpu.memory_space<vmem_shared>>) dst(%arg9 : memref<128x128xf32, #tpu.memory_space<vmem>>)
    %add3A_161 = arith.constant 128 : i32
    %add3A_162 = arith.addi %add3A_156, %add3A_161 : i32
    %dma_start3A_163 = arith.constant 0 : i32
    %dma_start3A_164 = tpu.memref_slice %arg10[%add3A_162, %dma_start3A_163] : memref<10240x128xf32, #tpu.memory_space<vmem_shared>> -> memref<128x128xf32, #tpu.memory_space<vmem_shared>>
    %dma_start3A_165 = arith.constant 0 : i32
    %dma_start3A_166 = tpu.memref_slice %arg10[%add3A_162, %dma_start3A_165] : memref<10240x128xf32, #tpu.memory_space<vmem_shared>> -> memref<128x128xf32, #tpu.memory_space<vmem_shared>>
    tpu.enqueue_dma source(%dma_start3A_166 : memref<128x128xf32, #tpu.memory_space<vmem_shared>>) target(%arg8 : memref<128x128xf32, #tpu.memory_space<vmem>>) target_semaphore(%arg11 : memref<!tpu.dma_semaphore, #tpu.memory_space<semaphore_mem>>)
    "tpu.region"() ({
      %run_scoped3A_173 = tpu.sem_alloc : memref<!tpu.dma_semaphore, #tpu.memory_space<semaphore_mem>>
      %dma_start3A_174 = arith.constant 0 : i32
      %dma_start3A_175 = tpu.memref_slice %arg5[%arg0, %add3A_156, %dma_start3A_174] : memref<2x10240x128xf32, #tpu.memory_space<hbm>> -> memref<1x128x128xf32, #tpu.memory_space<hbm>>
      %dma_start3A_176 = tpu.memref_squeeze %dma_start3A_175 : memref<1x128x128xf32, #tpu.memory_space<hbm>> -> memref<128x128xf32, #tpu.memory_space<hbm>>
      %dma_start3A_177 = arith.constant 0 : i32
      %dma_start3A_178 = tpu.memref_slice %arg5[%arg0, %add3A_156, %dma_start3A_177] : memref<2x10240x128xf32, #tpu.memory_space<hbm>> -> memref<1x128x128xf32, #tpu.memory_space<hbm>>
      %dma_start3A_179 = tpu.memref_squeeze %dma_start3A_178 : memref<1x128x128xf32, #tpu.memory_space<hbm>> -> memref<128x128xf32, #tpu.memory_space<hbm>>
      tpu.enqueue_dma source(%arg9 : memref<128x128xf32, #tpu.memory_space<vmem>>) target(%dma_start3A_179 : memref<128x128xf32, #tpu.memory_space<hbm>>) target_semaphore(%run_scoped3A_173 : memref<!tpu.dma_semaphore, #tpu.memory_space<semaphore_mem>>)
      %dma_wait3A_180 = arith.constant 0 : i32
      %dma_wait3A_181 = tpu.memref_slice %arg5[%arg0, %add3A_156, %dma_wait3A_180] : memref<2x10240x128xf32, #tpu.memory_space<hbm>> -> memref<1x128x128xf32, #tpu.memory_space<hbm>>
      %dma_wait3A_182 = tpu.memref_squeeze %dma_wait3A_181 : memref<1x128x128xf32, #tpu.memory_space<hbm>> -> memref<128x128xf32, #tpu.memory_space<hbm>>
      %dma_wait3A_183 = arith.constant 0 : i32
      %dma_wait3A_184 = tpu.memref_slice %arg5[%arg0, %add3A_156, %dma_wait3A_183] : memref<2x10240x128xf32, #tpu.memory_space<hbm>> -> memref<1x128x128xf32, #tpu.memory_space<hbm>>
      %dma_wait3A_185 = tpu.memref_squeeze %dma_wait3A_184 : memref<1x128x128xf32, #tpu.memory_space<hbm>> -> memref<128x128xf32, #tpu.memory_space<hbm>>
      tpu.wait_dma2 semaphore(%run_scoped3A_173 : memref<!tpu.dma_semaphore, #tpu.memory_space<semaphore_mem>>) src(%arg9 : memref<128x128xf32, #tpu.memory_space<vmem>>) dst(%dma_wait3A_185 : memref<128x128xf32, #tpu.memory_space<hbm>>)
      tpu.yield
    }) : () -> ()
    %add3A_167 = arith.constant 512 : i32
    %add3A_168 = arith.addi %mul3A_2, %add3A_167 : i32
    %dma_wait3A_169 = arith.constant 0 : i32
    %dma_wait3A_170 = tpu.memref_slice %arg10[%add3A_168, %dma_wait3A_169] : memref<10240x128xf32, #tpu.memory_space<vmem_shared>> -> memref<128x128xf32, #tpu.memory_space<vmem_shared>>
    %dma_wait3A_171 = arith.constant 0 : i32
    %dma_wait3A_172 = tpu.memref_slice %arg10[%add3A_168, %dma_wait3A_171] : memref<10240x128xf32, #tpu.memory_space<vmem_shared>> -> memref<128x128xf32, #tpu.memory_space<vmem_shared>>
    tpu.wait_dma2 semaphore(%arg11 : memref<!tpu.dma_semaphore, #tpu.memory_space<semaphore_mem>>) src(%dma_wait3A_172 : memref<128x128xf32, #tpu.memory_space<vmem_shared>>) dst(%arg8 : memref<128x128xf32, #tpu.memory_space<vmem>>)
    "tpu.region"() ({
      %run_scoped3A_173 = tpu.sem_alloc : memref<!tpu.dma_semaphore, #tpu.memory_space<semaphore_mem>>
      %dma_start3A_174 = arith.constant 0 : i32
      %dma_start3A_175 = tpu.memref_slice %arg5[%arg0, %add3A_168, %dma_start3A_174] : memref<2x10240x128xf32, #tpu.memory_space<hbm>> -> memref<1x128x128xf32, #tpu.memory_space<hbm>>
      %dma_start3A_176 = tpu.memref_squeeze %dma_start3A_175 : memref<1x128x128xf32, #tpu.memory_space<hbm>> -> memref<128x128xf32, #tpu.memory_space<hbm>>
      %dma_start3A_177 = arith.constant 0 : i32
      %dma_start3A_178 = tpu.memref_slice %arg5[%arg0, %add3A_168, %dma_start3A_177] : memref<2x10240x128xf32, #tpu.memory_space<hbm>> -> memref<1x128x128xf32, #tpu.memory_space<hbm>>
      %dma_start3A_179 = tpu.memref_squeeze %dma_start3A_178 : memref<1x128x128xf32, #tpu.memory_space<hbm>> -> memref<128x128xf32, #tpu.memory_space<hbm>>
      tpu.enqueue_dma source(%arg8 : memref<128x128xf32, #tpu.memory_space<vmem>>) target(%dma_start3A_179 : memref<128x128xf32, #tpu.memory_space<hbm>>) target_semaphore(%run_scoped3A_173 : memref<!tpu.dma_semaphore, #tpu.memory_space<semaphore_mem>>)
      %dma_wait3A_180 = arith.constant 0 : i32
      %dma_wait3A_181 = tpu.memref_slice %arg5[%arg0, %add3A_168, %dma_wait3A_180] : memref<2x10240x128xf32, #tpu.memory_space<hbm>> -> memref<1x128x128xf32, #tpu.memory_space<hbm>>
      %dma_wait3A_182 = tpu.memref_squeeze %dma_wait3A_181 : memref<1x128x128xf32, #tpu.memory_space<hbm>> -> memref<128x128xf32, #tpu.memory_space<hbm>>
      %dma_wait3A_183 = arith.constant 0 : i32
      %dma_wait3A_184 = tpu.memref_slice %arg5[%arg0, %add3A_168, %dma_wait3A_183] : memref<2x10240x128xf32, #tpu.memory_space<hbm>> -> memref<1x128x128xf32, #tpu.memory_space<hbm>>
      %dma_wait3A_185 = tpu.memref_squeeze %dma_wait3A_184 : memref<1x128x128xf32, #tpu.memory_space<hbm>> -> memref<128x128xf32, #tpu.memory_space<hbm>>
      tpu.wait_dma2 semaphore(%run_scoped3A_173 : memref<!tpu.dma_semaphore, #tpu.memory_space<semaphore_mem>>) src(%arg8 : memref<128x128xf32, #tpu.memory_space<vmem>>) dst(%dma_wait3A_185 : memref<128x128xf32, #tpu.memory_space<hbm>>)
      tpu.yield
    }) : () -> ()
    return
  }
}

#map = affine_map<(d0, d1) -> (0, 0)>
#map1 = affine_map<(d0, d1) -> (0, 0, 0)>
module attributes {stable_mosaic.version = 14 : i64} {
  func.func @_msg_body(%arg0: i32, %arg1: i32, %arg2: memref<10240x128xf32, #tpu.memory_space<hbm>>, %arg3: memref<32x79x128xi32, #tpu.memory_space<hbm>>, %arg4: memref<32x79x128xi32, #tpu.memory_space<hbm>>, %arg5: memref<2x10240x128xf32, #tpu.memory_space<hbm>>, %arg6: memref<40x128xi32, #tpu.memory_space<vmem>>, %arg7: memref<40x128xi32, #tpu.memory_space<vmem>>, %arg8: memref<128x128xf32, #tpu.memory_space<vmem>>, %arg9: memref<128x128xf32, #tpu.memory_space<vmem>>, %arg10: memref<10240x128xf32, #tpu.memory_space<vmem_shared>>, %arg11: memref<!tpu.dma_semaphore, #tpu.memory_space<semaphore_mem>>, %arg12: memref<!tpu.dma_semaphore, #tpu.memory_space<semaphore_mem>>) attributes {dimension_semantics = [#tpu.dimension_semantics<core_parallel>, #tpu.dimension_semantics<subcore_parallel>], iteration_bounds = array<i64: 2, 16>, scalar_prefetch = 0 : i64, scratch_operands = 7 : i64, tpu.core_type = #tpu.core_type<sc_vector_subcore>, window_params = [{transform_indices = #map}, {transform_indices = #map1}, {transform_indices = #map1}, {transform_indices = #map1}]} {
    %mul3A = arith.constant 2 : i32
    %mul3A_0 = arith.muli %arg1, %mul3A : i32
    %add3A = arith.addi %mul3A_0, %arg0 : i32
    %mul3A_1 = arith.constant 640 : i32
    %mul3A_2 = arith.muli %arg1, %mul3A_1 : i32
    %dma_start3A = arith.constant 0 : i32
    %dma_start3A_3 = tpu.memref_slice %arg2[%mul3A_2, %dma_start3A] : memref<10240x128xf32, #tpu.memory_space<hbm>> -> memref<128x128xf32, #tpu.memory_space<hbm>>
    %dma_start3A_4 = arith.constant 0 : i32
    %dma_start3A_5 = tpu.memref_slice %arg2[%mul3A_2, %dma_start3A_4] : memref<10240x128xf32, #tpu.memory_space<hbm>> -> memref<128x128xf32, #tpu.memory_space<hbm>>
    tpu.enqueue_dma source(%dma_start3A_5 : memref<128x128xf32, #tpu.memory_space<hbm>>) target(%arg8 : memref<128x128xf32, #tpu.memory_space<vmem>>) target_semaphore(%arg11 : memref<!tpu.dma_semaphore, #tpu.memory_space<semaphore_mem>>)
    %add3A_6 = arith.constant 0 : i32
    %add3A_7 = arith.addi %mul3A_2, %add3A_6 : i32
    %dma_wait3A = arith.constant 0 : i32
    %dma_wait3A_8 = tpu.memref_slice %arg2[%add3A_7, %dma_wait3A] : memref<10240x128xf32, #tpu.memory_space<hbm>> -> memref<128x128xf32, #tpu.memory_space<hbm>>
    %dma_wait3A_9 = arith.constant 0 : i32
    %dma_wait3A_10 = tpu.memref_slice %arg2[%add3A_7, %dma_wait3A_9] : memref<10240x128xf32, #tpu.memory_space<hbm>> -> memref<128x128xf32, #tpu.memory_space<hbm>>
    tpu.wait_dma2 semaphore(%arg11 : memref<!tpu.dma_semaphore, #tpu.memory_space<semaphore_mem>>) src(%dma_wait3A_10 : memref<128x128xf32, #tpu.memory_space<hbm>>) dst(%arg8 : memref<128x128xf32, #tpu.memory_space<vmem>>)
    %add3A_11 = arith.constant 128 : i32
    %add3A_12 = arith.addi %add3A_7, %add3A_11 : i32
    %dma_start3A_13 = arith.constant 0 : i32
    %dma_start3A_14 = tpu.memref_slice %arg2[%add3A_12, %dma_start3A_13] : memref<10240x128xf32, #tpu.memory_space<hbm>> -> memref<128x128xf32, #tpu.memory_space<hbm>>
    %dma_start3A_15 = arith.constant 0 : i32
    %dma_start3A_16 = tpu.memref_slice %arg2[%add3A_12, %dma_start3A_15] : memref<10240x128xf32, #tpu.memory_space<hbm>> -> memref<128x128xf32, #tpu.memory_space<hbm>>
    tpu.enqueue_dma source(%dma_start3A_16 : memref<128x128xf32, #tpu.memory_space<hbm>>) target(%arg9 : memref<128x128xf32, #tpu.memory_space<vmem>>) target_semaphore(%arg12 : memref<!tpu.dma_semaphore, #tpu.memory_space<semaphore_mem>>)
    "tpu.region"() ({
      %run_scoped3A_173 = tpu.sem_alloc : memref<!tpu.dma_semaphore, #tpu.memory_space<semaphore_mem>>
      %dma_start3A_174 = arith.constant 0 : i32
      %dma_start3A_175 = tpu.memref_slice %arg10[%add3A_7, %dma_start3A_174] : memref<10240x128xf32, #tpu.memory_space<vmem_shared>> -> memref<128x128xf32, #tpu.memory_space<vmem_shared>>
      %dma_start3A_176 = arith.constant 0 : i32
      %dma_start3A_177 = tpu.memref_slice %arg10[%add3A_7, %dma_start3A_176] : memref<10240x128xf32, #tpu.memory_space<vmem_shared>> -> memref<128x128xf32, #tpu.memory_space<vmem_shared>>
      tpu.enqueue_dma source(%arg8 : memref<128x128xf32, #tpu.memory_space<vmem>>) target(%dma_start3A_177 : memref<128x128xf32, #tpu.memory_space<vmem_shared>>) target_semaphore(%run_scoped3A_173 : memref<!tpu.dma_semaphore, #tpu.memory_space<semaphore_mem>>)
      %dma_wait3A_178 = arith.constant 0 : i32
      %dma_wait3A_179 = tpu.memref_slice %arg10[%add3A_7, %dma_wait3A_178] : memref<10240x128xf32, #tpu.memory_space<vmem_shared>> -> memref<128x128xf32, #tpu.memory_space<vmem_shared>>
      %dma_wait3A_180 = arith.constant 0 : i32
      %dma_wait3A_181 = tpu.memref_slice %arg10[%add3A_7, %dma_wait3A_180] : memref<10240x128xf32, #tpu.memory_space<vmem_shared>> -> memref<128x128xf32, #tpu.memory_space<vmem_shared>>
      tpu.wait_dma2 semaphore(%run_scoped3A_173 : memref<!tpu.dma_semaphore, #tpu.memory_space<semaphore_mem>>) src(%arg8 : memref<128x128xf32, #tpu.memory_space<vmem>>) dst(%dma_wait3A_181 : memref<128x128xf32, #tpu.memory_space<vmem_shared>>)
      tpu.yield
    }) : () -> ()
    %add3A_17 = arith.constant 128 : i32
    %add3A_18 = arith.addi %mul3A_2, %add3A_17 : i32
    %dma_wait3A_19 = arith.constant 0 : i32
    %dma_wait3A_20 = tpu.memref_slice %arg2[%add3A_18, %dma_wait3A_19] : memref<10240x128xf32, #tpu.memory_space<hbm>> -> memref<128x128xf32, #tpu.memory_space<hbm>>
    %dma_wait3A_21 = arith.constant 0 : i32
    %dma_wait3A_22 = tpu.memref_slice %arg2[%add3A_18, %dma_wait3A_21] : memref<10240x128xf32, #tpu.memory_space<hbm>> -> memref<128x128xf32, #tpu.memory_space<hbm>>
    tpu.wait_dma2 semaphore(%arg12 : memref<!tpu.dma_semaphore, #tpu.memory_space<semaphore_mem>>) src(%dma_wait3A_22 : memref<128x128xf32, #tpu.memory_space<hbm>>) dst(%arg9 : memref<128x128xf32, #tpu.memory_space<vmem>>)
    %add3A_23 = arith.constant 128 : i32
    %add3A_24 = arith.addi %add3A_18, %add3A_23 : i32
    %dma_start3A_25 = arith.constant 0 : i32
    %dma_start3A_26 = tpu.memref_slice %arg2[%add3A_24, %dma_start3A_25] : memref<10240x128xf32, #tpu.memory_space<hbm>> -> memref<128x128xf32, #tpu.memory_space<hbm>>
    %dma_start3A_27 = arith.constant 0 : i32
    %dma_start3A_28 = tpu.memref_slice %arg2[%add3A_24, %dma_start3A_27] : memref<10240x128xf32, #tpu.memory_space<hbm>> -> memref<128x128xf32, #tpu.memory_space<hbm>>
    tpu.enqueue_dma source(%dma_start3A_28 : memref<128x128xf32, #tpu.memory_space<hbm>>) target(%arg8 : memref<128x128xf32, #tpu.memory_space<vmem>>) target_semaphore(%arg11 : memref<!tpu.dma_semaphore, #tpu.memory_space<semaphore_mem>>)
    "tpu.region"() ({
      %run_scoped3A_173 = tpu.sem_alloc : memref<!tpu.dma_semaphore, #tpu.memory_space<semaphore_mem>>
      %dma_start3A_174 = arith.constant 0 : i32
      %dma_start3A_175 = tpu.memref_slice %arg10[%add3A_18, %dma_start3A_174] : memref<10240x128xf32, #tpu.memory_space<vmem_shared>> -> memref<128x128xf32, #tpu.memory_space<vmem_shared>>
      %dma_start3A_176 = arith.constant 0 : i32
      %dma_start3A_177 = tpu.memref_slice %arg10[%add3A_18, %dma_start3A_176] : memref<10240x128xf32, #tpu.memory_space<vmem_shared>> -> memref<128x128xf32, #tpu.memory_space<vmem_shared>>
      tpu.enqueue_dma source(%arg9 : memref<128x128xf32, #tpu.memory_space<vmem>>) target(%dma_start3A_177 : memref<128x128xf32, #tpu.memory_space<vmem_shared>>) target_semaphore(%run_scoped3A_173 : memref<!tpu.dma_semaphore, #tpu.memory_space<semaphore_mem>>)
      %dma_wait3A_178 = arith.constant 0 : i32
      %dma_wait3A_179 = tpu.memref_slice %arg10[%add3A_18, %dma_wait3A_178] : memref<10240x128xf32, #tpu.memory_space<vmem_shared>> -> memref<128x128xf32, #tpu.memory_space<vmem_shared>>
      %dma_wait3A_180 = arith.constant 0 : i32
      %dma_wait3A_181 = tpu.memref_slice %arg10[%add3A_18, %dma_wait3A_180] : memref<10240x128xf32, #tpu.memory_space<vmem_shared>> -> memref<128x128xf32, #tpu.memory_space<vmem_shared>>
      tpu.wait_dma2 semaphore(%run_scoped3A_173 : memref<!tpu.dma_semaphore, #tpu.memory_space<semaphore_mem>>) src(%arg9 : memref<128x128xf32, #tpu.memory_space<vmem>>) dst(%dma_wait3A_181 : memref<128x128xf32, #tpu.memory_space<vmem_shared>>)
      tpu.yield
    }) : () -> ()
    %add3A_29 = arith.constant 256 : i32
    %add3A_30 = arith.addi %mul3A_2, %add3A_29 : i32
    %dma_wait3A_31 = arith.constant 0 : i32
    %dma_wait3A_32 = tpu.memref_slice %arg2[%add3A_30, %dma_wait3A_31] : memref<10240x128xf32, #tpu.memory_space<hbm>> -> memref<128x128xf32, #tpu.memory_space<hbm>>
    %dma_wait3A_33 = arith.constant 0 : i32
    %dma_wait3A_34 = tpu.memref_slice %arg2[%add3A_30, %dma_wait3A_33] : memref<10240x128xf32, #tpu.memory_space<hbm>> -> memref<128x128xf32, #tpu.memory_space<hbm>>
    tpu.wait_dma2 semaphore(%arg11 : memref<!tpu.dma_semaphore, #tpu.memory_space<semaphore_mem>>) src(%dma_wait3A_34 : memref<128x128xf32, #tpu.memory_space<hbm>>) dst(%arg8 : memref<128x128xf32, #tpu.memory_space<vmem>>)
    %add3A_35 = arith.constant 128 : i32
    %add3A_36 = arith.addi %add3A_30, %add3A_35 : i32
    %dma_start3A_37 = arith.constant 0 : i32
    %dma_start3A_38 = tpu.memref_slice %arg2[%add3A_36, %dma_start3A_37] : memref<10240x128xf32, #tpu.memory_space<hbm>> -> memref<128x128xf32, #tpu.memory_space<hbm>>
    %dma_start3A_39 = arith.constant 0 : i32
    %dma_start3A_40 = tpu.memref_slice %arg2[%add3A_36, %dma_start3A_39] : memref<10240x128xf32, #tpu.memory_space<hbm>> -> memref<128x128xf32, #tpu.memory_space<hbm>>
    tpu.enqueue_dma source(%dma_start3A_40 : memref<128x128xf32, #tpu.memory_space<hbm>>) target(%arg9 : memref<128x128xf32, #tpu.memory_space<vmem>>) target_semaphore(%arg12 : memref<!tpu.dma_semaphore, #tpu.memory_space<semaphore_mem>>)
    "tpu.region"() ({
      %run_scoped3A_173 = tpu.sem_alloc : memref<!tpu.dma_semaphore, #tpu.memory_space<semaphore_mem>>
      %dma_start3A_174 = arith.constant 0 : i32
      %dma_start3A_175 = tpu.memref_slice %arg10[%add3A_30, %dma_start3A_174] : memref<10240x128xf32, #tpu.memory_space<vmem_shared>> -> memref<128x128xf32, #tpu.memory_space<vmem_shared>>
      %dma_start3A_176 = arith.constant 0 : i32
      %dma_start3A_177 = tpu.memref_slice %arg10[%add3A_30, %dma_start3A_176] : memref<10240x128xf32, #tpu.memory_space<vmem_shared>> -> memref<128x128xf32, #tpu.memory_space<vmem_shared>>
      tpu.enqueue_dma source(%arg8 : memref<128x128xf32, #tpu.memory_space<vmem>>) target(%dma_start3A_177 : memref<128x128xf32, #tpu.memory_space<vmem_shared>>) target_semaphore(%run_scoped3A_173 : memref<!tpu.dma_semaphore, #tpu.memory_space<semaphore_mem>>)
      %dma_wait3A_178 = arith.constant 0 : i32
      %dma_wait3A_179 = tpu.memref_slice %arg10[%add3A_30, %dma_wait3A_178] : memref<10240x128xf32, #tpu.memory_space<vmem_shared>> -> memref<128x128xf32, #tpu.memory_space<vmem_shared>>
      %dma_wait3A_180 = arith.constant 0 : i32
      %dma_wait3A_181 = tpu.memref_slice %arg10[%add3A_30, %dma_wait3A_180] : memref<10240x128xf32, #tpu.memory_space<vmem_shared>> -> memref<128x128xf32, #tpu.memory_space<vmem_shared>>
      tpu.wait_dma2 semaphore(%run_scoped3A_173 : memref<!tpu.dma_semaphore, #tpu.memory_space<semaphore_mem>>) src(%arg8 : memref<128x128xf32, #tpu.memory_space<vmem>>) dst(%dma_wait3A_181 : memref<128x128xf32, #tpu.memory_space<vmem_shared>>)
      tpu.yield
    }) : () -> ()
    %add3A_41 = arith.constant 384 : i32
    %add3A_42 = arith.addi %mul3A_2, %add3A_41 : i32
    %dma_wait3A_43 = arith.constant 0 : i32
    %dma_wait3A_44 = tpu.memref_slice %arg2[%add3A_42, %dma_wait3A_43] : memref<10240x128xf32, #tpu.memory_space<hbm>> -> memref<128x128xf32, #tpu.memory_space<hbm>>
    %dma_wait3A_45 = arith.constant 0 : i32
    %dma_wait3A_46 = tpu.memref_slice %arg2[%add3A_42, %dma_wait3A_45] : memref<10240x128xf32, #tpu.memory_space<hbm>> -> memref<128x128xf32, #tpu.memory_space<hbm>>
    tpu.wait_dma2 semaphore(%arg12 : memref<!tpu.dma_semaphore, #tpu.memory_space<semaphore_mem>>) src(%dma_wait3A_46 : memref<128x128xf32, #tpu.memory_space<hbm>>) dst(%arg9 : memref<128x128xf32, #tpu.memory_space<vmem>>)
    %add3A_47 = arith.constant 128 : i32
    %add3A_48 = arith.addi %add3A_42, %add3A_47 : i32
    %dma_start3A_49 = arith.constant 0 : i32
    %dma_start3A_50 = tpu.memref_slice %arg2[%add3A_48, %dma_start3A_49] : memref<10240x128xf32, #tpu.memory_space<hbm>> -> memref<128x128xf32, #tpu.memory_space<hbm>>
    %dma_start3A_51 = arith.constant 0 : i32
    %dma_start3A_52 = tpu.memref_slice %arg2[%add3A_48, %dma_start3A_51] : memref<10240x128xf32, #tpu.memory_space<hbm>> -> memref<128x128xf32, #tpu.memory_space<hbm>>
    tpu.enqueue_dma source(%dma_start3A_52 : memref<128x128xf32, #tpu.memory_space<hbm>>) target(%arg8 : memref<128x128xf32, #tpu.memory_space<vmem>>) target_semaphore(%arg11 : memref<!tpu.dma_semaphore, #tpu.memory_space<semaphore_mem>>)
    "tpu.region"() ({
      %run_scoped3A_173 = tpu.sem_alloc : memref<!tpu.dma_semaphore, #tpu.memory_space<semaphore_mem>>
      %dma_start3A_174 = arith.constant 0 : i32
      %dma_start3A_175 = tpu.memref_slice %arg10[%add3A_42, %dma_start3A_174] : memref<10240x128xf32, #tpu.memory_space<vmem_shared>> -> memref<128x128xf32, #tpu.memory_space<vmem_shared>>
      %dma_start3A_176 = arith.constant 0 : i32
      %dma_start3A_177 = tpu.memref_slice %arg10[%add3A_42, %dma_start3A_176] : memref<10240x128xf32, #tpu.memory_space<vmem_shared>> -> memref<128x128xf32, #tpu.memory_space<vmem_shared>>
      tpu.enqueue_dma source(%arg9 : memref<128x128xf32, #tpu.memory_space<vmem>>) target(%dma_start3A_177 : memref<128x128xf32, #tpu.memory_space<vmem_shared>>) target_semaphore(%run_scoped3A_173 : memref<!tpu.dma_semaphore, #tpu.memory_space<semaphore_mem>>)
      %dma_wait3A_178 = arith.constant 0 : i32
      %dma_wait3A_179 = tpu.memref_slice %arg10[%add3A_42, %dma_wait3A_178] : memref<10240x128xf32, #tpu.memory_space<vmem_shared>> -> memref<128x128xf32, #tpu.memory_space<vmem_shared>>
      %dma_wait3A_180 = arith.constant 0 : i32
      %dma_wait3A_181 = tpu.memref_slice %arg10[%add3A_42, %dma_wait3A_180] : memref<10240x128xf32, #tpu.memory_space<vmem_shared>> -> memref<128x128xf32, #tpu.memory_space<vmem_shared>>
      tpu.wait_dma2 semaphore(%run_scoped3A_173 : memref<!tpu.dma_semaphore, #tpu.memory_space<semaphore_mem>>) src(%arg9 : memref<128x128xf32, #tpu.memory_space<vmem>>) dst(%dma_wait3A_181 : memref<128x128xf32, #tpu.memory_space<vmem_shared>>)
      tpu.yield
    }) : () -> ()
    %add3A_53 = arith.constant 512 : i32
    %add3A_54 = arith.addi %mul3A_2, %add3A_53 : i32
    %dma_wait3A_55 = arith.constant 0 : i32
    %dma_wait3A_56 = tpu.memref_slice %arg2[%add3A_54, %dma_wait3A_55] : memref<10240x128xf32, #tpu.memory_space<hbm>> -> memref<128x128xf32, #tpu.memory_space<hbm>>
    %dma_wait3A_57 = arith.constant 0 : i32
    %dma_wait3A_58 = tpu.memref_slice %arg2[%add3A_54, %dma_wait3A_57] : memref<10240x128xf32, #tpu.memory_space<hbm>> -> memref<128x128xf32, #tpu.memory_space<hbm>>
    tpu.wait_dma2 semaphore(%arg11 : memref<!tpu.dma_semaphore, #tpu.memory_space<semaphore_mem>>) src(%dma_wait3A_58 : memref<128x128xf32, #tpu.memory_space<hbm>>) dst(%arg8 : memref<128x128xf32, #tpu.memory_space<vmem>>)
    "tpu.region"() ({
      %run_scoped3A_173 = tpu.sem_alloc : memref<!tpu.dma_semaphore, #tpu.memory_space<semaphore_mem>>
      %dma_start3A_174 = arith.constant 0 : i32
      %dma_start3A_175 = tpu.memref_slice %arg10[%add3A_54, %dma_start3A_174] : memref<10240x128xf32, #tpu.memory_space<vmem_shared>> -> memref<128x128xf32, #tpu.memory_space<vmem_shared>>
      %dma_start3A_176 = arith.constant 0 : i32
      %dma_start3A_177 = tpu.memref_slice %arg10[%add3A_54, %dma_start3A_176] : memref<10240x128xf32, #tpu.memory_space<vmem_shared>> -> memref<128x128xf32, #tpu.memory_space<vmem_shared>>
      tpu.enqueue_dma source(%arg8 : memref<128x128xf32, #tpu.memory_space<vmem>>) target(%dma_start3A_177 : memref<128x128xf32, #tpu.memory_space<vmem_shared>>) target_semaphore(%run_scoped3A_173 : memref<!tpu.dma_semaphore, #tpu.memory_space<semaphore_mem>>)
      %dma_wait3A_178 = arith.constant 0 : i32
      %dma_wait3A_179 = tpu.memref_slice %arg10[%add3A_54, %dma_wait3A_178] : memref<10240x128xf32, #tpu.memory_space<vmem_shared>> -> memref<128x128xf32, #tpu.memory_space<vmem_shared>>
      %dma_wait3A_180 = arith.constant 0 : i32
      %dma_wait3A_181 = tpu.memref_slice %arg10[%add3A_54, %dma_wait3A_180] : memref<10240x128xf32, #tpu.memory_space<vmem_shared>> -> memref<128x128xf32, #tpu.memory_space<vmem_shared>>
      tpu.wait_dma2 semaphore(%run_scoped3A_173 : memref<!tpu.dma_semaphore, #tpu.memory_space<semaphore_mem>>) src(%arg8 : memref<128x128xf32, #tpu.memory_space<vmem>>) dst(%dma_wait3A_181 : memref<128x128xf32, #tpu.memory_space<vmem_shared>>)
      tpu.yield
    }) : () -> ()
    %barrier3A = arith.constant 0 : index
    tpu.barrier barrier_id(%barrier3A)
    "tpu.region"() ({
      %run_scoped3A_173 = tpu.sem_alloc : memref<!tpu.dma_semaphore, #tpu.memory_space<semaphore_mem>>
      %dma_start3A_174 = arith.constant 0 : i32
      %dma_start3A_175 = arith.constant 0 : i32
      %dma_start3A_176 = tpu.memref_slice %arg6[%dma_start3A_174, %dma_start3A_175] : memref<40x128xi32, #tpu.memory_space<vmem>> -> memref<40x128xi32, #tpu.memory_space<vmem>>
      %dma_start3A_177 = arith.constant 0 : i32
      %dma_start3A_178 = arith.constant 0 : i32
      %dma_start3A_179 = tpu.memref_slice %arg3[%add3A, %dma_start3A_177, %dma_start3A_178] : memref<32x79x128xi32, #tpu.memory_space<hbm>> -> memref<1x40x128xi32, #tpu.memory_space<hbm>>
      %dma_start3A_180 = tpu.memref_squeeze %dma_start3A_179 : memref<1x40x128xi32, #tpu.memory_space<hbm>> -> memref<40x128xi32, #tpu.memory_space<hbm>>
      %dma_start3A_181 = arith.constant 0 : i32
      %dma_start3A_182 = arith.constant 0 : i32
      %dma_start3A_183 = tpu.memref_slice %arg6[%dma_start3A_181, %dma_start3A_182] : memref<40x128xi32, #tpu.memory_space<vmem>> -> memref<40x128xi32, #tpu.memory_space<vmem>>
      %dma_start3A_184 = arith.constant 0 : i32
      %dma_start3A_185 = arith.constant 0 : i32
      %dma_start3A_186 = tpu.memref_slice %arg3[%add3A, %dma_start3A_184, %dma_start3A_185] : memref<32x79x128xi32, #tpu.memory_space<hbm>> -> memref<1x40x128xi32, #tpu.memory_space<hbm>>
      %dma_start3A_187 = tpu.memref_squeeze %dma_start3A_186 : memref<1x40x128xi32, #tpu.memory_space<hbm>> -> memref<40x128xi32, #tpu.memory_space<hbm>>
      tpu.enqueue_dma source(%dma_start3A_187 : memref<40x128xi32, #tpu.memory_space<hbm>>) target(%dma_start3A_183 : memref<40x128xi32, #tpu.memory_space<vmem>>) target_semaphore(%run_scoped3A_173 : memref<!tpu.dma_semaphore, #tpu.memory_space<semaphore_mem>>)
      %dma_wait3A_188 = arith.constant 0 : i32
      %dma_wait3A_189 = arith.constant 0 : i32
      %dma_wait3A_190 = tpu.memref_slice %arg6[%dma_wait3A_188, %dma_wait3A_189] : memref<40x128xi32, #tpu.memory_space<vmem>> -> memref<40x128xi32, #tpu.memory_space<vmem>>
      %dma_wait3A_191 = arith.constant 0 : i32
      %dma_wait3A_192 = arith.constant 0 : i32
      %dma_wait3A_193 = tpu.memref_slice %arg3[%add3A, %dma_wait3A_191, %dma_wait3A_192] : memref<32x79x128xi32, #tpu.memory_space<hbm>> -> memref<1x40x128xi32, #tpu.memory_space<hbm>>
      %dma_wait3A_194 = tpu.memref_squeeze %dma_wait3A_193 : memref<1x40x128xi32, #tpu.memory_space<hbm>> -> memref<40x128xi32, #tpu.memory_space<hbm>>
      %dma_wait3A_195 = arith.constant 0 : i32
      %dma_wait3A_196 = arith.constant 0 : i32
      %dma_wait3A_197 = tpu.memref_slice %arg6[%dma_wait3A_195, %dma_wait3A_196] : memref<40x128xi32, #tpu.memory_space<vmem>> -> memref<40x128xi32, #tpu.memory_space<vmem>>
      %dma_wait3A_198 = arith.constant 0 : i32
      %dma_wait3A_199 = arith.constant 0 : i32
      %dma_wait3A_200 = tpu.memref_slice %arg3[%add3A, %dma_wait3A_198, %dma_wait3A_199] : memref<32x79x128xi32, #tpu.memory_space<hbm>> -> memref<1x40x128xi32, #tpu.memory_space<hbm>>
      %dma_wait3A_201 = tpu.memref_squeeze %dma_wait3A_200 : memref<1x40x128xi32, #tpu.memory_space<hbm>> -> memref<40x128xi32, #tpu.memory_space<hbm>>
      tpu.wait_dma2 semaphore(%run_scoped3A_173 : memref<!tpu.dma_semaphore, #tpu.memory_space<semaphore_mem>>) src(%dma_wait3A_201 : memref<40x128xi32, #tpu.memory_space<hbm>>) dst(%dma_wait3A_197 : memref<40x128xi32, #tpu.memory_space<vmem>>)
      tpu.yield
    }) : () -> ()
    "tpu.region"() ({
      %run_scoped3A_173 = tpu.sem_alloc : memref<!tpu.dma_semaphore, #tpu.memory_space<semaphore_mem>>
      %dma_start3A_174 = arith.constant 0 : i32
      %dma_start3A_175 = arith.constant 0 : i32
      %dma_start3A_176 = tpu.memref_slice %arg7[%dma_start3A_174, %dma_start3A_175] : memref<40x128xi32, #tpu.memory_space<vmem>> -> memref<40x128xi32, #tpu.memory_space<vmem>>
      %dma_start3A_177 = arith.constant 0 : i32
      %dma_start3A_178 = arith.constant 0 : i32
      %dma_start3A_179 = tpu.memref_slice %arg4[%add3A, %dma_start3A_177, %dma_start3A_178] : memref<32x79x128xi32, #tpu.memory_space<hbm>> -> memref<1x40x128xi32, #tpu.memory_space<hbm>>
      %dma_start3A_180 = tpu.memref_squeeze %dma_start3A_179 : memref<1x40x128xi32, #tpu.memory_space<hbm>> -> memref<40x128xi32, #tpu.memory_space<hbm>>
      %dma_start3A_181 = arith.constant 0 : i32
      %dma_start3A_182 = arith.constant 0 : i32
      %dma_start3A_183 = tpu.memref_slice %arg7[%dma_start3A_181, %dma_start3A_182] : memref<40x128xi32, #tpu.memory_space<vmem>> -> memref<40x128xi32, #tpu.memory_space<vmem>>
      %dma_start3A_184 = arith.constant 0 : i32
      %dma_start3A_185 = arith.constant 0 : i32
      %dma_start3A_186 = tpu.memref_slice %arg4[%add3A, %dma_start3A_184, %dma_start3A_185] : memref<32x79x128xi32, #tpu.memory_space<hbm>> -> memref<1x40x128xi32, #tpu.memory_space<hbm>>
      %dma_start3A_187 = tpu.memref_squeeze %dma_start3A_186 : memref<1x40x128xi32, #tpu.memory_space<hbm>> -> memref<40x128xi32, #tpu.memory_space<hbm>>
      tpu.enqueue_dma source(%dma_start3A_187 : memref<40x128xi32, #tpu.memory_space<hbm>>) target(%dma_start3A_183 : memref<40x128xi32, #tpu.memory_space<vmem>>) target_semaphore(%run_scoped3A_173 : memref<!tpu.dma_semaphore, #tpu.memory_space<semaphore_mem>>)
      %dma_wait3A_188 = arith.constant 0 : i32
      %dma_wait3A_189 = arith.constant 0 : i32
      %dma_wait3A_190 = tpu.memref_slice %arg7[%dma_wait3A_188, %dma_wait3A_189] : memref<40x128xi32, #tpu.memory_space<vmem>> -> memref<40x128xi32, #tpu.memory_space<vmem>>
      %dma_wait3A_191 = arith.constant 0 : i32
      %dma_wait3A_192 = arith.constant 0 : i32
      %dma_wait3A_193 = tpu.memref_slice %arg4[%add3A, %dma_wait3A_191, %dma_wait3A_192] : memref<32x79x128xi32, #tpu.memory_space<hbm>> -> memref<1x40x128xi32, #tpu.memory_space<hbm>>
      %dma_wait3A_194 = tpu.memref_squeeze %dma_wait3A_193 : memref<1x40x128xi32, #tpu.memory_space<hbm>> -> memref<40x128xi32, #tpu.memory_space<hbm>>
      %dma_wait3A_195 = arith.constant 0 : i32
      %dma_wait3A_196 = arith.constant 0 : i32
      %dma_wait3A_197 = tpu.memref_slice %arg7[%dma_wait3A_195, %dma_wait3A_196] : memref<40x128xi32, #tpu.memory_space<vmem>> -> memref<40x128xi32, #tpu.memory_space<vmem>>
      %dma_wait3A_198 = arith.constant 0 : i32
      %dma_wait3A_199 = arith.constant 0 : i32
      %dma_wait3A_200 = tpu.memref_slice %arg4[%add3A, %dma_wait3A_198, %dma_wait3A_199] : memref<32x79x128xi32, #tpu.memory_space<hbm>> -> memref<1x40x128xi32, #tpu.memory_space<hbm>>
      %dma_wait3A_201 = tpu.memref_squeeze %dma_wait3A_200 : memref<1x40x128xi32, #tpu.memory_space<hbm>> -> memref<40x128xi32, #tpu.memory_space<hbm>>
      tpu.wait_dma2 semaphore(%run_scoped3A_173 : memref<!tpu.dma_semaphore, #tpu.memory_space<semaphore_mem>>) src(%dma_wait3A_201 : memref<40x128xi32, #tpu.memory_space<hbm>>) dst(%dma_wait3A_197 : memref<40x128xi32, #tpu.memory_space<vmem>>)
      tpu.yield
    }) : () -> ()
    %dma_start3A_59 = arith.constant 0 : i32
    %dma_start3A_60 = arith.constant 0 : i32
    %dma_start3A_61 = tpu.memref_slice %arg6[%dma_start3A_59, %dma_start3A_60] : memref<40x128xi32, #tpu.memory_space<vmem>> -> memref<1x128xi32, #tpu.memory_space<vmem>>
    %dma_start3A_62 = tpu.memref_squeeze %dma_start3A_61 : memref<1x128xi32, #tpu.memory_space<vmem>> -> memref<128xi32, #tpu.memory_space<vmem>>
    %dma_start3A_63 = arith.constant 0 : i32
    %dma_start3A_64 = arith.constant 0 : i32
    %dma_start3A_65 = tpu.memref_slice %arg2[%dma_start3A_63, %dma_start3A_64] : memref<10240x128xf32, #tpu.memory_space<hbm>> -> memref<10240x128xf32, #tpu.memory_space<hbm>>
    tpu.enqueue_indirect_dma source(%dma_start3A_65 : memref<10240x128xf32, #tpu.memory_space<hbm>>) target(%arg8 : memref<128x128xf32, #tpu.memory_space<vmem>>) offsets(%dma_start3A_62 : memref<128xi32, #tpu.memory_space<vmem>>) semaphore(%arg11 : memref<!tpu.dma_semaphore, #tpu.memory_space<semaphore_mem>>)
    %scan3A = arith.constant 0 : i32
    %scan3A_66 = arith.constant 0 : i32
    %scan3A_67 = arith.constant 19 : i32
    %scan3A_68 = arith.addi %scan3A_66, %scan3A_67 : i32
    %scan3A_69 = arith.constant 1 : i32
    scf.for %scan3A_173 = %scan3A_66 to %scan3A_68 step %scan3A_69  : i32 {
      %mul3A_174 = arith.constant 2 : i32
      %mul3A_175 = arith.muli %mul3A_174, %scan3A_173 : i32
      %add3A_176 = arith.constant 1 : i32
      %add3A_177 = arith.addi %mul3A_175, %add3A_176 : i32
      %dma_start3A_178 = arith.constant 0 : i32
      %dma_start3A_179 = tpu.memref_slice %arg6[%add3A_177, %dma_start3A_178] : memref<40x128xi32, #tpu.memory_space<vmem>> -> memref<1x128xi32, #tpu.memory_space<vmem>>
      %dma_start3A_180 = tpu.memref_squeeze %dma_start3A_179 : memref<1x128xi32, #tpu.memory_space<vmem>> -> memref<128xi32, #tpu.memory_space<vmem>>
      %dma_start3A_181 = arith.constant 0 : i32
      %dma_start3A_182 = arith.constant 0 : i32
      %dma_start3A_183 = tpu.memref_slice %arg2[%dma_start3A_181, %dma_start3A_182] : memref<10240x128xf32, #tpu.memory_space<hbm>> -> memref<10240x128xf32, #tpu.memory_space<hbm>>
      tpu.enqueue_indirect_dma source(%dma_start3A_183 : memref<10240x128xf32, #tpu.memory_space<hbm>>) target(%arg9 : memref<128x128xf32, #tpu.memory_space<vmem>>) offsets(%dma_start3A_180 : memref<128xi32, #tpu.memory_space<vmem>>) semaphore(%arg12 : memref<!tpu.dma_semaphore, #tpu.memory_space<semaphore_mem>>)
      %dma_wait3A_184 = arith.constant 0 : i32
      %dma_wait3A_185 = tpu.memref_slice %arg6[%mul3A_175, %dma_wait3A_184] : memref<40x128xi32, #tpu.memory_space<vmem>> -> memref<1x128xi32, #tpu.memory_space<vmem>>
      %dma_wait3A_186 = tpu.memref_squeeze %dma_wait3A_185 : memref<1x128xi32, #tpu.memory_space<vmem>> -> memref<128xi32, #tpu.memory_space<vmem>>
      %dma_wait3A_187 = arith.constant 0 : i32
      %dma_wait3A_188 = arith.constant 0 : i32
      %dma_wait3A_189 = tpu.memref_slice %arg2[%dma_wait3A_187, %dma_wait3A_188] : memref<10240x128xf32, #tpu.memory_space<hbm>> -> memref<10240x128xf32, #tpu.memory_space<hbm>>
      tpu.wait_indirect_dma semaphore(%arg11 : memref<!tpu.dma_semaphore, #tpu.memory_space<semaphore_mem>>) src(%dma_wait3A_189 : memref<10240x128xf32, #tpu.memory_space<hbm>>) dst(%arg8 : memref<128x128xf32, #tpu.memory_space<vmem>>)
      "tpu.region"() ({
        %run_scoped3A_206 = tpu.sem_alloc : memref<!tpu.dma_semaphore, #tpu.memory_space<semaphore_mem>>
        %dma_start3A_207 = arith.constant 0 : i32
        %dma_start3A_208 = tpu.memref_slice %arg7[%mul3A_175, %dma_start3A_207] : memref<40x128xi32, #tpu.memory_space<vmem>> -> memref<1x128xi32, #tpu.memory_space<vmem>>
        %dma_start3A_209 = tpu.memref_squeeze %dma_start3A_208 : memref<1x128xi32, #tpu.memory_space<vmem>> -> memref<128xi32, #tpu.memory_space<vmem>>
        %dma_start3A_210 = arith.constant 0 : i32
        %dma_start3A_211 = arith.constant 0 : i32
        %dma_start3A_212 = tpu.memref_slice %arg10[%dma_start3A_210, %dma_start3A_211] : memref<10240x128xf32, #tpu.memory_space<vmem_shared>> -> memref<10240x128xf32, #tpu.memory_space<vmem_shared>>
        tpu.enqueue_indirect_dma source(%arg8 : memref<128x128xf32, #tpu.memory_space<vmem>>) target(%dma_start3A_212 : memref<10240x128xf32, #tpu.memory_space<vmem_shared>>) offsets(%dma_start3A_209 : memref<128xi32, #tpu.memory_space<vmem>>) semaphore(%run_scoped3A_206 : memref<!tpu.dma_semaphore, #tpu.memory_space<semaphore_mem>>) {add = true}
        %dma_wait3A_213 = arith.constant 0 : i32
        %dma_wait3A_214 = tpu.memref_slice %arg7[%mul3A_175, %dma_wait3A_213] : memref<40x128xi32, #tpu.memory_space<vmem>> -> memref<1x128xi32, #tpu.memory_space<vmem>>
        %dma_wait3A_215 = tpu.memref_squeeze %dma_wait3A_214 : memref<1x128xi32, #tpu.memory_space<vmem>> -> memref<128xi32, #tpu.memory_space<vmem>>
        %dma_wait3A_216 = arith.constant 0 : i32
        %dma_wait3A_217 = arith.constant 0 : i32
        %dma_wait3A_218 = tpu.memref_slice %arg10[%dma_wait3A_216, %dma_wait3A_217] : memref<10240x128xf32, #tpu.memory_space<vmem_shared>> -> memref<10240x128xf32, #tpu.memory_space<vmem_shared>>
        tpu.wait_indirect_dma semaphore(%run_scoped3A_206 : memref<!tpu.dma_semaphore, #tpu.memory_space<semaphore_mem>>) src(%arg8 : memref<128x128xf32, #tpu.memory_space<vmem>>) dst(%dma_wait3A_218 : memref<10240x128xf32, #tpu.memory_space<vmem_shared>>)
        tpu.yield
      }) : () -> ()
      %add3A_190 = arith.constant 2 : i32
      %add3A_191 = arith.addi %mul3A_175, %add3A_190 : i32
      %dma_start3A_192 = arith.constant 0 : i32
      %dma_start3A_193 = tpu.memref_slice %arg6[%add3A_191, %dma_start3A_192] : memref<40x128xi32, #tpu.memory_space<vmem>> -> memref<1x128xi32, #tpu.memory_space<vmem>>
      %dma_start3A_194 = tpu.memref_squeeze %dma_start3A_193 : memref<1x128xi32, #tpu.memory_space<vmem>> -> memref<128xi32, #tpu.memory_space<vmem>>
      %dma_start3A_195 = arith.constant 0 : i32
      %dma_start3A_196 = arith.constant 0 : i32
      %dma_start3A_197 = tpu.memref_slice %arg2[%dma_start3A_195, %dma_start3A_196] : memref<10240x128xf32, #tpu.memory_space<hbm>> -> memref<10240x128xf32, #tpu.memory_space<hbm>>
      tpu.enqueue_indirect_dma source(%dma_start3A_197 : memref<10240x128xf32, #tpu.memory_space<hbm>>) target(%arg8 : memref<128x128xf32, #tpu.memory_space<vmem>>) offsets(%dma_start3A_194 : memref<128xi32, #tpu.memory_space<vmem>>) semaphore(%arg11 : memref<!tpu.dma_semaphore, #tpu.memory_space<semaphore_mem>>)
      %add3A_198 = arith.constant 1 : i32
      %add3A_199 = arith.addi %mul3A_175, %add3A_198 : i32
      %dma_wait3A_200 = arith.constant 0 : i32
      %dma_wait3A_201 = tpu.memref_slice %arg6[%add3A_199, %dma_wait3A_200] : memref<40x128xi32, #tpu.memory_space<vmem>> -> memref<1x128xi32, #tpu.memory_space<vmem>>
      %dma_wait3A_202 = tpu.memref_squeeze %dma_wait3A_201 : memref<1x128xi32, #tpu.memory_space<vmem>> -> memref<128xi32, #tpu.memory_space<vmem>>
      %dma_wait3A_203 = arith.constant 0 : i32
      %dma_wait3A_204 = arith.constant 0 : i32
      %dma_wait3A_205 = tpu.memref_slice %arg2[%dma_wait3A_203, %dma_wait3A_204] : memref<10240x128xf32, #tpu.memory_space<hbm>> -> memref<10240x128xf32, #tpu.memory_space<hbm>>
      tpu.wait_indirect_dma semaphore(%arg12 : memref<!tpu.dma_semaphore, #tpu.memory_space<semaphore_mem>>) src(%dma_wait3A_205 : memref<10240x128xf32, #tpu.memory_space<hbm>>) dst(%arg9 : memref<128x128xf32, #tpu.memory_space<vmem>>)
      "tpu.region"() ({
        %run_scoped3A_206 = tpu.sem_alloc : memref<!tpu.dma_semaphore, #tpu.memory_space<semaphore_mem>>
        %dma_start3A_207 = arith.constant 0 : i32
        %dma_start3A_208 = tpu.memref_slice %arg7[%add3A_199, %dma_start3A_207] : memref<40x128xi32, #tpu.memory_space<vmem>> -> memref<1x128xi32, #tpu.memory_space<vmem>>
        %dma_start3A_209 = tpu.memref_squeeze %dma_start3A_208 : memref<1x128xi32, #tpu.memory_space<vmem>> -> memref<128xi32, #tpu.memory_space<vmem>>
        %dma_start3A_210 = arith.constant 0 : i32
        %dma_start3A_211 = arith.constant 0 : i32
        %dma_start3A_212 = tpu.memref_slice %arg10[%dma_start3A_210, %dma_start3A_211] : memref<10240x128xf32, #tpu.memory_space<vmem_shared>> -> memref<10240x128xf32, #tpu.memory_space<vmem_shared>>
        tpu.enqueue_indirect_dma source(%arg9 : memref<128x128xf32, #tpu.memory_space<vmem>>) target(%dma_start3A_212 : memref<10240x128xf32, #tpu.memory_space<vmem_shared>>) offsets(%dma_start3A_209 : memref<128xi32, #tpu.memory_space<vmem>>) semaphore(%run_scoped3A_206 : memref<!tpu.dma_semaphore, #tpu.memory_space<semaphore_mem>>) {add = true}
        %dma_wait3A_213 = arith.constant 0 : i32
        %dma_wait3A_214 = tpu.memref_slice %arg7[%add3A_199, %dma_wait3A_213] : memref<40x128xi32, #tpu.memory_space<vmem>> -> memref<1x128xi32, #tpu.memory_space<vmem>>
        %dma_wait3A_215 = tpu.memref_squeeze %dma_wait3A_214 : memref<1x128xi32, #tpu.memory_space<vmem>> -> memref<128xi32, #tpu.memory_space<vmem>>
        %dma_wait3A_216 = arith.constant 0 : i32
        %dma_wait3A_217 = arith.constant 0 : i32
        %dma_wait3A_218 = tpu.memref_slice %arg10[%dma_wait3A_216, %dma_wait3A_217] : memref<10240x128xf32, #tpu.memory_space<vmem_shared>> -> memref<10240x128xf32, #tpu.memory_space<vmem_shared>>
        tpu.wait_indirect_dma semaphore(%run_scoped3A_206 : memref<!tpu.dma_semaphore, #tpu.memory_space<semaphore_mem>>) src(%arg9 : memref<128x128xf32, #tpu.memory_space<vmem>>) dst(%dma_wait3A_218 : memref<10240x128xf32, #tpu.memory_space<vmem_shared>>)
        tpu.yield
      }) : () -> ()
    }
    %scan3A_70 = arith.constant 19 : i32
    %dma_start3A_71 = arith.constant 39 : i32
    %dma_start3A_72 = arith.constant 0 : i32
    %dma_start3A_73 = tpu.memref_slice %arg6[%dma_start3A_71, %dma_start3A_72] : memref<40x128xi32, #tpu.memory_space<vmem>> -> memref<1x128xi32, #tpu.memory_space<vmem>>
    %dma_start3A_74 = tpu.memref_squeeze %dma_start3A_73 : memref<1x128xi32, #tpu.memory_space<vmem>> -> memref<128xi32, #tpu.memory_space<vmem>>
    %dma_start3A_75 = arith.constant 0 : i32
    %dma_start3A_76 = arith.constant 0 : i32
    %dma_start3A_77 = tpu.memref_slice %arg2[%dma_start3A_75, %dma_start3A_76] : memref<10240x128xf32, #tpu.memory_space<hbm>> -> memref<10240x128xf32, #tpu.memory_space<hbm>>
    tpu.enqueue_indirect_dma source(%dma_start3A_77 : memref<10240x128xf32, #tpu.memory_space<hbm>>) target(%arg9 : memref<128x128xf32, #tpu.memory_space<vmem>>) offsets(%dma_start3A_74 : memref<128xi32, #tpu.memory_space<vmem>>) semaphore(%arg12 : memref<!tpu.dma_semaphore, #tpu.memory_space<semaphore_mem>>)
    %dma_wait3A_78 = arith.constant 38 : i32
    %dma_wait3A_79 = arith.constant 0 : i32
    %dma_wait3A_80 = tpu.memref_slice %arg6[%dma_wait3A_78, %dma_wait3A_79] : memref<40x128xi32, #tpu.memory_space<vmem>> -> memref<1x128xi32, #tpu.memory_space<vmem>>
    %dma_wait3A_81 = tpu.memref_squeeze %dma_wait3A_80 : memref<1x128xi32, #tpu.memory_space<vmem>> -> memref<128xi32, #tpu.memory_space<vmem>>
    %dma_wait3A_82 = arith.constant 0 : i32
    %dma_wait3A_83 = arith.constant 0 : i32
    %dma_wait3A_84 = tpu.memref_slice %arg2[%dma_wait3A_82, %dma_wait3A_83] : memref<10240x128xf32, #tpu.memory_space<hbm>> -> memref<10240x128xf32, #tpu.memory_space<hbm>>
    tpu.wait_indirect_dma semaphore(%arg11 : memref<!tpu.dma_semaphore, #tpu.memory_space<semaphore_mem>>) src(%dma_wait3A_84 : memref<10240x128xf32, #tpu.memory_space<hbm>>) dst(%arg8 : memref<128x128xf32, #tpu.memory_space<vmem>>)
    %run_scoped3A = arith.constant 38 : i32
    "tpu.region"() ({
      %run_scoped3A_173 = tpu.sem_alloc : memref<!tpu.dma_semaphore, #tpu.memory_space<semaphore_mem>>
      %dma_start3A_174 = arith.constant 0 : i32
      %dma_start3A_175 = tpu.memref_slice %arg7[%run_scoped3A, %dma_start3A_174] : memref<40x128xi32, #tpu.memory_space<vmem>> -> memref<1x128xi32, #tpu.memory_space<vmem>>
      %dma_start3A_176 = tpu.memref_squeeze %dma_start3A_175 : memref<1x128xi32, #tpu.memory_space<vmem>> -> memref<128xi32, #tpu.memory_space<vmem>>
      %dma_start3A_177 = arith.constant 0 : i32
      %dma_start3A_178 = arith.constant 0 : i32
      %dma_start3A_179 = tpu.memref_slice %arg10[%dma_start3A_177, %dma_start3A_178] : memref<10240x128xf32, #tpu.memory_space<vmem_shared>> -> memref<10240x128xf32, #tpu.memory_space<vmem_shared>>
      tpu.enqueue_indirect_dma source(%arg8 : memref<128x128xf32, #tpu.memory_space<vmem>>) target(%dma_start3A_179 : memref<10240x128xf32, #tpu.memory_space<vmem_shared>>) offsets(%dma_start3A_176 : memref<128xi32, #tpu.memory_space<vmem>>) semaphore(%run_scoped3A_173 : memref<!tpu.dma_semaphore, #tpu.memory_space<semaphore_mem>>) {add = true}
      %dma_wait3A_180 = arith.constant 0 : i32
      %dma_wait3A_181 = tpu.memref_slice %arg7[%run_scoped3A, %dma_wait3A_180] : memref<40x128xi32, #tpu.memory_space<vmem>> -> memref<1x128xi32, #tpu.memory_space<vmem>>
      %dma_wait3A_182 = tpu.memref_squeeze %dma_wait3A_181 : memref<1x128xi32, #tpu.memory_space<vmem>> -> memref<128xi32, #tpu.memory_space<vmem>>
      %dma_wait3A_183 = arith.constant 0 : i32
      %dma_wait3A_184 = arith.constant 0 : i32
      %dma_wait3A_185 = tpu.memref_slice %arg10[%dma_wait3A_183, %dma_wait3A_184] : memref<10240x128xf32, #tpu.memory_space<vmem_shared>> -> memref<10240x128xf32, #tpu.memory_space<vmem_shared>>
      tpu.wait_indirect_dma semaphore(%run_scoped3A_173 : memref<!tpu.dma_semaphore, #tpu.memory_space<semaphore_mem>>) src(%arg8 : memref<128x128xf32, #tpu.memory_space<vmem>>) dst(%dma_wait3A_185 : memref<10240x128xf32, #tpu.memory_space<vmem_shared>>)
      tpu.yield
    }) : () -> ()
    %dma_wait3A_85 = arith.constant 39 : i32
    %dma_wait3A_86 = arith.constant 0 : i32
    %dma_wait3A_87 = tpu.memref_slice %arg6[%dma_wait3A_85, %dma_wait3A_86] : memref<40x128xi32, #tpu.memory_space<vmem>> -> memref<1x128xi32, #tpu.memory_space<vmem>>
    %dma_wait3A_88 = tpu.memref_squeeze %dma_wait3A_87 : memref<1x128xi32, #tpu.memory_space<vmem>> -> memref<128xi32, #tpu.memory_space<vmem>>
    %dma_wait3A_89 = arith.constant 0 : i32
    %dma_wait3A_90 = arith.constant 0 : i32
    %dma_wait3A_91 = tpu.memref_slice %arg2[%dma_wait3A_89, %dma_wait3A_90] : memref<10240x128xf32, #tpu.memory_space<hbm>> -> memref<10240x128xf32, #tpu.memory_space<hbm>>
    tpu.wait_indirect_dma semaphore(%arg12 : memref<!tpu.dma_semaphore, #tpu.memory_space<semaphore_mem>>) src(%dma_wait3A_91 : memref<10240x128xf32, #tpu.memory_space<hbm>>) dst(%arg9 : memref<128x128xf32, #tpu.memory_space<vmem>>)
    %run_scoped3A_92 = arith.constant 39 : i32
    "tpu.region"() ({
      %run_scoped3A_173 = tpu.sem_alloc : memref<!tpu.dma_semaphore, #tpu.memory_space<semaphore_mem>>
      %dma_start3A_174 = arith.constant 0 : i32
      %dma_start3A_175 = tpu.memref_slice %arg7[%run_scoped3A_92, %dma_start3A_174] : memref<40x128xi32, #tpu.memory_space<vmem>> -> memref<1x128xi32, #tpu.memory_space<vmem>>
      %dma_start3A_176 = tpu.memref_squeeze %dma_start3A_175 : memref<1x128xi32, #tpu.memory_space<vmem>> -> memref<128xi32, #tpu.memory_space<vmem>>
      %dma_start3A_177 = arith.constant 0 : i32
      %dma_start3A_178 = arith.constant 0 : i32
      %dma_start3A_179 = tpu.memref_slice %arg10[%dma_start3A_177, %dma_start3A_178] : memref<10240x128xf32, #tpu.memory_space<vmem_shared>> -> memref<10240x128xf32, #tpu.memory_space<vmem_shared>>
      tpu.enqueue_indirect_dma source(%arg9 : memref<128x128xf32, #tpu.memory_space<vmem>>) target(%dma_start3A_179 : memref<10240x128xf32, #tpu.memory_space<vmem_shared>>) offsets(%dma_start3A_176 : memref<128xi32, #tpu.memory_space<vmem>>) semaphore(%run_scoped3A_173 : memref<!tpu.dma_semaphore, #tpu.memory_space<semaphore_mem>>) {add = true}
      %dma_wait3A_180 = arith.constant 0 : i32
      %dma_wait3A_181 = tpu.memref_slice %arg7[%run_scoped3A_92, %dma_wait3A_180] : memref<40x128xi32, #tpu.memory_space<vmem>> -> memref<1x128xi32, #tpu.memory_space<vmem>>
      %dma_wait3A_182 = tpu.memref_squeeze %dma_wait3A_181 : memref<1x128xi32, #tpu.memory_space<vmem>> -> memref<128xi32, #tpu.memory_space<vmem>>
      %dma_wait3A_183 = arith.constant 0 : i32
      %dma_wait3A_184 = arith.constant 0 : i32
      %dma_wait3A_185 = tpu.memref_slice %arg10[%dma_wait3A_183, %dma_wait3A_184] : memref<10240x128xf32, #tpu.memory_space<vmem_shared>> -> memref<10240x128xf32, #tpu.memory_space<vmem_shared>>
      tpu.wait_indirect_dma semaphore(%run_scoped3A_173 : memref<!tpu.dma_semaphore, #tpu.memory_space<semaphore_mem>>) src(%arg9 : memref<128x128xf32, #tpu.memory_space<vmem>>) dst(%dma_wait3A_185 : memref<10240x128xf32, #tpu.memory_space<vmem_shared>>)
      tpu.yield
    }) : () -> ()
    "tpu.region"() ({
      %run_scoped3A_173 = tpu.sem_alloc : memref<!tpu.dma_semaphore, #tpu.memory_space<semaphore_mem>>
      %dma_start3A_174 = arith.constant 0 : i32
      %dma_start3A_175 = arith.constant 0 : i32
      %dma_start3A_176 = tpu.memref_slice %arg6[%dma_start3A_174, %dma_start3A_175] : memref<40x128xi32, #tpu.memory_space<vmem>> -> memref<39x128xi32, #tpu.memory_space<vmem>>
      %dma_start3A_177 = arith.constant 40 : i32
      %dma_start3A_178 = arith.constant 0 : i32
      %dma_start3A_179 = tpu.memref_slice %arg3[%add3A, %dma_start3A_177, %dma_start3A_178] : memref<32x79x128xi32, #tpu.memory_space<hbm>> -> memref<1x39x128xi32, #tpu.memory_space<hbm>>
      %dma_start3A_180 = tpu.memref_squeeze %dma_start3A_179 : memref<1x39x128xi32, #tpu.memory_space<hbm>> -> memref<39x128xi32, #tpu.memory_space<hbm>>
      %dma_start3A_181 = arith.constant 0 : i32
      %dma_start3A_182 = arith.constant 0 : i32
      %dma_start3A_183 = tpu.memref_slice %arg6[%dma_start3A_181, %dma_start3A_182] : memref<40x128xi32, #tpu.memory_space<vmem>> -> memref<39x128xi32, #tpu.memory_space<vmem>>
      %dma_start3A_184 = arith.constant 40 : i32
      %dma_start3A_185 = arith.constant 0 : i32
      %dma_start3A_186 = tpu.memref_slice %arg3[%add3A, %dma_start3A_184, %dma_start3A_185] : memref<32x79x128xi32, #tpu.memory_space<hbm>> -> memref<1x39x128xi32, #tpu.memory_space<hbm>>
      %dma_start3A_187 = tpu.memref_squeeze %dma_start3A_186 : memref<1x39x128xi32, #tpu.memory_space<hbm>> -> memref<39x128xi32, #tpu.memory_space<hbm>>
      tpu.enqueue_dma source(%dma_start3A_187 : memref<39x128xi32, #tpu.memory_space<hbm>>) target(%dma_start3A_183 : memref<39x128xi32, #tpu.memory_space<vmem>>) target_semaphore(%run_scoped3A_173 : memref<!tpu.dma_semaphore, #tpu.memory_space<semaphore_mem>>)
      %dma_wait3A_188 = arith.constant 0 : i32
      %dma_wait3A_189 = arith.constant 0 : i32
      %dma_wait3A_190 = tpu.memref_slice %arg6[%dma_wait3A_188, %dma_wait3A_189] : memref<40x128xi32, #tpu.memory_space<vmem>> -> memref<39x128xi32, #tpu.memory_space<vmem>>
      %dma_wait3A_191 = arith.constant 40 : i32
      %dma_wait3A_192 = arith.constant 0 : i32
      %dma_wait3A_193 = tpu.memref_slice %arg3[%add3A, %dma_wait3A_191, %dma_wait3A_192] : memref<32x79x128xi32, #tpu.memory_space<hbm>> -> memref<1x39x128xi32, #tpu.memory_space<hbm>>
      %dma_wait3A_194 = tpu.memref_squeeze %dma_wait3A_193 : memref<1x39x128xi32, #tpu.memory_space<hbm>> -> memref<39x128xi32, #tpu.memory_space<hbm>>
      %dma_wait3A_195 = arith.constant 0 : i32
      %dma_wait3A_196 = arith.constant 0 : i32
      %dma_wait3A_197 = tpu.memref_slice %arg6[%dma_wait3A_195, %dma_wait3A_196] : memref<40x128xi32, #tpu.memory_space<vmem>> -> memref<39x128xi32, #tpu.memory_space<vmem>>
      %dma_wait3A_198 = arith.constant 40 : i32
      %dma_wait3A_199 = arith.constant 0 : i32
      %dma_wait3A_200 = tpu.memref_slice %arg3[%add3A, %dma_wait3A_198, %dma_wait3A_199] : memref<32x79x128xi32, #tpu.memory_space<hbm>> -> memref<1x39x128xi32, #tpu.memory_space<hbm>>
      %dma_wait3A_201 = tpu.memref_squeeze %dma_wait3A_200 : memref<1x39x128xi32, #tpu.memory_space<hbm>> -> memref<39x128xi32, #tpu.memory_space<hbm>>
      tpu.wait_dma2 semaphore(%run_scoped3A_173 : memref<!tpu.dma_semaphore, #tpu.memory_space<semaphore_mem>>) src(%dma_wait3A_201 : memref<39x128xi32, #tpu.memory_space<hbm>>) dst(%dma_wait3A_197 : memref<39x128xi32, #tpu.memory_space<vmem>>)
      tpu.yield
    }) : () -> ()
    "tpu.region"() ({
      %run_scoped3A_173 = tpu.sem_alloc : memref<!tpu.dma_semaphore, #tpu.memory_space<semaphore_mem>>
      %dma_start3A_174 = arith.constant 0 : i32
      %dma_start3A_175 = arith.constant 0 : i32
      %dma_start3A_176 = tpu.memref_slice %arg7[%dma_start3A_174, %dma_start3A_175] : memref<40x128xi32, #tpu.memory_space<vmem>> -> memref<39x128xi32, #tpu.memory_space<vmem>>
      %dma_start3A_177 = arith.constant 40 : i32
      %dma_start3A_178 = arith.constant 0 : i32
      %dma_start3A_179 = tpu.memref_slice %arg4[%add3A, %dma_start3A_177, %dma_start3A_178] : memref<32x79x128xi32, #tpu.memory_space<hbm>> -> memref<1x39x128xi32, #tpu.memory_space<hbm>>
      %dma_start3A_180 = tpu.memref_squeeze %dma_start3A_179 : memref<1x39x128xi32, #tpu.memory_space<hbm>> -> memref<39x128xi32, #tpu.memory_space<hbm>>
      %dma_start3A_181 = arith.constant 0 : i32
      %dma_start3A_182 = arith.constant 0 : i32
      %dma_start3A_183 = tpu.memref_slice %arg7[%dma_start3A_181, %dma_start3A_182] : memref<40x128xi32, #tpu.memory_space<vmem>> -> memref<39x128xi32, #tpu.memory_space<vmem>>
      %dma_start3A_184 = arith.constant 40 : i32
      %dma_start3A_185 = arith.constant 0 : i32
      %dma_start3A_186 = tpu.memref_slice %arg4[%add3A, %dma_start3A_184, %dma_start3A_185] : memref<32x79x128xi32, #tpu.memory_space<hbm>> -> memref<1x39x128xi32, #tpu.memory_space<hbm>>
      %dma_start3A_187 = tpu.memref_squeeze %dma_start3A_186 : memref<1x39x128xi32, #tpu.memory_space<hbm>> -> memref<39x128xi32, #tpu.memory_space<hbm>>
      tpu.enqueue_dma source(%dma_start3A_187 : memref<39x128xi32, #tpu.memory_space<hbm>>) target(%dma_start3A_183 : memref<39x128xi32, #tpu.memory_space<vmem>>) target_semaphore(%run_scoped3A_173 : memref<!tpu.dma_semaphore, #tpu.memory_space<semaphore_mem>>)
      %dma_wait3A_188 = arith.constant 0 : i32
      %dma_wait3A_189 = arith.constant 0 : i32
      %dma_wait3A_190 = tpu.memref_slice %arg7[%dma_wait3A_188, %dma_wait3A_189] : memref<40x128xi32, #tpu.memory_space<vmem>> -> memref<39x128xi32, #tpu.memory_space<vmem>>
      %dma_wait3A_191 = arith.constant 40 : i32
      %dma_wait3A_192 = arith.constant 0 : i32
      %dma_wait3A_193 = tpu.memref_slice %arg4[%add3A, %dma_wait3A_191, %dma_wait3A_192] : memref<32x79x128xi32, #tpu.memory_space<hbm>> -> memref<1x39x128xi32, #tpu.memory_space<hbm>>
      %dma_wait3A_194 = tpu.memref_squeeze %dma_wait3A_193 : memref<1x39x128xi32, #tpu.memory_space<hbm>> -> memref<39x128xi32, #tpu.memory_space<hbm>>
      %dma_wait3A_195 = arith.constant 0 : i32
      %dma_wait3A_196 = arith.constant 0 : i32
      %dma_wait3A_197 = tpu.memref_slice %arg7[%dma_wait3A_195, %dma_wait3A_196] : memref<40x128xi32, #tpu.memory_space<vmem>> -> memref<39x128xi32, #tpu.memory_space<vmem>>
      %dma_wait3A_198 = arith.constant 40 : i32
      %dma_wait3A_199 = arith.constant 0 : i32
      %dma_wait3A_200 = tpu.memref_slice %arg4[%add3A, %dma_wait3A_198, %dma_wait3A_199] : memref<32x79x128xi32, #tpu.memory_space<hbm>> -> memref<1x39x128xi32, #tpu.memory_space<hbm>>
      %dma_wait3A_201 = tpu.memref_squeeze %dma_wait3A_200 : memref<1x39x128xi32, #tpu.memory_space<hbm>> -> memref<39x128xi32, #tpu.memory_space<hbm>>
      tpu.wait_dma2 semaphore(%run_scoped3A_173 : memref<!tpu.dma_semaphore, #tpu.memory_space<semaphore_mem>>) src(%dma_wait3A_201 : memref<39x128xi32, #tpu.memory_space<hbm>>) dst(%dma_wait3A_197 : memref<39x128xi32, #tpu.memory_space<vmem>>)
      tpu.yield
    }) : () -> ()
    %dma_start3A_93 = arith.constant 0 : i32
    %dma_start3A_94 = arith.constant 0 : i32
    %dma_start3A_95 = tpu.memref_slice %arg6[%dma_start3A_93, %dma_start3A_94] : memref<40x128xi32, #tpu.memory_space<vmem>> -> memref<1x128xi32, #tpu.memory_space<vmem>>
    %dma_start3A_96 = tpu.memref_squeeze %dma_start3A_95 : memref<1x128xi32, #tpu.memory_space<vmem>> -> memref<128xi32, #tpu.memory_space<vmem>>
    %dma_start3A_97 = arith.constant 0 : i32
    %dma_start3A_98 = arith.constant 0 : i32
    %dma_start3A_99 = tpu.memref_slice %arg2[%dma_start3A_97, %dma_start3A_98] : memref<10240x128xf32, #tpu.memory_space<hbm>> -> memref<10240x128xf32, #tpu.memory_space<hbm>>
    tpu.enqueue_indirect_dma source(%dma_start3A_99 : memref<10240x128xf32, #tpu.memory_space<hbm>>) target(%arg8 : memref<128x128xf32, #tpu.memory_space<vmem>>) offsets(%dma_start3A_96 : memref<128xi32, #tpu.memory_space<vmem>>) semaphore(%arg11 : memref<!tpu.dma_semaphore, #tpu.memory_space<semaphore_mem>>)
    %scan3A_100 = arith.constant 0 : i32
    %scan3A_101 = arith.constant 0 : i32
    %scan3A_102 = arith.constant 19 : i32
    %scan3A_103 = arith.addi %scan3A_101, %scan3A_102 : i32
    %scan3A_104 = arith.constant 1 : i32
    scf.for %scan3A_173 = %scan3A_101 to %scan3A_103 step %scan3A_104  : i32 {
      %mul3A_174 = arith.constant 2 : i32
      %mul3A_175 = arith.muli %mul3A_174, %scan3A_173 : i32
      %add3A_176 = arith.constant 1 : i32
      %add3A_177 = arith.addi %mul3A_175, %add3A_176 : i32
      %dma_start3A_178 = arith.constant 0 : i32
      %dma_start3A_179 = tpu.memref_slice %arg6[%add3A_177, %dma_start3A_178] : memref<40x128xi32, #tpu.memory_space<vmem>> -> memref<1x128xi32, #tpu.memory_space<vmem>>
      %dma_start3A_180 = tpu.memref_squeeze %dma_start3A_179 : memref<1x128xi32, #tpu.memory_space<vmem>> -> memref<128xi32, #tpu.memory_space<vmem>>
      %dma_start3A_181 = arith.constant 0 : i32
      %dma_start3A_182 = arith.constant 0 : i32
      %dma_start3A_183 = tpu.memref_slice %arg2[%dma_start3A_181, %dma_start3A_182] : memref<10240x128xf32, #tpu.memory_space<hbm>> -> memref<10240x128xf32, #tpu.memory_space<hbm>>
      tpu.enqueue_indirect_dma source(%dma_start3A_183 : memref<10240x128xf32, #tpu.memory_space<hbm>>) target(%arg9 : memref<128x128xf32, #tpu.memory_space<vmem>>) offsets(%dma_start3A_180 : memref<128xi32, #tpu.memory_space<vmem>>) semaphore(%arg12 : memref<!tpu.dma_semaphore, #tpu.memory_space<semaphore_mem>>)
      %dma_wait3A_184 = arith.constant 0 : i32
      %dma_wait3A_185 = tpu.memref_slice %arg6[%mul3A_175, %dma_wait3A_184] : memref<40x128xi32, #tpu.memory_space<vmem>> -> memref<1x128xi32, #tpu.memory_space<vmem>>
      %dma_wait3A_186 = tpu.memref_squeeze %dma_wait3A_185 : memref<1x128xi32, #tpu.memory_space<vmem>> -> memref<128xi32, #tpu.memory_space<vmem>>
      %dma_wait3A_187 = arith.constant 0 : i32
      %dma_wait3A_188 = arith.constant 0 : i32
      %dma_wait3A_189 = tpu.memref_slice %arg2[%dma_wait3A_187, %dma_wait3A_188] : memref<10240x128xf32, #tpu.memory_space<hbm>> -> memref<10240x128xf32, #tpu.memory_space<hbm>>
      tpu.wait_indirect_dma semaphore(%arg11 : memref<!tpu.dma_semaphore, #tpu.memory_space<semaphore_mem>>) src(%dma_wait3A_189 : memref<10240x128xf32, #tpu.memory_space<hbm>>) dst(%arg8 : memref<128x128xf32, #tpu.memory_space<vmem>>)
      "tpu.region"() ({
        %run_scoped3A_206 = tpu.sem_alloc : memref<!tpu.dma_semaphore, #tpu.memory_space<semaphore_mem>>
        %dma_start3A_207 = arith.constant 0 : i32
        %dma_start3A_208 = tpu.memref_slice %arg7[%mul3A_175, %dma_start3A_207] : memref<40x128xi32, #tpu.memory_space<vmem>> -> memref<1x128xi32, #tpu.memory_space<vmem>>
        %dma_start3A_209 = tpu.memref_squeeze %dma_start3A_208 : memref<1x128xi32, #tpu.memory_space<vmem>> -> memref<128xi32, #tpu.memory_space<vmem>>
        %dma_start3A_210 = arith.constant 0 : i32
        %dma_start3A_211 = arith.constant 0 : i32
        %dma_start3A_212 = tpu.memref_slice %arg10[%dma_start3A_210, %dma_start3A_211] : memref<10240x128xf32, #tpu.memory_space<vmem_shared>> -> memref<10240x128xf32, #tpu.memory_space<vmem_shared>>
        tpu.enqueue_indirect_dma source(%arg8 : memref<128x128xf32, #tpu.memory_space<vmem>>) target(%dma_start3A_212 : memref<10240x128xf32, #tpu.memory_space<vmem_shared>>) offsets(%dma_start3A_209 : memref<128xi32, #tpu.memory_space<vmem>>) semaphore(%run_scoped3A_206 : memref<!tpu.dma_semaphore, #tpu.memory_space<semaphore_mem>>) {add = true}
        %dma_wait3A_213 = arith.constant 0 : i32
        %dma_wait3A_214 = tpu.memref_slice %arg7[%mul3A_175, %dma_wait3A_213] : memref<40x128xi32, #tpu.memory_space<vmem>> -> memref<1x128xi32, #tpu.memory_space<vmem>>
        %dma_wait3A_215 = tpu.memref_squeeze %dma_wait3A_214 : memref<1x128xi32, #tpu.memory_space<vmem>> -> memref<128xi32, #tpu.memory_space<vmem>>
        %dma_wait3A_216 = arith.constant 0 : i32
        %dma_wait3A_217 = arith.constant 0 : i32
        %dma_wait3A_218 = tpu.memref_slice %arg10[%dma_wait3A_216, %dma_wait3A_217] : memref<10240x128xf32, #tpu.memory_space<vmem_shared>> -> memref<10240x128xf32, #tpu.memory_space<vmem_shared>>
        tpu.wait_indirect_dma semaphore(%run_scoped3A_206 : memref<!tpu.dma_semaphore, #tpu.memory_space<semaphore_mem>>) src(%arg8 : memref<128x128xf32, #tpu.memory_space<vmem>>) dst(%dma_wait3A_218 : memref<10240x128xf32, #tpu.memory_space<vmem_shared>>)
        tpu.yield
      }) : () -> ()
      %add3A_190 = arith.constant 2 : i32
      %add3A_191 = arith.addi %mul3A_175, %add3A_190 : i32
      %dma_start3A_192 = arith.constant 0 : i32
      %dma_start3A_193 = tpu.memref_slice %arg6[%add3A_191, %dma_start3A_192] : memref<40x128xi32, #tpu.memory_space<vmem>> -> memref<1x128xi32, #tpu.memory_space<vmem>>
      %dma_start3A_194 = tpu.memref_squeeze %dma_start3A_193 : memref<1x128xi32, #tpu.memory_space<vmem>> -> memref<128xi32, #tpu.memory_space<vmem>>
      %dma_start3A_195 = arith.constant 0 : i32
      %dma_start3A_196 = arith.constant 0 : i32
      %dma_start3A_197 = tpu.memref_slice %arg2[%dma_start3A_195, %dma_start3A_196] : memref<10240x128xf32, #tpu.memory_space<hbm>> -> memref<10240x128xf32, #tpu.memory_space<hbm>>
      tpu.enqueue_indirect_dma source(%dma_start3A_197 : memref<10240x128xf32, #tpu.memory_space<hbm>>) target(%arg8 : memref<128x128xf32, #tpu.memory_space<vmem>>) offsets(%dma_start3A_194 : memref<128xi32, #tpu.memory_space<vmem>>) semaphore(%arg11 : memref<!tpu.dma_semaphore, #tpu.memory_space<semaphore_mem>>)
      %add3A_198 = arith.constant 1 : i32
      %add3A_199 = arith.addi %mul3A_175, %add3A_198 : i32
      %dma_wait3A_200 = arith.constant 0 : i32
      %dma_wait3A_201 = tpu.memref_slice %arg6[%add3A_199, %dma_wait3A_200] : memref<40x128xi32, #tpu.memory_space<vmem>> -> memref<1x128xi32, #tpu.memory_space<vmem>>
      %dma_wait3A_202 = tpu.memref_squeeze %dma_wait3A_201 : memref<1x128xi32, #tpu.memory_space<vmem>> -> memref<128xi32, #tpu.memory_space<vmem>>
      %dma_wait3A_203 = arith.constant 0 : i32
      %dma_wait3A_204 = arith.constant 0 : i32
      %dma_wait3A_205 = tpu.memref_slice %arg2[%dma_wait3A_203, %dma_wait3A_204] : memref<10240x128xf32, #tpu.memory_space<hbm>> -> memref<10240x128xf32, #tpu.memory_space<hbm>>
      tpu.wait_indirect_dma semaphore(%arg12 : memref<!tpu.dma_semaphore, #tpu.memory_space<semaphore_mem>>) src(%dma_wait3A_205 : memref<10240x128xf32, #tpu.memory_space<hbm>>) dst(%arg9 : memref<128x128xf32, #tpu.memory_space<vmem>>)
      "tpu.region"() ({
        %run_scoped3A_206 = tpu.sem_alloc : memref<!tpu.dma_semaphore, #tpu.memory_space<semaphore_mem>>
        %dma_start3A_207 = arith.constant 0 : i32
        %dma_start3A_208 = tpu.memref_slice %arg7[%add3A_199, %dma_start3A_207] : memref<40x128xi32, #tpu.memory_space<vmem>> -> memref<1x128xi32, #tpu.memory_space<vmem>>
        %dma_start3A_209 = tpu.memref_squeeze %dma_start3A_208 : memref<1x128xi32, #tpu.memory_space<vmem>> -> memref<128xi32, #tpu.memory_space<vmem>>
        %dma_start3A_210 = arith.constant 0 : i32
        %dma_start3A_211 = arith.constant 0 : i32
        %dma_start3A_212 = tpu.memref_slice %arg10[%dma_start3A_210, %dma_start3A_211] : memref<10240x128xf32, #tpu.memory_space<vmem_shared>> -> memref<10240x128xf32, #tpu.memory_space<vmem_shared>>
        tpu.enqueue_indirect_dma source(%arg9 : memref<128x128xf32, #tpu.memory_space<vmem>>) target(%dma_start3A_212 : memref<10240x128xf32, #tpu.memory_space<vmem_shared>>) offsets(%dma_start3A_209 : memref<128xi32, #tpu.memory_space<vmem>>) semaphore(%run_scoped3A_206 : memref<!tpu.dma_semaphore, #tpu.memory_space<semaphore_mem>>) {add = true}
        %dma_wait3A_213 = arith.constant 0 : i32
        %dma_wait3A_214 = tpu.memref_slice %arg7[%add3A_199, %dma_wait3A_213] : memref<40x128xi32, #tpu.memory_space<vmem>> -> memref<1x128xi32, #tpu.memory_space<vmem>>
        %dma_wait3A_215 = tpu.memref_squeeze %dma_wait3A_214 : memref<1x128xi32, #tpu.memory_space<vmem>> -> memref<128xi32, #tpu.memory_space<vmem>>
        %dma_wait3A_216 = arith.constant 0 : i32
        %dma_wait3A_217 = arith.constant 0 : i32
        %dma_wait3A_218 = tpu.memref_slice %arg10[%dma_wait3A_216, %dma_wait3A_217] : memref<10240x128xf32, #tpu.memory_space<vmem_shared>> -> memref<10240x128xf32, #tpu.memory_space<vmem_shared>>
        tpu.wait_indirect_dma semaphore(%run_scoped3A_206 : memref<!tpu.dma_semaphore, #tpu.memory_space<semaphore_mem>>) src(%arg9 : memref<128x128xf32, #tpu.memory_space<vmem>>) dst(%dma_wait3A_218 : memref<10240x128xf32, #tpu.memory_space<vmem_shared>>)
        tpu.yield
      }) : () -> ()
    }
    %scan3A_105 = arith.constant 19 : i32
    %dma_wait3A_106 = arith.constant 38 : i32
    %dma_wait3A_107 = arith.constant 0 : i32
    %dma_wait3A_108 = tpu.memref_slice %arg6[%dma_wait3A_106, %dma_wait3A_107] : memref<40x128xi32, #tpu.memory_space<vmem>> -> memref<1x128xi32, #tpu.memory_space<vmem>>
    %dma_wait3A_109 = tpu.memref_squeeze %dma_wait3A_108 : memref<1x128xi32, #tpu.memory_space<vmem>> -> memref<128xi32, #tpu.memory_space<vmem>>
    %dma_wait3A_110 = arith.constant 0 : i32
    %dma_wait3A_111 = arith.constant 0 : i32
    %dma_wait3A_112 = tpu.memref_slice %arg2[%dma_wait3A_110, %dma_wait3A_111] : memref<10240x128xf32, #tpu.memory_space<hbm>> -> memref<10240x128xf32, #tpu.memory_space<hbm>>
    tpu.wait_indirect_dma semaphore(%arg11 : memref<!tpu.dma_semaphore, #tpu.memory_space<semaphore_mem>>) src(%dma_wait3A_112 : memref<10240x128xf32, #tpu.memory_space<hbm>>) dst(%arg8 : memref<128x128xf32, #tpu.memory_space<vmem>>)
    %run_scoped3A_113 = arith.constant 38 : i32
    "tpu.region"() ({
      %run_scoped3A_173 = tpu.sem_alloc : memref<!tpu.dma_semaphore, #tpu.memory_space<semaphore_mem>>
      %dma_start3A_174 = arith.constant 0 : i32
      %dma_start3A_175 = tpu.memref_slice %arg7[%run_scoped3A_113, %dma_start3A_174] : memref<40x128xi32, #tpu.memory_space<vmem>> -> memref<1x128xi32, #tpu.memory_space<vmem>>
      %dma_start3A_176 = tpu.memref_squeeze %dma_start3A_175 : memref<1x128xi32, #tpu.memory_space<vmem>> -> memref<128xi32, #tpu.memory_space<vmem>>
      %dma_start3A_177 = arith.constant 0 : i32
      %dma_start3A_178 = arith.constant 0 : i32
      %dma_start3A_179 = tpu.memref_slice %arg10[%dma_start3A_177, %dma_start3A_178] : memref<10240x128xf32, #tpu.memory_space<vmem_shared>> -> memref<10240x128xf32, #tpu.memory_space<vmem_shared>>
      tpu.enqueue_indirect_dma source(%arg8 : memref<128x128xf32, #tpu.memory_space<vmem>>) target(%dma_start3A_179 : memref<10240x128xf32, #tpu.memory_space<vmem_shared>>) offsets(%dma_start3A_176 : memref<128xi32, #tpu.memory_space<vmem>>) semaphore(%run_scoped3A_173 : memref<!tpu.dma_semaphore, #tpu.memory_space<semaphore_mem>>) {add = true}
      %dma_wait3A_180 = arith.constant 0 : i32
      %dma_wait3A_181 = tpu.memref_slice %arg7[%run_scoped3A_113, %dma_wait3A_180] : memref<40x128xi32, #tpu.memory_space<vmem>> -> memref<1x128xi32, #tpu.memory_space<vmem>>
      %dma_wait3A_182 = tpu.memref_squeeze %dma_wait3A_181 : memref<1x128xi32, #tpu.memory_space<vmem>> -> memref<128xi32, #tpu.memory_space<vmem>>
      %dma_wait3A_183 = arith.constant 0 : i32
      %dma_wait3A_184 = arith.constant 0 : i32
      %dma_wait3A_185 = tpu.memref_slice %arg10[%dma_wait3A_183, %dma_wait3A_184] : memref<10240x128xf32, #tpu.memory_space<vmem_shared>> -> memref<10240x128xf32, #tpu.memory_space<vmem_shared>>
      tpu.wait_indirect_dma semaphore(%run_scoped3A_173 : memref<!tpu.dma_semaphore, #tpu.memory_space<semaphore_mem>>) src(%arg8 : memref<128x128xf32, #tpu.memory_space<vmem>>) dst(%dma_wait3A_185 : memref<10240x128xf32, #tpu.memory_space<vmem_shared>>)
      tpu.yield
    }) : () -> ()
    %barrier3A_114 = arith.constant 0 : index
    tpu.barrier barrier_id(%barrier3A_114)
    %dma_start3A_115 = arith.constant 0 : i32
    %dma_start3A_116 = tpu.memref_slice %arg10[%mul3A_2, %dma_start3A_115] : memref<10240x128xf32, #tpu.memory_space<vmem_shared>> -> memref<128x128xf32, #tpu.memory_space<vmem_shared>>
    %dma_start3A_117 = arith.constant 0 : i32
    %dma_start3A_118 = tpu.memref_slice %arg10[%mul3A_2, %dma_start3A_117] : memref<10240x128xf32, #tpu.memory_space<vmem_shared>> -> memref<128x128xf32, #tpu.memory_space<vmem_shared>>
    tpu.enqueue_dma source(%dma_start3A_118 : memref<128x128xf32, #tpu.memory_space<vmem_shared>>) target(%arg8 : memref<128x128xf32, #tpu.memory_space<vmem>>) target_semaphore(%arg11 : memref<!tpu.dma_semaphore, #tpu.memory_space<semaphore_mem>>)
    %add3A_119 = arith.constant 0 : i32
    %add3A_120 = arith.addi %mul3A_2, %add3A_119 : i32
    %dma_wait3A_121 = arith.constant 0 : i32
    %dma_wait3A_122 = tpu.memref_slice %arg10[%add3A_120, %dma_wait3A_121] : memref<10240x128xf32, #tpu.memory_space<vmem_shared>> -> memref<128x128xf32, #tpu.memory_space<vmem_shared>>
    %dma_wait3A_123 = arith.constant 0 : i32
    %dma_wait3A_124 = tpu.memref_slice %arg10[%add3A_120, %dma_wait3A_123] : memref<10240x128xf32, #tpu.memory_space<vmem_shared>> -> memref<128x128xf32, #tpu.memory_space<vmem_shared>>
    tpu.wait_dma2 semaphore(%arg11 : memref<!tpu.dma_semaphore, #tpu.memory_space<semaphore_mem>>) src(%dma_wait3A_124 : memref<128x128xf32, #tpu.memory_space<vmem_shared>>) dst(%arg8 : memref<128x128xf32, #tpu.memory_space<vmem>>)
    %add3A_125 = arith.constant 128 : i32
    %add3A_126 = arith.addi %add3A_120, %add3A_125 : i32
    %dma_start3A_127 = arith.constant 0 : i32
    %dma_start3A_128 = tpu.memref_slice %arg10[%add3A_126, %dma_start3A_127] : memref<10240x128xf32, #tpu.memory_space<vmem_shared>> -> memref<128x128xf32, #tpu.memory_space<vmem_shared>>
    %dma_start3A_129 = arith.constant 0 : i32
    %dma_start3A_130 = tpu.memref_slice %arg10[%add3A_126, %dma_start3A_129] : memref<10240x128xf32, #tpu.memory_space<vmem_shared>> -> memref<128x128xf32, #tpu.memory_space<vmem_shared>>
    tpu.enqueue_dma source(%dma_start3A_130 : memref<128x128xf32, #tpu.memory_space<vmem_shared>>) target(%arg9 : memref<128x128xf32, #tpu.memory_space<vmem>>) target_semaphore(%arg12 : memref<!tpu.dma_semaphore, #tpu.memory_space<semaphore_mem>>)
    "tpu.region"() ({
      %run_scoped3A_173 = tpu.sem_alloc : memref<!tpu.dma_semaphore, #tpu.memory_space<semaphore_mem>>
      %dma_start3A_174 = arith.constant 0 : i32
      %dma_start3A_175 = tpu.memref_slice %arg5[%arg0, %add3A_120, %dma_start3A_174] : memref<2x10240x128xf32, #tpu.memory_space<hbm>> -> memref<1x128x128xf32, #tpu.memory_space<hbm>>
      %dma_start3A_176 = tpu.memref_squeeze %dma_start3A_175 : memref<1x128x128xf32, #tpu.memory_space<hbm>> -> memref<128x128xf32, #tpu.memory_space<hbm>>
      %dma_start3A_177 = arith.constant 0 : i32
      %dma_start3A_178 = tpu.memref_slice %arg5[%arg0, %add3A_120, %dma_start3A_177] : memref<2x10240x128xf32, #tpu.memory_space<hbm>> -> memref<1x128x128xf32, #tpu.memory_space<hbm>>
      %dma_start3A_179 = tpu.memref_squeeze %dma_start3A_178 : memref<1x128x128xf32, #tpu.memory_space<hbm>> -> memref<128x128xf32, #tpu.memory_space<hbm>>
      tpu.enqueue_dma source(%arg8 : memref<128x128xf32, #tpu.memory_space<vmem>>) target(%dma_start3A_179 : memref<128x128xf32, #tpu.memory_space<hbm>>) target_semaphore(%run_scoped3A_173 : memref<!tpu.dma_semaphore, #tpu.memory_space<semaphore_mem>>)
      %dma_wait3A_180 = arith.constant 0 : i32
      %dma_wait3A_181 = tpu.memref_slice %arg5[%arg0, %add3A_120, %dma_wait3A_180] : memref<2x10240x128xf32, #tpu.memory_space<hbm>> -> memref<1x128x128xf32, #tpu.memory_space<hbm>>
      %dma_wait3A_182 = tpu.memref_squeeze %dma_wait3A_181 : memref<1x128x128xf32, #tpu.memory_space<hbm>> -> memref<128x128xf32, #tpu.memory_space<hbm>>
      %dma_wait3A_183 = arith.constant 0 : i32
      %dma_wait3A_184 = tpu.memref_slice %arg5[%arg0, %add3A_120, %dma_wait3A_183] : memref<2x10240x128xf32, #tpu.memory_space<hbm>> -> memref<1x128x128xf32, #tpu.memory_space<hbm>>
      %dma_wait3A_185 = tpu.memref_squeeze %dma_wait3A_184 : memref<1x128x128xf32, #tpu.memory_space<hbm>> -> memref<128x128xf32, #tpu.memory_space<hbm>>
      tpu.wait_dma2 semaphore(%run_scoped3A_173 : memref<!tpu.dma_semaphore, #tpu.memory_space<semaphore_mem>>) src(%arg8 : memref<128x128xf32, #tpu.memory_space<vmem>>) dst(%dma_wait3A_185 : memref<128x128xf32, #tpu.memory_space<hbm>>)
      tpu.yield
    }) : () -> ()
    %add3A_131 = arith.constant 128 : i32
    %add3A_132 = arith.addi %mul3A_2, %add3A_131 : i32
    %dma_wait3A_133 = arith.constant 0 : i32
    %dma_wait3A_134 = tpu.memref_slice %arg10[%add3A_132, %dma_wait3A_133] : memref<10240x128xf32, #tpu.memory_space<vmem_shared>> -> memref<128x128xf32, #tpu.memory_space<vmem_shared>>
    %dma_wait3A_135 = arith.constant 0 : i32
    %dma_wait3A_136 = tpu.memref_slice %arg10[%add3A_132, %dma_wait3A_135] : memref<10240x128xf32, #tpu.memory_space<vmem_shared>> -> memref<128x128xf32, #tpu.memory_space<vmem_shared>>
    tpu.wait_dma2 semaphore(%arg12 : memref<!tpu.dma_semaphore, #tpu.memory_space<semaphore_mem>>) src(%dma_wait3A_136 : memref<128x128xf32, #tpu.memory_space<vmem_shared>>) dst(%arg9 : memref<128x128xf32, #tpu.memory_space<vmem>>)
    %add3A_137 = arith.constant 128 : i32
    %add3A_138 = arith.addi %add3A_132, %add3A_137 : i32
    %dma_start3A_139 = arith.constant 0 : i32
    %dma_start3A_140 = tpu.memref_slice %arg10[%add3A_138, %dma_start3A_139] : memref<10240x128xf32, #tpu.memory_space<vmem_shared>> -> memref<128x128xf32, #tpu.memory_space<vmem_shared>>
    %dma_start3A_141 = arith.constant 0 : i32
    %dma_start3A_142 = tpu.memref_slice %arg10[%add3A_138, %dma_start3A_141] : memref<10240x128xf32, #tpu.memory_space<vmem_shared>> -> memref<128x128xf32, #tpu.memory_space<vmem_shared>>
    tpu.enqueue_dma source(%dma_start3A_142 : memref<128x128xf32, #tpu.memory_space<vmem_shared>>) target(%arg8 : memref<128x128xf32, #tpu.memory_space<vmem>>) target_semaphore(%arg11 : memref<!tpu.dma_semaphore, #tpu.memory_space<semaphore_mem>>)
    "tpu.region"() ({
      %run_scoped3A_173 = tpu.sem_alloc : memref<!tpu.dma_semaphore, #tpu.memory_space<semaphore_mem>>
      %dma_start3A_174 = arith.constant 0 : i32
      %dma_start3A_175 = tpu.memref_slice %arg5[%arg0, %add3A_132, %dma_start3A_174] : memref<2x10240x128xf32, #tpu.memory_space<hbm>> -> memref<1x128x128xf32, #tpu.memory_space<hbm>>
      %dma_start3A_176 = tpu.memref_squeeze %dma_start3A_175 : memref<1x128x128xf32, #tpu.memory_space<hbm>> -> memref<128x128xf32, #tpu.memory_space<hbm>>
      %dma_start3A_177 = arith.constant 0 : i32
      %dma_start3A_178 = tpu.memref_slice %arg5[%arg0, %add3A_132, %dma_start3A_177] : memref<2x10240x128xf32, #tpu.memory_space<hbm>> -> memref<1x128x128xf32, #tpu.memory_space<hbm>>
      %dma_start3A_179 = tpu.memref_squeeze %dma_start3A_178 : memref<1x128x128xf32, #tpu.memory_space<hbm>> -> memref<128x128xf32, #tpu.memory_space<hbm>>
      tpu.enqueue_dma source(%arg9 : memref<128x128xf32, #tpu.memory_space<vmem>>) target(%dma_start3A_179 : memref<128x128xf32, #tpu.memory_space<hbm>>) target_semaphore(%run_scoped3A_173 : memref<!tpu.dma_semaphore, #tpu.memory_space<semaphore_mem>>)
      %dma_wait3A_180 = arith.constant 0 : i32
      %dma_wait3A_181 = tpu.memref_slice %arg5[%arg0, %add3A_132, %dma_wait3A_180] : memref<2x10240x128xf32, #tpu.memory_space<hbm>> -> memref<1x128x128xf32, #tpu.memory_space<hbm>>
      %dma_wait3A_182 = tpu.memref_squeeze %dma_wait3A_181 : memref<1x128x128xf32, #tpu.memory_space<hbm>> -> memref<128x128xf32, #tpu.memory_space<hbm>>
      %dma_wait3A_183 = arith.constant 0 : i32
      %dma_wait3A_184 = tpu.memref_slice %arg5[%arg0, %add3A_132, %dma_wait3A_183] : memref<2x10240x128xf32, #tpu.memory_space<hbm>> -> memref<1x128x128xf32, #tpu.memory_space<hbm>>
      %dma_wait3A_185 = tpu.memref_squeeze %dma_wait3A_184 : memref<1x128x128xf32, #tpu.memory_space<hbm>> -> memref<128x128xf32, #tpu.memory_space<hbm>>
      tpu.wait_dma2 semaphore(%run_scoped3A_173 : memref<!tpu.dma_semaphore, #tpu.memory_space<semaphore_mem>>) src(%arg9 : memref<128x128xf32, #tpu.memory_space<vmem>>) dst(%dma_wait3A_185 : memref<128x128xf32, #tpu.memory_space<hbm>>)
      tpu.yield
    }) : () -> ()
    %add3A_143 = arith.constant 256 : i32
    %add3A_144 = arith.addi %mul3A_2, %add3A_143 : i32
    %dma_wait3A_145 = arith.constant 0 : i32
    %dma_wait3A_146 = tpu.memref_slice %arg10[%add3A_144, %dma_wait3A_145] : memref<10240x128xf32, #tpu.memory_space<vmem_shared>> -> memref<128x128xf32, #tpu.memory_space<vmem_shared>>
    %dma_wait3A_147 = arith.constant 0 : i32
    %dma_wait3A_148 = tpu.memref_slice %arg10[%add3A_144, %dma_wait3A_147] : memref<10240x128xf32, #tpu.memory_space<vmem_shared>> -> memref<128x128xf32, #tpu.memory_space<vmem_shared>>
    tpu.wait_dma2 semaphore(%arg11 : memref<!tpu.dma_semaphore, #tpu.memory_space<semaphore_mem>>) src(%dma_wait3A_148 : memref<128x128xf32, #tpu.memory_space<vmem_shared>>) dst(%arg8 : memref<128x128xf32, #tpu.memory_space<vmem>>)
    %add3A_149 = arith.constant 128 : i32
    %add3A_150 = arith.addi %add3A_144, %add3A_149 : i32
    %dma_start3A_151 = arith.constant 0 : i32
    %dma_start3A_152 = tpu.memref_slice %arg10[%add3A_150, %dma_start3A_151] : memref<10240x128xf32, #tpu.memory_space<vmem_shared>> -> memref<128x128xf32, #tpu.memory_space<vmem_shared>>
    %dma_start3A_153 = arith.constant 0 : i32
    %dma_start3A_154 = tpu.memref_slice %arg10[%add3A_150, %dma_start3A_153] : memref<10240x128xf32, #tpu.memory_space<vmem_shared>> -> memref<128x128xf32, #tpu.memory_space<vmem_shared>>
    tpu.enqueue_dma source(%dma_start3A_154 : memref<128x128xf32, #tpu.memory_space<vmem_shared>>) target(%arg9 : memref<128x128xf32, #tpu.memory_space<vmem>>) target_semaphore(%arg12 : memref<!tpu.dma_semaphore, #tpu.memory_space<semaphore_mem>>)
    "tpu.region"() ({
      %run_scoped3A_173 = tpu.sem_alloc : memref<!tpu.dma_semaphore, #tpu.memory_space<semaphore_mem>>
      %dma_start3A_174 = arith.constant 0 : i32
      %dma_start3A_175 = tpu.memref_slice %arg5[%arg0, %add3A_144, %dma_start3A_174] : memref<2x10240x128xf32, #tpu.memory_space<hbm>> -> memref<1x128x128xf32, #tpu.memory_space<hbm>>
      %dma_start3A_176 = tpu.memref_squeeze %dma_start3A_175 : memref<1x128x128xf32, #tpu.memory_space<hbm>> -> memref<128x128xf32, #tpu.memory_space<hbm>>
      %dma_start3A_177 = arith.constant 0 : i32
      %dma_start3A_178 = tpu.memref_slice %arg5[%arg0, %add3A_144, %dma_start3A_177] : memref<2x10240x128xf32, #tpu.memory_space<hbm>> -> memref<1x128x128xf32, #tpu.memory_space<hbm>>
      %dma_start3A_179 = tpu.memref_squeeze %dma_start3A_178 : memref<1x128x128xf32, #tpu.memory_space<hbm>> -> memref<128x128xf32, #tpu.memory_space<hbm>>
      tpu.enqueue_dma source(%arg8 : memref<128x128xf32, #tpu.memory_space<vmem>>) target(%dma_start3A_179 : memref<128x128xf32, #tpu.memory_space<hbm>>) target_semaphore(%run_scoped3A_173 : memref<!tpu.dma_semaphore, #tpu.memory_space<semaphore_mem>>)
      %dma_wait3A_180 = arith.constant 0 : i32
      %dma_wait3A_181 = tpu.memref_slice %arg5[%arg0, %add3A_144, %dma_wait3A_180] : memref<2x10240x128xf32, #tpu.memory_space<hbm>> -> memref<1x128x128xf32, #tpu.memory_space<hbm>>
      %dma_wait3A_182 = tpu.memref_squeeze %dma_wait3A_181 : memref<1x128x128xf32, #tpu.memory_space<hbm>> -> memref<128x128xf32, #tpu.memory_space<hbm>>
      %dma_wait3A_183 = arith.constant 0 : i32
      %dma_wait3A_184 = tpu.memref_slice %arg5[%arg0, %add3A_144, %dma_wait3A_183] : memref<2x10240x128xf32, #tpu.memory_space<hbm>> -> memref<1x128x128xf32, #tpu.memory_space<hbm>>
      %dma_wait3A_185 = tpu.memref_squeeze %dma_wait3A_184 : memref<1x128x128xf32, #tpu.memory_space<hbm>> -> memref<128x128xf32, #tpu.memory_space<hbm>>
      tpu.wait_dma2 semaphore(%run_scoped3A_173 : memref<!tpu.dma_semaphore, #tpu.memory_space<semaphore_mem>>) src(%arg8 : memref<128x128xf32, #tpu.memory_space<vmem>>) dst(%dma_wait3A_185 : memref<128x128xf32, #tpu.memory_space<hbm>>)
      tpu.yield
    }) : () -> ()
    %add3A_155 = arith.constant 384 : i32
    %add3A_156 = arith.addi %mul3A_2, %add3A_155 : i32
    %dma_wait3A_157 = arith.constant 0 : i32
    %dma_wait3A_158 = tpu.memref_slice %arg10[%add3A_156, %dma_wait3A_157] : memref<10240x128xf32, #tpu.memory_space<vmem_shared>> -> memref<128x128xf32, #tpu.memory_space<vmem_shared>>
    %dma_wait3A_159 = arith.constant 0 : i32
    %dma_wait3A_160 = tpu.memref_slice %arg10[%add3A_156, %dma_wait3A_159] : memref<10240x128xf32, #tpu.memory_space<vmem_shared>> -> memref<128x128xf32, #tpu.memory_space<vmem_shared>>
    tpu.wait_dma2 semaphore(%arg12 : memref<!tpu.dma_semaphore, #tpu.memory_space<semaphore_mem>>) src(%dma_wait3A_160 : memref<128x128xf32, #tpu.memory_space<vmem_shared>>) dst(%arg9 : memref<128x128xf32, #tpu.memory_space<vmem>>)
    %add3A_161 = arith.constant 128 : i32
    %add3A_162 = arith.addi %add3A_156, %add3A_161 : i32
    %dma_start3A_163 = arith.constant 0 : i32
    %dma_start3A_164 = tpu.memref_slice %arg10[%add3A_162, %dma_start3A_163] : memref<10240x128xf32, #tpu.memory_space<vmem_shared>> -> memref<128x128xf32, #tpu.memory_space<vmem_shared>>
    %dma_start3A_165 = arith.constant 0 : i32
    %dma_start3A_166 = tpu.memref_slice %arg10[%add3A_162, %dma_start3A_165] : memref<10240x128xf32, #tpu.memory_space<vmem_shared>> -> memref<128x128xf32, #tpu.memory_space<vmem_shared>>
    tpu.enqueue_dma source(%dma_start3A_166 : memref<128x128xf32, #tpu.memory_space<vmem_shared>>) target(%arg8 : memref<128x128xf32, #tpu.memory_space<vmem>>) target_semaphore(%arg11 : memref<!tpu.dma_semaphore, #tpu.memory_space<semaphore_mem>>)
    "tpu.region"() ({
      %run_scoped3A_173 = tpu.sem_alloc : memref<!tpu.dma_semaphore, #tpu.memory_space<semaphore_mem>>
      %dma_start3A_174 = arith.constant 0 : i32
      %dma_start3A_175 = tpu.memref_slice %arg5[%arg0, %add3A_156, %dma_start3A_174] : memref<2x10240x128xf32, #tpu.memory_space<hbm>> -> memref<1x128x128xf32, #tpu.memory_space<hbm>>
      %dma_start3A_176 = tpu.memref_squeeze %dma_start3A_175 : memref<1x128x128xf32, #tpu.memory_space<hbm>> -> memref<128x128xf32, #tpu.memory_space<hbm>>
      %dma_start3A_177 = arith.constant 0 : i32
      %dma_start3A_178 = tpu.memref_slice %arg5[%arg0, %add3A_156, %dma_start3A_177] : memref<2x10240x128xf32, #tpu.memory_space<hbm>> -> memref<1x128x128xf32, #tpu.memory_space<hbm>>
      %dma_start3A_179 = tpu.memref_squeeze %dma_start3A_178 : memref<1x128x128xf32, #tpu.memory_space<hbm>> -> memref<128x128xf32, #tpu.memory_space<hbm>>
      tpu.enqueue_dma source(%arg9 : memref<128x128xf32, #tpu.memory_space<vmem>>) target(%dma_start3A_179 : memref<128x128xf32, #tpu.memory_space<hbm>>) target_semaphore(%run_scoped3A_173 : memref<!tpu.dma_semaphore, #tpu.memory_space<semaphore_mem>>)
      %dma_wait3A_180 = arith.constant 0 : i32
      %dma_wait3A_181 = tpu.memref_slice %arg5[%arg0, %add3A_156, %dma_wait3A_180] : memref<2x10240x128xf32, #tpu.memory_space<hbm>> -> memref<1x128x128xf32, #tpu.memory_space<hbm>>
      %dma_wait3A_182 = tpu.memref_squeeze %dma_wait3A_181 : memref<1x128x128xf32, #tpu.memory_space<hbm>> -> memref<128x128xf32, #tpu.memory_space<hbm>>
      %dma_wait3A_183 = arith.constant 0 : i32
      %dma_wait3A_184 = tpu.memref_slice %arg5[%arg0, %add3A_156, %dma_wait3A_183] : memref<2x10240x128xf32, #tpu.memory_space<hbm>> -> memref<1x128x128xf32, #tpu.memory_space<hbm>>
      %dma_wait3A_185 = tpu.memref_squeeze %dma_wait3A_184 : memref<1x128x128xf32, #tpu.memory_space<hbm>> -> memref<128x128xf32, #tpu.memory_space<hbm>>
      tpu.wait_dma2 semaphore(%run_scoped3A_173 : memref<!tpu.dma_semaphore, #tpu.memory_space<semaphore_mem>>) src(%arg9 : memref<128x128xf32, #tpu.memory_space<vmem>>) dst(%dma_wait3A_185 : memref<128x128xf32, #tpu.memory_space<hbm>>)
      tpu.yield
    }) : () -> ()
    %add3A_167 = arith.constant 512 : i32
    %add3A_168 = arith.addi %mul3A_2, %add3A_167 : i32
    %dma_wait3A_169 = arith.constant 0 : i32
    %dma_wait3A_170 = tpu.memref_slice %arg10[%add3A_168, %dma_wait3A_169] : memref<10240x128xf32, #tpu.memory_space<vmem_shared>> -> memref<128x128xf32, #tpu.memory_space<vmem_shared>>
    %dma_wait3A_171 = arith.constant 0 : i32
    %dma_wait3A_172 = tpu.memref_slice %arg10[%add3A_168, %dma_wait3A_171] : memref<10240x128xf32, #tpu.memory_space<vmem_shared>> -> memref<128x128xf32, #tpu.memory_space<vmem_shared>>
    tpu.wait_dma2 semaphore(%arg11 : memref<!tpu.dma_semaphore, #tpu.memory_space<semaphore_mem>>) src(%dma_wait3A_172 : memref<128x128xf32, #tpu.memory_space<vmem_shared>>) dst(%arg8 : memref<128x128xf32, #tpu.memory_space<vmem>>)
    "tpu.region"() ({
      %run_scoped3A_173 = tpu.sem_alloc : memref<!tpu.dma_semaphore, #tpu.memory_space<semaphore_mem>>
      %dma_start3A_174 = arith.constant 0 : i32
      %dma_start3A_175 = tpu.memref_slice %arg5[%arg0, %add3A_168, %dma_start3A_174] : memref<2x10240x128xf32, #tpu.memory_space<hbm>> -> memref<1x128x128xf32, #tpu.memory_space<hbm>>
      %dma_start3A_176 = tpu.memref_squeeze %dma_start3A_175 : memref<1x128x128xf32, #tpu.memory_space<hbm>> -> memref<128x128xf32, #tpu.memory_space<hbm>>
      %dma_start3A_177 = arith.constant 0 : i32
      %dma_start3A_178 = tpu.memref_slice %arg5[%arg0, %add3A_168, %dma_start3A_177] : memref<2x10240x128xf32, #tpu.memory_space<hbm>> -> memref<1x128x128xf32, #tpu.memory_space<hbm>>
      %dma_start3A_179 = tpu.memref_squeeze %dma_start3A_178 : memref<1x128x128xf32, #tpu.memory_space<hbm>> -> memref<128x128xf32, #tpu.memory_space<hbm>>
      tpu.enqueue_dma source(%arg8 : memref<128x128xf32, #tpu.memory_space<vmem>>) target(%dma_start3A_179 : memref<128x128xf32, #tpu.memory_space<hbm>>) target_semaphore(%run_scoped3A_173 : memref<!tpu.dma_semaphore, #tpu.memory_space<semaphore_mem>>)
      %dma_wait3A_180 = arith.constant 0 : i32
      %dma_wait3A_181 = tpu.memref_slice %arg5[%arg0, %add3A_168, %dma_wait3A_180] : memref<2x10240x128xf32, #tpu.memory_space<hbm>> -> memref<1x128x128xf32, #tpu.memory_space<hbm>>
      %dma_wait3A_182 = tpu.memref_squeeze %dma_wait3A_181 : memref<1x128x128xf32, #tpu.memory_space<hbm>> -> memref<128x128xf32, #tpu.memory_space<hbm>>
      %dma_wait3A_183 = arith.constant 0 : i32
      %dma_wait3A_184 = tpu.memref_slice %arg5[%arg0, %add3A_168, %dma_wait3A_183] : memref<2x10240x128xf32, #tpu.memory_space<hbm>> -> memref<1x128x128xf32, #tpu.memory_space<hbm>>
      %dma_wait3A_185 = tpu.memref_squeeze %dma_wait3A_184 : memref<1x128x128xf32, #tpu.memory_space<hbm>> -> memref<128x128xf32, #tpu.memory_space<hbm>>
      tpu.wait_dma2 semaphore(%run_scoped3A_173 : memref<!tpu.dma_semaphore, #tpu.memory_space<semaphore_mem>>) src(%arg8 : memref<128x128xf32, #tpu.memory_space<vmem>>) dst(%dma_wait3A_185 : memref<128x128xf32, #tpu.memory_space<hbm>>)
      tpu.yield
    }) : () -> ()
    return
  }
}

module attributes {stable_mosaic.version = 14 : i64} {
  func.func @_tcmm_body(%arg0: memref<10000x128xf32, #tpu.memory_space<vmem>>, %arg1: memref<128x128xf32, #tpu.memory_space<vmem>>, %arg2: memref<10000x128xf32, #tpu.memory_space<vmem>>) attributes {dimension_semantics = [], scalar_prefetch = 0 : i64, scratch_operands = 0 : i64, tpu.core_type = #tpu.core_type<tc>} {
    %get3A = arith.constant 0 : index
    %get3A_0 = arith.constant 0 : index
    %get3A_1 = vector.load %arg0[%get3A, %get3A_0] : memref<10000x128xf32, #tpu.memory_space<vmem>>, vector<10000x128xf32>
    %get3A_2 = arith.constant 0 : index
    %get3A_3 = arith.constant 0 : index
    %get3A_4 = vector.load %arg1[%get3A_2, %get3A_3] : memref<128x128xf32, #tpu.memory_space<vmem>>, vector<128x128xf32>
    %dot_general3A = arith.constant dense<0.000000e+00> : vector<10000x128xf32>
    %dot_general3A_5 = tpu.matmul %get3A_1, %get3A_4, %dot_general3A {dimension_numbers = #tpu.dot_dimension_numbers<[1], [0], [0], [1], [0, 0, 1, 1], [], []>, transpose_lhs_hint = false} : vector<10000x128xf32>, vector<128x128xf32>, vector<10000x128xf32> -> vector<10000x128xf32>
    %swap3A = arith.constant 0 : index
    %swap3A_6 = arith.constant 0 : index
    %swap3A_7 = vector.load %arg2[%swap3A, %swap3A_6] : memref<10000x128xf32, #tpu.memory_space<vmem>>, vector<10000x128xf32>
    tpu.vector_store %arg2[%swap3A, %swap3A_6], %dot_general3A_5 {strides = array<i32>} : memref<10000x128xf32, #tpu.memory_space<vmem>>, vector<10000x128xf32>,
    return
  }
}

module attributes {stable_mosaic.version = 14 : i64} {
  func.func @_tc1_body(%arg0: memref<10000x128xf32, #tpu.memory_space<vmem>>, %arg1: memref<2x10240x128xf32, #tpu.memory_space<vmem>>, %arg2: memref<10240x128xf32, #tpu.memory_space<vmem>>, %arg3: memref<10000x1xf32, #tpu.memory_space<vmem>>) attributes {dimension_semantics = [], scalar_prefetch = 0 : i64, scratch_operands = 0 : i64, tpu.core_type = #tpu.core_type<tc>} {
    %get3A = arith.constant 0 : index
    %get3A_0 = arith.constant 0 : index
    %get3A_1 = arith.constant 0 : index
    %get3A_2 = vector.load %arg1[%get3A, %get3A_0, %get3A_1] : memref<2x10240x128xf32, #tpu.memory_space<vmem>>, vector<1x10000x1xf32>
    %get3A_3 = vector.shape_cast %get3A_2 : vector<1x10000x1xf32> to vector<10000x1xf32>
    %get3A_4 = arith.constant 1 : index
    %get3A_5 = arith.constant 0 : index
    %get3A_6 = arith.constant 0 : index
    %get3A_7 = vector.load %arg1[%get3A_4, %get3A_5, %get3A_6] : memref<2x10240x128xf32, #tpu.memory_space<vmem>>, vector<1x10000x1xf32>
    %get3A_8 = vector.shape_cast %get3A_7 : vector<1x10000x1xf32> to vector<10000x1xf32>
    %add3A = arith.addf %get3A_3, %get3A_8 : vector<10000x1xf32>
    %add3A_9 = arith.constant 1.000000e+00 : f32
    %add3A_10 = vector.broadcast %add3A_9 : f32 to vector<10000x1xf32>
    %add3A_11 = arith.addf %add3A, %add3A_10 : vector<10000x1xf32>
    %rsqrt3A = math.rsqrt %add3A_11 : vector<10000x1xf32>
    %get3A_12 = arith.constant 0 : index
    %get3A_13 = arith.constant 0 : index
    %get3A_14 = vector.load %arg0[%get3A_12, %get3A_13] : memref<10000x128xf32, #tpu.memory_space<vmem>>, vector<10000x128xf32>
    %mul3A = vector.broadcast %rsqrt3A : vector<10000x1xf32> to vector<10000x128xf32>
    %mul3A_15 = arith.mulf %get3A_14, %mul3A : vector<10000x128xf32>
    %swap3A = arith.constant 0 : index
    %swap3A_16 = arith.constant 0 : index
    %swap3A_17 = vector.load %arg2[%swap3A, %swap3A_16] : memref<10240x128xf32, #tpu.memory_space<vmem>>, vector<10000x128xf32>
    tpu.vector_store %arg2[%swap3A, %swap3A_16], %mul3A_15 {strides = array<i32>} : memref<10240x128xf32, #tpu.memory_space<vmem>>, vector<10000x128xf32>,
    %broadcast_in_dim3A = arith.constant 0.000000e+00 : f32
    %broadcast_in_dim3A_18 = vector.broadcast %broadcast_in_dim3A : f32 to vector<240x128xf32>
    %swap3A_19 = arith.constant 10000 : index
    %swap3A_20 = arith.constant 0 : index
    %swap3A_21 = vector.load %arg2[%swap3A_19, %swap3A_20] : memref<10240x128xf32, #tpu.memory_space<vmem>>, vector<240x128xf32>
    tpu.vector_store %arg2[%swap3A_19, %swap3A_20], %broadcast_in_dim3A_18 {strides = array<i32>} : memref<10240x128xf32, #tpu.memory_space<vmem>>, vector<240x128xf32>,
    %swap3A_22 = arith.constant 0 : index
    %swap3A_23 = arith.constant 0 : index
    %swap3A_24 = vector.load %arg3[%swap3A_22, %swap3A_23] : memref<10000x1xf32, #tpu.memory_space<vmem>>, vector<10000x1xf32>
    tpu.vector_store %arg3[%swap3A_22, %swap3A_23], %rsqrt3A {strides = array<i32>} : memref<10000x1xf32, #tpu.memory_space<vmem>>, vector<10000x1xf32>,
    return
  }
}

module attributes {stable_mosaic.version = 14 : i64} {
  func.func @_tc2_body(%arg0: memref<2x10240x128xf32, #tpu.memory_space<vmem>>, %arg1: memref<10240x128xf32, #tpu.memory_space<vmem>>, %arg2: memref<10000x1xf32, #tpu.memory_space<vmem>>, %arg3: memref<1x128xf32, #tpu.memory_space<vmem>>, %arg4: memref<128x128xf32, #tpu.memory_space<vmem>>, %arg5: memref<10240x128xf32, #tpu.memory_space<vmem>>) attributes {dimension_semantics = [], scalar_prefetch = 0 : i64, scratch_operands = 0 : i64, tpu.core_type = #tpu.core_type<tc>} {
    %get3A = arith.constant 0 : index
    %get3A_0 = arith.constant 0 : index
    %get3A_1 = vector.load %arg2[%get3A, %get3A_0] : memref<10000x1xf32, #tpu.memory_space<vmem>>, vector<10000x1xf32>
    %get3A_2 = arith.constant 0 : index
    %get3A_3 = arith.constant 0 : index
    %get3A_4 = arith.constant 0 : index
    %get3A_5 = vector.load %arg0[%get3A_2, %get3A_3, %get3A_4] : memref<2x10240x128xf32, #tpu.memory_space<vmem>>, vector<1x10000x128xf32>
    %get3A_6 = vector.shape_cast %get3A_5 : vector<1x10000x128xf32> to vector<10000x128xf32>
    %get3A_7 = arith.constant 1 : index
    %get3A_8 = arith.constant 0 : index
    %get3A_9 = arith.constant 0 : index
    %get3A_10 = vector.load %arg0[%get3A_7, %get3A_8, %get3A_9] : memref<2x10240x128xf32, #tpu.memory_space<vmem>>, vector<1x10000x128xf32>
    %get3A_11 = vector.shape_cast %get3A_10 : vector<1x10000x128xf32> to vector<10000x128xf32>
    %add3A = arith.addf %get3A_6, %get3A_11 : vector<10000x128xf32>
    %get3A_12 = arith.constant 0 : index
    %get3A_13 = arith.constant 0 : index
    %get3A_14 = vector.load %arg1[%get3A_12, %get3A_13] : memref<10240x128xf32, #tpu.memory_space<vmem>>, vector<10000x128xf32>
    %sub3A = arith.subf %add3A, %get3A_14 : vector<10000x128xf32>
    %mul3A = vector.broadcast %get3A_1 : vector<10000x1xf32> to vector<10000x128xf32>
    %mul3A_15 = arith.mulf %sub3A, %mul3A : vector<10000x128xf32>
    %get3A_16 = arith.constant 0 : index
    %get3A_17 = arith.constant 0 : index
    %get3A_18 = vector.load %arg3[%get3A_16, %get3A_17] : memref<1x128xf32, #tpu.memory_space<vmem>>, vector<1x128xf32>
    %add3A_19 = vector.broadcast %get3A_18 : vector<1x128xf32> to vector<10000x128xf32>
    %add3A_20 = arith.addf %mul3A_15, %add3A_19 : vector<10000x128xf32>
    %gt3A = arith.constant 0.000000e+00 : f32
    %gt3A_21 = vector.broadcast %gt3A : f32 to vector<10000x128xf32>
    %gt3A_22 = arith.cmpf ogt, %add3A_20, %gt3A_21 : vector<10000x128xf32>
    %exp3A = math.exp %add3A_20 : vector<10000x128xf32>
    %sub3A_23 = arith.constant 1.000000e+00 : f32
    %sub3A_24 = vector.broadcast %sub3A_23 : f32 to vector<10000x128xf32>
    %sub3A_25 = arith.subf %exp3A, %sub3A_24 : vector<10000x128xf32>
    %select_n3A = arith.select %gt3A_22, %add3A_20, %sub3A_25 : vector<10000x128xi1>, vector<10000x128xf32>
    %get3A_26 = arith.constant 0 : index
    %get3A_27 = arith.constant 0 : index
    %get3A_28 = vector.load %arg4[%get3A_26, %get3A_27] : memref<128x128xf32, #tpu.memory_space<vmem>>, vector<128x128xf32>
    %dot_general3A = arith.constant dense<0.000000e+00> : vector<10000x128xf32>
    %dot_general3A_29 = tpu.matmul %select_n3A, %get3A_28, %dot_general3A {dimension_numbers = #tpu.dot_dimension_numbers<[1], [0], [0], [1], [0, 0, 1, 1], [], []>, transpose_lhs_hint = false} : vector<10000x128xf32>, vector<128x128xf32>, vector<10000x128xf32> -> vector<10000x128xf32>
    %mul3A_30 = vector.broadcast %get3A_1 : vector<10000x1xf32> to vector<10000x128xf32>
    %mul3A_31 = arith.mulf %dot_general3A_29, %mul3A_30 : vector<10000x128xf32>
    %swap3A = arith.constant 0 : index
    %swap3A_32 = arith.constant 0 : index
    %swap3A_33 = vector.load %arg5[%swap3A, %swap3A_32] : memref<10240x128xf32, #tpu.memory_space<vmem>>, vector<10000x128xf32>
    tpu.vector_store %arg5[%swap3A, %swap3A_32], %mul3A_31 {strides = array<i32>} : memref<10240x128xf32, #tpu.memory_space<vmem>>, vector<10000x128xf32>,
    %broadcast_in_dim3A = arith.constant 0.000000e+00 : f32
    %broadcast_in_dim3A_34 = vector.broadcast %broadcast_in_dim3A : f32 to vector<240x128xf32>
    %swap3A_35 = arith.constant 10000 : index
    %swap3A_36 = arith.constant 0 : index
    %swap3A_37 = vector.load %arg5[%swap3A_35, %swap3A_36] : memref<10240x128xf32, #tpu.memory_space<vmem>>, vector<240x128xf32>
    tpu.vector_store %arg5[%swap3A_35, %swap3A_36], %broadcast_in_dim3A_34 {strides = array<i32>} : memref<10240x128xf32, #tpu.memory_space<vmem>>, vector<240x128xf32>,
    return
  }
}

module attributes {stable_mosaic.version = 14 : i64} {
  func.func @_tc3_body(%arg0: memref<2x10240x128xf32, #tpu.memory_space<vmem>>, %arg1: memref<10240x128xf32, #tpu.memory_space<vmem>>, %arg2: memref<10000x1xf32, #tpu.memory_space<vmem>>, %arg3: memref<1x128xf32, #tpu.memory_space<vmem>>, %arg4: memref<128x1xf32, #tpu.memory_space<vmem>>, %arg5: memref<1x1xf32, #tpu.memory_space<vmem>>, %arg6: memref<10000x1xf32, #tpu.memory_space<vmem>>) attributes {dimension_semantics = [], scalar_prefetch = 0 : i64, scratch_operands = 0 : i64, tpu.core_type = #tpu.core_type<tc>} {
    %get3A = arith.constant 0 : index
    %get3A_0 = arith.constant 0 : index
    %get3A_1 = vector.load %arg2[%get3A, %get3A_0] : memref<10000x1xf32, #tpu.memory_space<vmem>>, vector<10000x1xf32>
    %get3A_2 = arith.constant 0 : index
    %get3A_3 = arith.constant 0 : index
    %get3A_4 = arith.constant 0 : index
    %get3A_5 = vector.load %arg0[%get3A_2, %get3A_3, %get3A_4] : memref<2x10240x128xf32, #tpu.memory_space<vmem>>, vector<1x10000x128xf32>
    %get3A_6 = vector.shape_cast %get3A_5 : vector<1x10000x128xf32> to vector<10000x128xf32>
    %get3A_7 = arith.constant 1 : index
    %get3A_8 = arith.constant 0 : index
    %get3A_9 = arith.constant 0 : index
    %get3A_10 = vector.load %arg0[%get3A_7, %get3A_8, %get3A_9] : memref<2x10240x128xf32, #tpu.memory_space<vmem>>, vector<1x10000x128xf32>
    %get3A_11 = vector.shape_cast %get3A_10 : vector<1x10000x128xf32> to vector<10000x128xf32>
    %add3A = arith.addf %get3A_6, %get3A_11 : vector<10000x128xf32>
    %get3A_12 = arith.constant 0 : index
    %get3A_13 = arith.constant 0 : index
    %get3A_14 = vector.load %arg1[%get3A_12, %get3A_13] : memref<10240x128xf32, #tpu.memory_space<vmem>>, vector<10000x128xf32>
    %sub3A = arith.subf %add3A, %get3A_14 : vector<10000x128xf32>
    %mul3A = vector.broadcast %get3A_1 : vector<10000x1xf32> to vector<10000x128xf32>
    %mul3A_15 = arith.mulf %sub3A, %mul3A : vector<10000x128xf32>
    %get3A_16 = arith.constant 0 : index
    %get3A_17 = arith.constant 0 : index
    %get3A_18 = vector.load %arg3[%get3A_16, %get3A_17] : memref<1x128xf32, #tpu.memory_space<vmem>>, vector<1x128xf32>
    %add3A_19 = vector.broadcast %get3A_18 : vector<1x128xf32> to vector<10000x128xf32>
    %add3A_20 = arith.addf %mul3A_15, %add3A_19 : vector<10000x128xf32>
    %gt3A = arith.constant 0.000000e+00 : f32
    %gt3A_21 = vector.broadcast %gt3A : f32 to vector<10000x128xf32>
    %gt3A_22 = arith.cmpf ogt, %add3A_20, %gt3A_21 : vector<10000x128xf32>
    %exp3A = math.exp %add3A_20 : vector<10000x128xf32>
    %sub3A_23 = arith.constant 1.000000e+00 : f32
    %sub3A_24 = vector.broadcast %sub3A_23 : f32 to vector<10000x128xf32>
    %sub3A_25 = arith.subf %exp3A, %sub3A_24 : vector<10000x128xf32>
    %select_n3A = arith.select %gt3A_22, %add3A_20, %sub3A_25 : vector<10000x128xi1>, vector<10000x128xf32>
    %get3A_26 = arith.constant 0 : index
    %get3A_27 = arith.constant 0 : index
    %get3A_28 = vector.load %arg4[%get3A_26, %get3A_27] : memref<128x1xf32, #tpu.memory_space<vmem>>, vector<128x1xf32>
    %dot_general3A = arith.constant dense<0.000000e+00> : vector<10000x1xf32>
    %dot_general3A_29 = tpu.matmul %select_n3A, %get3A_28, %dot_general3A {dimension_numbers = #tpu.dot_dimension_numbers<[1], [0], [0], [1], [0, 0, 1, 1], [], []>, transpose_lhs_hint = false} : vector<10000x128xf32>, vector<128x1xf32>, vector<10000x1xf32> -> vector<10000x1xf32>
    %get3A_30 = arith.constant 0 : index
    %get3A_31 = arith.constant 0 : index
    %get3A_32 = vector.load %arg5[%get3A_30, %get3A_31] : memref<1x1xf32, #tpu.memory_space<vmem>>, vector<1x1xf32>
    %add3A_33 = vector.broadcast %get3A_32 : vector<1x1xf32> to vector<10000x1xf32>
    %add3A_34 = arith.addf %dot_general3A_29, %add3A_33 : vector<10000x1xf32>
    %swap3A = arith.constant 0 : index
    %swap3A_35 = arith.constant 0 : index
    %swap3A_36 = vector.load %arg6[%swap3A, %swap3A_35] : memref<10000x1xf32, #tpu.memory_space<vmem>>, vector<10000x1xf32>
    tpu.vector_store %arg6[%swap3A, %swap3A_35], %add3A_34 {strides = array<i32>} : memref<10000x1xf32, #tpu.memory_space<vmem>>, vector<10000x1xf32>,
    return
  }
}

</mosaic_0001>

<sc_bundles>
// kernel: kernel.12.cloned.1.call-start
scs
__scs_entry_jumppad:
0x0: {  	(pc) =	sbr.rel $0x88, $3  }
0x1: {  	(tag) =	ssettag $0x0;
	lr =	simm.s32 $0x1  }
0x2: {  	[smem:$0x3F99] =	sst lr;
	_ =	strace $0xD0000000  }
0x3: {  	_ = 	snop  }
0x4: {  	_ = 	snop  }
0x5: {  	_ = 	snop  }
0x6: {  	_ = 	snop  }
0x7: {  	_ = 	snop  }
__scs_overlays_trampoline_lowered:
0x8: {  	[smem:$0x3FA8] =	sst s0  }
0x9: {  	[smem:$0x3FA9] =	sst s1  }
0xa: {  	[smem:$0x3FAA] =	sst s2  }
0xb: {  	[smem:$0x3FAB] =	sst s3  }
0xc: {  	[smem:$0x3FAC] =	sst s4  }
0xd: {  	[smem:$0x3FAD] =	sst s5  }
0xe: {  	[smem:$0x3FAE] =	sst s6  }
0xf: {  	[smem:$0x3FAF] =	sst s7  }
0x10: {  	[smem:$0x3FB0] =	sst s8  }
0x11: {  	[smem:$0x3FB1] =	sst s9;
	s0 =	simm.s32 @!p0 $0x0  }
0x12: {  	s1 =	sld [smem:$0x3F97];
	s0 =	simm.s32 @p0 $0x1  }
0x13: {  	[smem:$0x3FB2] =	sst s0;
	s0 =	simm.s32 @!p1 $0x0  }
0x14: {  	s2 =	sld [smem:$0x3F96];
	s0 =	simm.s32 @p1 $0x1  }
0x15: {  	[smem:$0x3FB3] =	sst s0;
	s0 =	simm.s32 @!p2 $0x0  }
0x16: {  	s3 =	sld [smem:$0x3FDB];
	s0 =	simm.s32 @p2 $0x1  }
0x17: {  	s4 =	simm.s32 $0x1BF5;
	[smem:$0x3FB5] =	sst s0  }
0x18: {  	s0 =	sld [smem:$0x3F98];
	_ =	swait.ge [sflag:s4], $0x0  }
0x19: {  	s7 =	sld [smem:$0x3F99]  }
0x1a: {  	s8 =	sadd.s32 $0xFFFFE003, lr  }
0x1b: {  	s9 =	sadd.s32 $0xFFFFFEF7, lr;
	s5 =	simm.s32 $0xFFFFFFFF;
	p2 =	slt.u32 s8, $0xFFFFF086  }
0x1c: {  	p1 =	slt.u32 s9, $0xF7A;
	s5 =	simm.s32 @!p2 $0x0  }
0x1d: {  	s5 =	simm.s32 @p1 $0x1;
	p0 =	seq.s32 s7, s2  }
0x1e: {  	s7 =	smul.u32 @!p0 $0xF7A, s2;
	p2 =	seq.s32 @!p0 s5, $0x0  }
0x1f: {  	s9 =	smul.u32 $0xF7A, s1;
	s8 =	simm.s32 @!p0 $0x1BF5;
	p2 =	por !p2, p0  }
0x20: {  	[sflag:s8] =	ssyncset.s32 @!p0 $0xFFFFF086;
	s6 =	sadd.s32 @!p0 s3, s7;
	s7 =	simm.s32 @!p0 $0x108  }
0x21: {  	s3 =	sadd.s32 s3, s9;
	s6 =	sadd.s32 @!p0 $0x88, s6;
	s7 =	simm.s32 @p2 $0x1082  }
0x22: {  	[simem:s7], [sflag:s8] =	dma.local @!p0 [hbm:s6], $0xF7A  }
0x23: {  	s9 =	sor.u32 $0xD0000000, s2;
	s6 =	simm.s32 $0x108;
	_ =	swait.ge @!p0 [sflag:s8], $0x0  }
0x24: {  	s3 =	sadd.s32 $0x88, s3;
	s6 =	simm.s32 @!p1 $0x1082;
	[sflag:s4] =	ssyncset.s32 $0xFFFFF086  }
0x25: {  	[simem:s6], [sflag:s4] =	dma.local [hbm:s3], $0xF7A  }
0x26: {  	[smem:$0x3F99] =	sst s1;
	(tag) =	ssettag s2;
	_ =	strace s9  }
0x27: {  	s1 =	sld [smem:$0x3FA9]  }
0x28: {  	s2 =	sld [smem:$0x3FAA]  }
0x29: {  	s4 =	sld [smem:$0x3FAC]  }
0x2a: {  	p0 =	seq.s32 s5, $0x0;
	s5 =	sld [smem:$0x3FAD]  }
0x2b: {  	s6 =	sld [smem:$0x3FAE]  }
0x2c: {  	s7 =	sld [smem:$0x3FAF]  }
0x2d: {  	s3 =	simm.s32 $0x108;
	s8 =	sld [smem:$0x3FB0]  }
0x2e: {  	s3 =	simm.s32 @!p0 $0x1082;
	s9 =	sld [smem:$0x3FB1]  }
0x2f: {  	lr =	sadd.s32 s0, s3;
	s0 =	sld [smem:$0x3FA8]  }
0x30: {  	s3 =	sld [smem:$0x3FAB]  }
0x31: {  	[smem:$0x3FB4] =	sst s10  }
0x32: {  	s10 =	sld [smem:$0x3FB2];
	_ =	sdelay $0x3  }
0x33: {  	p0 =	seq.s32 s10, $0x1;
	s10 =	sld [smem:$0x3FB4];
	_ =	sdelay $0x3  }
0x34: {  	[smem:$0x3FB4] =	sst s10  }
0x35: {  	s10 =	sld [smem:$0x3FB3];
	_ =	sdelay $0x3  }
0x36: {  	p1 =	seq.s32 s10, $0x1;
	s10 =	sld [smem:$0x3FB4];
	_ =	sdelay $0x3  }
0x37: {  	[smem:$0x3FB4] =	sst s10  }
0x38: {  	s10 =	sld [smem:$0x3FB5]  }
0x39: {  	_ = 	snop;
	(pc) =	sbr.ind lr, $3  }
0x3a: {  	_ = 	snop  }
0x3b: {  	_ = 	snop  }
0x3c: {  	p2 =	seq.s32 s10, $0x1;
	s10 =	sld [smem:$0x3FB4]  }
0x3d: {  	_ =	shalt  }
0x3e: {  	_ =	shalt  }
0x3f: {  	_ =	shalt  }
0x40: {  	_ =	shalt  }
0x41: {  	_ =	shalt  }
0x42: {  	_ =	shalt  }
0x43: {  	_ =	shalt  }
0x44: {  	_ =	shalt  }
0x45: {  	_ =	shalt  }
0x46: {  	_ =	shalt  }
0x47: {  	_ =	shalt  }
0x48: {  	_ =	shalt  }
0x49: {  	_ =	shalt  }
0x4a: {  	_ =	shalt  }
0x4b: {  	_ =	shalt  }
0x4c: {  	_ =	shalt  }
0x4d: {  	_ =	shalt  }
0x4e: {  	_ =	shalt  }
0x4f: {  	_ =	shalt  }
0x50: {  	_ =	shalt  }
0x51: {  	_ =	shalt  }
0x52: {  	_ =	shalt  }
0x53: {  	_ =	shalt  }
0x54: {  	_ =	shalt  }
0x55: {  	_ =	shalt  }
0x56: {  	_ =	shalt  }
0x57: {  	_ =	shalt  }
0x58: {  	_ =	shalt  }
0x59: {  	_ =	shalt  }
0x5a: {  	_ =	shalt  }
0x5b: {  	_ =	shalt  }
0x5c: {  	_ =	shalt  }
0x5d: {  	_ =	shalt  }
0x5e: {  	_ =	shalt  }
0x5f: {  	_ =	shalt  }
0x60: {  	_ =	shalt  }
0x61: {  	_ =	shalt  }
0x62: {  	_ =	shalt  }
0x63: {  	_ =	shalt  }
0x64: {  	_ =	shalt  }
0x65: {  	_ =	shalt  }
0x66: {  	_ =	shalt  }
0x67: {  	_ =	shalt  }
0x68: {  	_ =	shalt  }
0x69: {  	_ =	shalt  }
0x6a: {  	_ =	shalt  }
0x6b: {  	_ =	shalt  }
0x6c: {  	_ =	shalt  }
0x6d: {  	_ =	shalt  }
0x6e: {  	_ =	shalt  }
0x6f: {  	_ =	shalt  }
0x70: {  	_ =	shalt  }
0x71: {  	_ =	shalt  }
0x72: {  	_ =	shalt  }
0x73: {  	_ =	shalt  }
0x74: {  	_ =	shalt  }
0x75: {  	_ =	shalt  }
0x76: {  	_ =	shalt  }
0x77: {  	_ =	shalt  }
0x78: {  	_ =	shalt  }
0x79: {  	_ =	shalt  }
0x7a: {  	_ =	shalt  }
0x7b: {  	_ =	shalt  }
0x7c: {  	_ =	shalt  }
0x7d: {  	_ =	shalt  }
0x7e: {  	_ =	shalt  }
0x7f: {  	_ =	shalt  }
0x80: {  	_ =	shalt  }
0x81: {  	_ =	shalt  }
0x82: {  	_ =	shalt  }
0x83: {  	_ =	shalt  }
0x84: {  	_ =	shalt  }
0x85: {  	_ =	shalt  }
0x86: {  	_ =	shalt  }
0x87: {  	_ =	shalt  }
.Lfunc_end0:
.L_simem_size_0:
called_computation.1_lowered:
.L_overlay_start_0:
0x88: {  	s2 =	sld [smem:$0x3FD9]  }
0x89: {  	s3 =	sld [smem:$0x3FFE];
	_ =	sdelay $0x1  }
0x8a: {  	s1 =	srdreg.scid  }
0x8b: {  	s0 =	sand.u32 $0x1, s1  }
0x8c: {  	s16 =	sshll.u32 s0, $0xA;
	s2 =	sadd.s32 s3, s2  }
0x8d: {  	s2 =	sadd.s32 s2, s16  }
0x8e: {  	[smem:$0x3FC0] =	sst s2  }
0x8f: {  	_ = 	snop  }
0x90: {  	(tm) =	ssettm $0x1  }
0x91: {  	s17 =	sld [smem:$0x3FFB];
	_ =	sdelay $0x3  }
0x92: {  	_ =	strace s17  }
0x93: {  	s2 =	sld [smem:$0x3FFC];
	_ =	sdelay $0x3  }
0x94: {  	_ =	strace s2  }
0x95: {  	s2 =	sld [smem:$0x3FFD];
	_ =	sdelay $0x3  }
0x96: {  	_ =	strace s2  }
0x97: {  	_ =	strace $0x8FFFFFFF  }
0x98: {  	s18 =	sld [smem:$0x3FDB];
	_ =	sdelay $0x1  }
0x99: {  	s19 =	simm.s32 $_scs_section_size  }
0x9a: {  	s4 =	simm.s32 $_size__tile_overlayer_lowered;
	s5 =	simm.s32 $_tile_overlayer_lowered  }
0x9b: {  	s22 =	simm.s32 $0x1BFF;
	s21 =	sshll.u32 s5, $0x1;
	s2 =	sadd.s32 s19, s18  }
0x9c: {  	s6 =	simm.s32 $0x0;
	s20 =	sshll.u32 s4, $0x1;
	s4 =	sadd.s32 s21, s2  }
0x9d: {  	[timem:s6], [sflag:s22] =	dma.local [hbm:s4], s20  }
0x9e: {  	_ =	swait.ge [sflag:s22], s20  }
0x9f: {  	s3 =	ssub.s32 $0x0, s20;
	[sflag:s22] =	ssyncset.done $0x0  }
0xa0: {  	[sflag:s22] =	ssyncadd.s32 s3;
	_ =	sdelay $0x1  }
0xa1: {  	s23 =	simm.s32 $0x1B8B  }
0xa2: {  	_ =	swait.ge [sflag:s23], $0x1  }
0xa3: {  	[sflag:s23] =	ssyncset.done $0x0  }
0xa4: {  	s25 =	simm.s32 $0x1B8E;
	s24 =	sld [smem:$0x3FFE];
	[sflag:s23] =	ssyncadd.s32 $0xFFFFFFFF  }
0xa5: {  	s26 =	simm.s32 $execute0_lowered;
	[smem:$0x3FD2] =	sst s25  }
0xa6: {  	s4 =	sshll.u32 s26, $0x1;
	_ =	strace $0x80000049;
	[dreg:$0x1] =	wrdreg $0xFFFFFFFF  }
0xa7: {  	s28 =	simm.s32 $_size_execute0_lowered;
	s2 =	sadd.s32 s2, s4;
	[dreg:$0x0] =	wrdreg $0x0  }
0xa8: {  	s4 =	sshll.u32 s28, $0x1;
	[dreg:$0x2] =	wrdreg s2  }
0xa9: {  	[dreg:$0x3] =	wrdreg s4  }
0xaa: {  	[dreg:$0x4] =	wrdreg $0xC0  }
0xab: {  	_ =	task [dreg:s6], $0x5FFFF  }
0xac: {  	[dreg:$0x1] =	wrdreg $0xFFFFFFFF  }
0xad: {  	[dreg:$0x0] =	wrdreg $0x60  }
0xae: {  	[dreg:$0x2] =	wrdreg s24  }
0xaf: {  	[dreg:$0x3] =	wrdreg $0xA8000  }
0xb0: {  	[dreg:$0x4] =	wrdreg $0x9  }
0xb1: {  	_ =	task.clear_ibuf [dreg:s6], $0x5FFFF;
	_ =	strace $0x90000049  }
0xb2: {  	s29 =	simm.s32 $0x9;
	_ =	strace $0x8000004B  }
0xb3: {  	_ =	swait.ge [sflag:s29], $0x1  }
0xb4: {  	[sflag:s29] =	ssyncadd.s32 $0xFFFFFFFF  }
0xb5: {  	_ =	strace $0x9000004B  }
0xb6: {  	_ =	sfence  }
0xb7: {  	s30 =	sld [smem:$0x0];
	_ =	sdelay $0x2  }
0xb8: {  	s31 =	sshll.u32 s1, $0xD;
	s1 =	sshrl.u32 s1, $0x2  }
0xb9: {  	s3 =	sand.u32 $0x4000, s31;
	s1 =	sadd.s32 s1, s30  }
0xba: {  	s0 =	sor.u32 s3, s0;
	s1 =	sshll.u32 s1, $0x11  }
0xbb: {  	s0 =	sor.u32 s1, s0  }
0xbc: {  	s0 =	sadd.s32 $0x8F2B, s0  }
0xbd: {  	[sflag:s0] =	ssyncadd.remote.s32 $0x1  }
0xbe: {  	_ =	sfence.sel $0xFFFF  }
0xbf: {  	[dreg:$0x0] =	wrdreg $0xFFFFFFFF;
	(pc) =	sbr.abs _section_cstart, $3  }
0xc0: {  	[dreg:$0x1] =	wrdreg $0xFFFFFFFF  }
0xc1: {  	_ =	task.clear_ibuf [dreg:s6], $0x2FFFF;
	_ =	strace $0x9FFFFFFF  }
0xc2: {  	(tm) =	ssettm $0x7FFFFFFF  }
0xc3: {  	_ =	shalt  }
tec
execute0_lowered:
.L_overlay_start_1:
0x0: {  	(tag) =	ssettag $0x1  }
0x1: {  	s0 =	rddreg [dreg:$0x0]  }
0x2: {  	s1 =	rddreg [dreg:$0x1]  }
0x3: {  	s2 =	simm.s32 $0x0;
	s3 =	srdreg.scid;
	s11 =	stileid.u32  }
0x4: {  	s28 =	simm.s32 $0x6800;
	s29 =	simm.s32 $0x3;
	s30 =	simm.s32 $0x2  }
0x5: {  	s31 =	simm.s32 $0x1400;
	[smem:$0x7FF] =	sst s2;
	s4 =	sadd.s32 $0xC800, s0  }
0x6: {  	s5 =	sadd.s32 $0x5D800, s0;
	s3 =	sand.u32 $0x1, s3;
	s8 =	smul.u32 $0x280, s11  }
0x7: {  	s6 =	sadd.s32 $0x2800, s0;
	s10 =	sshll.u32 s11, $0x1;
	s17 =	smul.u32 $0x14000, s11  }
0x8: {  	s0 =	sadd.s32 $0x67800, s0;
	s11 =	smul.u32 $0x50000, s11;
	_ =	strace $0x8000004A  }
0x9: {  	s7 =	ssub.s32 $0x2, s3;
	s10 =	sor.u32 s3, s10;
	s3 =	smul.u32 $0x140000, s3  }
0xa: {  	s9 =	sshrl.u32 s7, $0x1;
	s18 =	sshrl.u32 s17, $0x3;
	s19 =	sadd.s32 $0x80, s8  }
0xb: {  	s21 =	sshrl.u32 s11, $0x2;
	s22 =	sadd.s32 $0x100, s8;
	s23 =	sadd.s32 $0x180, s8  }
0xc: {  	s12 =	smul.u32 $0x2800, s10;
	s8 =	sadd.s32 $0x200, s8;
	s24 =	ssub.s32 s7, s9  }
0xd: {  	s7 =	sadd.s32 s4, s18;
	s18 =	sshll.u32 s19, $0x7;
	s20 =	sshll.u32 s19, $0x4  }
0xe: {  	s19 =	sshll.u32 s22, $0x7;
	s9 =	sshll.u32 s22, $0x4;
	s11 =	sshll.u32 s23, $0x4  }
0xf: {  	s13 =	sadd.s32 s17, s3;
	[dreg:$0x3] =	wrdreg s7;
	s7 =	sadd.s32 s4, s20  }
0x10: {  	s9 =	sadd.s32 s4, s9;
	s20 =	sshll.u32 s23, $0x7;
	s25 =	sadd.s32 s4, s11  }
0x11: {  	s11 =	sadd.s32 s19, s1;
	s14 =	sshrl.u32 s12, $0x3;
	s22 =	sadd.s32 s3, s18  }
0x12: {  	s23 =	sadd.s32 s3, s19;
	s24 =	smax.u32 s24, $0x1;
	[dreg:$0x4] =	wrdreg s7  }
0x13: {  	s7 =	sadd.s32 s21, s1;
	[dreg:$0x5] =	wrdreg s9;
	s9 =	sadd.s32 s18, s1  }
0x14: {  	[dreg:$0x6] =	wrdreg s25;
	s21 =	sshll.u32 s8, $0x7;
	s8 =	sshll.u32 s8, $0x4  }
0x15: {  	s26 =	sadd.s32 $0x280, s14;
	s12 =	sadd.s32 s5, s14;
	s14 =	sadd.s32 s6, s14  }
0x16: {  	s17 =	sadd.s32 s20, s1;
	s25 =	sshrl.u32 s23, $0x3;
	s8 =	sadd.s32 s4, s8  }
0x17: {  	[dreg:$0x8] =	wrdreg s12;
	s15 =	sadd.s32 s5, s26;
	s16 =	sadd.s32 s6, s26  }
0x18: {  	s5 =	sshrl.u32 s13, $0x3;
	s6 =	sshrl.u32 s22, $0x3;
	s22 =	sadd.s32 s3, s20  }
0x19: {  	s3 =	sadd.s32 s3, s21;
	s18 =	sadd.s32 s21, s1;
	s21 =	sadd.s32 s0, s25  }
0x1a: {  	s25 =	simm.s32 $0x2800;
	[dreg:$0x7] =	wrdreg s8;
	s19 =	sadd.s32 s0, s5  }
0x1b: {  	s20 =	sadd.s32 s0, s6;
	s26 =	sshrl.u32 s22, $0x3;
	s3 =	sshrl.u32 s3, $0x3  }
0x1c: {  	s5 =	simm.s32 $0x0;
	s22 =	sadd.s32 s0, s26;
	s23 =	sadd.s32 s0, s3  }
0x1d: {  	s26 =	simm.s32 $0x1;
	s0 =	simm.s32 $0x80;
	s3 =	simm.s32 $0x2700  }
.LBB2_1:
0x1e: {  	s6 =	rddreg [dreg:$0x3]  }
0x1f: {  	[tilespmem:s25], [sflag:$0x1] =	stream.linear.gather [hbm4b:s6+s2], $0x4000, $0x38;
	[tilespmem:$0x1E800] =	vst v63  }
0x20: {  	_ =	swait.ge [sflag:s26], $0x4000  }
0x21: {  	[sflag:s26] =	ssyncset.done $0x0  }
0x22: {  	s13 =	rddreg [dreg:$0x4];
	[sflag:s26] =	ssyncadd.s32 $0xFFFFC000  }
0x23: {  	[tilespmem:s28], [sflag:$0x2] =	stream.linear.gather [hbm4b:s13+s2], $0x4000, $0x38;
	[tilespmem:$0x1E800] =	vst v63  }
0x24: {  	_ = 	snop  }
0x25: {  	[spmem:s7] =	stream.linear.scatter [tilespmem:s25], [sflag:$0x3], $0x4000, $0x38;
	[tilespmem:$0x1E800] =	vst v63  }
0x26: {  	_ =	swait.ge [sflag:s29], $0x4000  }
0x27: {  	[sflag:s29] =	ssyncset.done $0x0  }
0x28: {  	[sflag:s29] =	ssyncadd.s32 $0xFFFFC000  }
0x29: {  	_ =	swait.ge [sflag:s30], $0x4000  }
0x2a: {  	[sflag:s30] =	ssyncset.done $0x0  }
0x2b: {  	s8 =	rddreg [dreg:$0x5];
	[sflag:s30] =	ssyncadd.s32 $0xFFFFC000  }
0x2c: {  	[tilespmem:s25], [sflag:$0x1] =	stream.linear.gather [hbm4b:s8+s2], $0x4000, $0x38;
	[tilespmem:$0x1E800] =	vst v63  }
0x2d: {  	_ = 	snop  }
0x2e: {  	[spmem:s9] =	stream.linear.scatter [tilespmem:s28], [sflag:$0x3], $0x4000, $0x38;
	[tilespmem:$0x1E800] =	vst v63  }
0x2f: {  	_ =	swait.ge [sflag:s29], $0x4000  }
0x30: {  	[sflag:s29] =	ssyncset.done $0x0  }
0x31: {  	[sflag:s29] =	ssyncadd.s32 $0xFFFFC000  }
0x32: {  	_ =	swait.ge [sflag:s26], $0x4000  }
0x33: {  	[sflag:s26] =	ssyncset.done $0x0  }
0x34: {  	s10 =	rddreg [dreg:$0x6];
	[sflag:s26] =	ssyncadd.s32 $0xFFFFC000  }
0x35: {  	[tilespmem:s28], [sflag:$0x2] =	stream.linear.gather [hbm4b:s10+s2], $0x4000, $0x38;
	[tilespmem:$0x1E800] =	vst v63  }
0x36: {  	_ = 	snop  }
0x37: {  	[spmem:s11] =	stream.linear.scatter [tilespmem:s25], [sflag:$0x3], $0x4000, $0x38;
	[tilespmem:$0x1E800] =	vst v63  }
0x38: {  	_ =	swait.ge [sflag:s29], $0x4000  }
0x39: {  	[sflag:s29] =	ssyncset.done $0x0  }
0x3a: {  	[sflag:s29] =	ssyncadd.s32 $0xFFFFC000  }
0x3b: {  	_ =	swait.ge [sflag:s30], $0x4000  }
0x3c: {  	[sflag:s30] =	ssyncset.done $0x0  }
0x3d: {  	s12 =	rddreg [dreg:$0x7];
	[sflag:s30] =	ssyncadd.s32 $0xFFFFC000  }
0x3e: {  	[tilespmem:s25], [sflag:$0x1] =	stream.linear.gather [hbm4b:s12+s2], $0x4000, $0x38;
	[tilespmem:$0x1E800] =	vst v63  }
0x3f: {  	_ = 	snop  }
0x40: {  	[spmem:s17] =	stream.linear.scatter [tilespmem:s28], [sflag:$0x3], $0x4000, $0x38;
	[tilespmem:$0x1E800] =	vst v63  }
0x41: {  	_ =	swait.ge [sflag:s29], $0x4000  }
0x42: {  	[sflag:s29] =	ssyncset.done $0x0  }
0x43: {  	[sflag:s29] =	ssyncadd.s32 $0xFFFFC000  }
0x44: {  	_ =	swait.ge [sflag:s26], $0x4000  }
0x45: {  	[sflag:s26] =	ssyncset.done $0x0  }
0x46: {  	[sflag:s26] =	ssyncadd.s32 $0xFFFFC000  }
0x47: {  	[spmem:s18] =	stream.linear.scatter [tilespmem:s25], [sflag:$0x3], $0x4000, $0x38;
	[tilespmem:$0x1E800] =	vst v63  }
0x48: {  	_ =	swait.ge [sflag:s29], $0x4000  }
0x49: {  	[sflag:s29] =	ssyncset.done $0x0  }
0x4a: {  	[sflag:s29] =	ssyncadd.s32 $0xFFFFC000  }
0x4b: {  	[bflag:$0x0] =	sbarrier.arrive $0xFFFF  }
0x4c: {  	s13 =	rddreg [dreg:$0x8]  }
0x4d: {  	[tilespmem:s2], [sflag:$0x3] =	stream.linear.gather [hbm4b:s13+s2], $0x1400, $0x38;
	[tilespmem:$0x1E800] =	vst v63  }
0x4e: {  	_ =	swait.ge [sflag:s29], $0x1400  }
0x4f: {  	[sflag:s29] =	ssyncset.done $0x0  }
0x50: {  	[sflag:s29] =	ssyncadd.s32 $0xFFFFEC00  }
0x51: {  	[tilespmem:s31], [sflag:$0x3] =	stream.linear.gather [hbm4b:s14+s2], $0x1400, $0x38;
	[tilespmem:$0x1E800] =	vst v63  }
0x52: {  	_ =	swait.ge [sflag:s29], $0x1400  }
0x53: {  	[sflag:s29] =	ssyncset.done $0x0  }
0x54: {  	[sflag:s29] =	ssyncadd.s32 $0xFFFFEC00  }
0x55: {  	[tilespmem:s25], [sflag:$0x1] =	stream.indirect.gather [hbm4b:s4+s0], $0x80, s2, s0, $0xb8;
	[tilespmem:$0x1E800] =	vst v63  }
0x56: {  	s8 =	simm.s32 $0x80  }
0x57: {  	[tilespmem:s28], [sflag:$0x2] =	stream.indirect.gather [hbm4b:s4+s0], $0x80, s8, s0, $0xb8;
	[tilespmem:$0x1E800] =	vst v63  }
0x58: {  	_ =	swait.ge [sflag:s26], $0x4000  }
0x59: {  	[sflag:s26] =	ssyncset.done $0x0  }
0x5a: {  	s10 =	simm.s32 $0x1400;
	[sflag:s26] =	ssyncadd.s32 $0xFFFFC000  }
0x5b: {  	[spmem:s1] =	stream.indirect.scatter.add.f32 [tilespmem:s25], [sflag:$0x3], $0x80, s10, s0, $0xb8;
	[tilespmem:$0x1E800] =	vst v63  }
0x5c: {  	_ =	swait.ge [sflag:s29], $0x4000  }
0x5d: {  	[sflag:s29] =	ssyncset.done $0x0  }
0x5e: {  	s12 =	simm.s32 $0x100;
	[sflag:s29] =	ssyncadd.s32 $0xFFFFC000  }
0x5f: {  	[tilespmem:s25], [sflag:$0x1] =	stream.indirect.gather [hbm4b:s4+s0], $0x80, s12, s0, $0xb8;
	[tilespmem:$0x1E800] =	vst v63  }
0x60: {  	_ =	swait.ge [sflag:s30], $0x4000  }
0x61: {  	[sflag:s30] =	ssyncset.done $0x0  }
0x62: {  	s13 =	simm.s32 $0x1480;
	[sflag:s30] =	ssyncadd.s32 $0xFFFFC000  }
0x63: {  	[spmem:s1] =	stream.indirect.scatter.add.f32 [tilespmem:s28], [sflag:$0x3], $0x80, s13, s0, $0xb8;
	[tilespmem:$0x1E800] =	vst v63  }
0x64: {  	_ =	swait.ge [sflag:s29], $0x4000  }
0x65: {  	s6 =	simm.s32 $0x100;
	s8 =	simm.s32 $0x800;
	[sflag:s29] =	ssyncset.done $0x0  }
.LBB2_2:
0x66: {  	s10 =	sadd.s32 $0x80, s6  }
0x67: {  	[sflag:s29] =	ssyncadd.s32 $0xFFFFC000;
	s12 =	smov.u32 s8;
	s13 =	sadd.s32 $0x400, s8  }
0x68: {  	[tilespmem:s28], [sflag:$0x2] =	stream.indirect.gather [hbm4b:s4+s0], $0x80, s10, s0, $0xb8;
	[tilespmem:$0x1E800] =	vst v63  }
0x69: {  	p0 =	sne.s32 s8, $0x4800;
	_ =	swait.ge [sflag:s26], $0x4000  }
0x6a: {  	[sflag:s26] =	ssyncset.done $0x0  }
0x6b: {  	s8 =	sadd.s32 $0x1400, s6;
	[sflag:s26] =	ssyncadd.s32 $0xFFFFC000  }
0x6c: {  	[spmem:s1] =	stream.indirect.scatter.add.f32 [tilespmem:s25], [sflag:$0x3], $0x80, s8, s0, $0xb8;
	[tilespmem:$0x1E800] =	vst v63  }
0x6d: {  	_ =	swait.ge [sflag:s29], $0x4000  }
0x6e: {  	[sflag:s29] =	ssyncset.done $0x0  }
0x6f: {  	s8 =	sadd.s32 $0x100, s6;
	[sflag:s29] =	ssyncadd.s32 $0xFFFFC000  }
0x70: {  	[tilespmem:s25], [sflag:$0x1] =	stream.indirect.gather [hbm4b:s4+s0], $0x80, s8, s0, $0xb8;
	[tilespmem:$0x1E800] =	vst v63  }
0x71: {  	_ =	swait.ge [sflag:s30], $0x4000  }
.Ltmp0:
0x72: {  	[sflag:s30] =	ssyncset.done $0x0;
	(pc) =	sbr.rel @p0 .LBB2_2-.Ltmp0, $4  }
0x73: {  	s6 =	sadd.s32 $0x1480, s6;
	[sflag:s30] =	ssyncadd.s32 $0xFFFFC000  }
0x74: {  	[spmem:s1] =	stream.indirect.scatter.add.f32 [tilespmem:s28], [sflag:$0x3], $0x80, s6, s0, $0xb8;
	[tilespmem:$0x1E800] =	vst v63  }
0x75: {  	_ =	swait.ge [sflag:s29], $0x4000  }
0x76: {  	s8 =	smov.u32 s13;
	s6 =	sshra.s32 s12, $0x2;
	[sflag:s29] =	ssyncset.done $0x0  }
0x77: {  	s8 =	sadd.s32 $0x80, s6;
	[sflag:s29] =	ssyncadd.s32 $0xFFFFC000  }
0x78: {  	[tilespmem:s28], [sflag:$0x2] =	stream.indirect.gather [hbm4b:s4+s0], $0x80, s8, s0, $0xb8;
	[tilespmem:$0x1E800] =	vst v63  }
0x79: {  	_ =	swait.ge [sflag:s26], $0x4000  }
0x7a: {  	[sflag:s26] =	ssyncset.done $0x0  }
0x7b: {  	s12 =	sadd.s32 $0x1400, s6;
	[sflag:s26] =	ssyncadd.s32 $0xFFFFC000  }
0x7c: {  	[spmem:s1] =	stream.indirect.scatter.add.f32 [tilespmem:s25], [sflag:$0x3], $0x80, s12, s0, $0xb8;
	[tilespmem:$0x1E800] =	vst v63  }
0x7d: {  	_ =	swait.ge [sflag:s29], $0x4000  }
0x7e: {  	[sflag:s29] =	ssyncset.done $0x0  }
0x7f: {  	s13 =	sadd.s32 $0x100, s6;
	[sflag:s29] =	ssyncadd.s32 $0xFFFFC000  }
0x80: {  	[tilespmem:s25], [sflag:$0x1] =	stream.indirect.gather [hbm4b:s4+s0], $0x80, s13, s0, $0xb8;
	[tilespmem:$0x1E800] =	vst v63  }
0x81: {  	_ =	swait.ge [sflag:s30], $0x4000  }
0x82: {  	[sflag:s30] =	ssyncset.done $0x0  }
0x83: {  	s8 =	sadd.s32 $0x1480, s6;
	[sflag:s30] =	ssyncadd.s32 $0xFFFFC000  }
0x84: {  	[spmem:s1] =	stream.indirect.scatter.add.f32 [tilespmem:s28], [sflag:$0x3], $0x80, s8, s0, $0xb8;
	[tilespmem:$0x1E800] =	vst v63  }
0x85: {  	_ =	swait.ge [sflag:s29], $0x4000  }
0x86: {  	[sflag:s29] =	ssyncset.done $0x0  }
0x87: {  	s10 =	simm.s32 $0x1380;
	[sflag:s29] =	ssyncadd.s32 $0xFFFFC000  }
0x88: {  	[tilespmem:s28], [sflag:$0x2] =	stream.indirect.gather [hbm4b:s4+s0], $0x80, s10, s0, $0xb8;
	[tilespmem:$0x1E800] =	vst v63  }
0x89: {  	_ =	swait.ge [sflag:s26], $0x4000  }
0x8a: {  	[sflag:s26] =	ssyncset.done $0x0  }
0x8b: {  	[sflag:s26] =	ssyncadd.s32 $0xFFFFC000  }
0x8c: {  	[spmem:s1] =	stream.indirect.scatter.add.f32 [tilespmem:s25], [sflag:$0x3], $0x80, s3, s0, $0xb8;
	[tilespmem:$0x1E800] =	vst v63  }
0x8d: {  	_ =	swait.ge [sflag:s29], $0x4000  }
0x8e: {  	[sflag:s29] =	ssyncset.done $0x0  }
0x8f: {  	[sflag:s29] =	ssyncadd.s32 $0xFFFFC000  }
0x90: {  	_ =	swait.ge [sflag:s30], $0x4000  }
0x91: {  	[sflag:s30] =	ssyncset.done $0x0  }
0x92: {  	s12 =	simm.s32 $0x2780;
	[sflag:s30] =	ssyncadd.s32 $0xFFFFC000  }
0x93: {  	[spmem:s1] =	stream.indirect.scatter.add.f32 [tilespmem:s28], [sflag:$0x3], $0x80, s12, s0, $0xb8;
	[tilespmem:$0x1E800] =	vst v63  }
0x94: {  	_ =	swait.ge [sflag:s29], $0x4000  }
0x95: {  	[sflag:s29] =	ssyncset.done $0x0  }
0x96: {  	s13 =	simm.s32 $0x0;
	[sflag:s29] =	ssyncadd.s32 $0xFFFFC000  }
0x97: {  	[tilespmem:s13], [sflag:$0x3] =	stream.linear.gather [hbm4b:s15+s13], $0x1380, $0x38;
	[tilespmem:$0x1E800] =	vst v63  }
0x98: {  	_ =	swait.ge [sflag:s29], $0x1380  }
0x99: {  	[sflag:s29] =	ssyncset.done $0x0  }
0x9a: {  	[sflag:s29] =	ssyncadd.s32 $0xFFFFEC80  }
0x9b: {  	[tilespmem:s31], [sflag:$0x3] =	stream.linear.gather [hbm4b:s16+s13], $0x1380, $0x38;
	[tilespmem:$0x1E800] =	vst v63  }
0x9c: {  	_ =	swait.ge [sflag:s29], $0x1380  }
0x9d: {  	[sflag:s29] =	ssyncset.done $0x0  }
0x9e: {  	[sflag:s29] =	ssyncadd.s32 $0xFFFFEC80  }
0x9f: {  	[tilespmem:s25], [sflag:$0x1] =	stream.indirect.gather [hbm4b:s4+s0], $0x80, s13, s0, $0xb8;
	[tilespmem:$0x1E800] =	vst v63  }
0xa0: {  	s8 =	simm.s32 $0x80  }
0xa1: {  	[tilespmem:s28], [sflag:$0x2] =	stream.indirect.gather [hbm4b:s4+s0], $0x80, s8, s0, $0xb8;
	[tilespmem:$0x1E800] =	vst v63  }
0xa2: {  	_ =	swait.ge [sflag:s26], $0x4000  }
0xa3: {  	[sflag:s26] =	ssyncset.done $0x0  }
0xa4: {  	s10 =	simm.s32 $0x1400;
	[sflag:s26] =	ssyncadd.s32 $0xFFFFC000  }
0xa5: {  	[spmem:s1] =	stream.indirect.scatter.add.f32 [tilespmem:s25], [sflag:$0x3], $0x80, s10, s0, $0xb8;
	[tilespmem:$0x1E800] =	vst v63  }
0xa6: {  	_ =	swait.ge [sflag:s29], $0x4000  }
0xa7: {  	[sflag:s29] =	ssyncset.done $0x0  }
0xa8: {  	s12 =	simm.s32 $0x100;
	[sflag:s29] =	ssyncadd.s32 $0xFFFFC000  }
0xa9: {  	[tilespmem:s25], [sflag:$0x1] =	stream.indirect.gather [hbm4b:s4+s0], $0x80, s12, s0, $0xb8;
	[tilespmem:$0x1E800] =	vst v63  }
0xaa: {  	_ =	swait.ge [sflag:s30], $0x4000  }
0xab: {  	[sflag:s30] =	ssyncset.done $0x0  }
0xac: {  	s13 =	simm.s32 $0x1480;
	[sflag:s30] =	ssyncadd.s32 $0xFFFFC000  }
0xad: {  	[spmem:s1] =	stream.indirect.scatter.add.f32 [tilespmem:s28], [sflag:$0x3], $0x80, s13, s0, $0xb8;
	[tilespmem:$0x1E800] =	vst v63  }
0xae: {  	_ =	swait.ge [sflag:s29], $0x4000  }
0xaf: {  	s6 =	simm.s32 $0x100;
	s8 =	simm.s32 $0x800;
	[sflag:s29] =	ssyncset.done $0x0  }
.LBB2_4:
0xb0: {  	s10 =	sadd.s32 $0x80, s6  }
0xb1: {  	[sflag:s29] =	ssyncadd.s32 $0xFFFFC000;
	s12 =	smov.u32 s8;
	s13 =	sadd.s32 $0x400, s8  }
0xb2: {  	[tilespmem:s28], [sflag:$0x2] =	stream.indirect.gather [hbm4b:s4+s0], $0x80, s10, s0, $0xb8;
	[tilespmem:$0x1E800] =	vst v63  }
0xb3: {  	p0 =	sne.s32 s8, $0x4800;
	_ =	swait.ge [sflag:s26], $0x4000  }
0xb4: {  	[sflag:s26] =	ssyncset.done $0x0  }
0xb5: {  	s8 =	sadd.s32 $0x1400, s6;
	[sflag:s26] =	ssyncadd.s32 $0xFFFFC000  }
0xb6: {  	[spmem:s1] =	stream.indirect.scatter.add.f32 [tilespmem:s25], [sflag:$0x3], $0x80, s8, s0, $0xb8;
	[tilespmem:$0x1E800] =	vst v63  }
0xb7: {  	_ =	swait.ge [sflag:s29], $0x4000  }
0xb8: {  	[sflag:s29] =	ssyncset.done $0x0  }
0xb9: {  	s8 =	sadd.s32 $0x100, s6;
	[sflag:s29] =	ssyncadd.s32 $0xFFFFC000  }
0xba: {  	[tilespmem:s25], [sflag:$0x1] =	stream.indirect.gather [hbm4b:s4+s0], $0x80, s8, s0, $0xb8;
	[tilespmem:$0x1E800] =	vst v63  }
0xbb: {  	_ =	swait.ge [sflag:s30], $0x4000  }
.Ltmp1:
0xbc: {  	[sflag:s30] =	ssyncset.done $0x0;
	(pc) =	sbr.rel @p0 .LBB2_4-.Ltmp1, $4  }
0xbd: {  	s6 =	sadd.s32 $0x1480, s6;
	[sflag:s30] =	ssyncadd.s32 $0xFFFFC000  }
0xbe: {  	[spmem:s1] =	stream.indirect.scatter.add.f32 [tilespmem:s28], [sflag:$0x3], $0x80, s6, s0, $0xb8;
	[tilespmem:$0x1E800] =	vst v63  }
0xbf: {  	_ =	swait.ge [sflag:s29], $0x4000  }
0xc0: {  	s8 =	smov.u32 s13;
	s6 =	sshra.s32 s12, $0x2;
	[sflag:s29] =	ssyncset.done $0x0  }
0xc1: {  	s8 =	sadd.s32 $0x80, s6;
	[sflag:s29] =	ssyncadd.s32 $0xFFFFC000  }
0xc2: {  	[tilespmem:s28], [sflag:$0x2] =	stream.indirect.gather [hbm4b:s4+s0], $0x80, s8, s0, $0xb8;
	[tilespmem:$0x1E800] =	vst v63  }
0xc3: {  	_ =	swait.ge [sflag:s26], $0x4000  }
0xc4: {  	[sflag:s26] =	ssyncset.done $0x0  }
0xc5: {  	s10 =	sadd.s32 $0x1400, s6;
	[sflag:s26] =	ssyncadd.s32 $0xFFFFC000  }
0xc6: {  	[spmem:s1] =	stream.indirect.scatter.add.f32 [tilespmem:s25], [sflag:$0x3], $0x80, s10, s0, $0xb8;
	[tilespmem:$0x1E800] =	vst v63  }
0xc7: {  	_ =	swait.ge [sflag:s29], $0x4000  }
0xc8: {  	[sflag:s29] =	ssyncset.done $0x0  }
0xc9: {  	s12 =	sadd.s32 $0x100, s6;
	[sflag:s29] =	ssyncadd.s32 $0xFFFFC000  }
0xca: {  	[tilespmem:s25], [sflag:$0x1] =	stream.indirect.gather [hbm4b:s4+s0], $0x80, s12, s0, $0xb8;
	[tilespmem:$0x1E800] =	vst v63  }
0xcb: {  	_ =	swait.ge [sflag:s30], $0x4000  }
0xcc: {  	[sflag:s30] =	ssyncset.done $0x0  }
0xcd: {  	s13 =	sadd.s32 $0x1480, s6;
	[sflag:s30] =	ssyncadd.s32 $0xFFFFC000  }
0xce: {  	[spmem:s1] =	stream.indirect.scatter.add.f32 [tilespmem:s28], [sflag:$0x3], $0x80, s13, s0, $0xb8;
	[tilespmem:$0x1E800] =	vst v63  }
0xcf: {  	_ =	swait.ge [sflag:s29], $0x4000  }
0xd0: {  	[sflag:s29] =	ssyncset.done $0x0  }
0xd1: {  	[sflag:s29] =	ssyncadd.s32 $0xFFFFC000  }
0xd2: {  	_ =	swait.ge [sflag:s26], $0x4000  }
0xd3: {  	[sflag:s26] =	ssyncset.done $0x0  }
0xd4: {  	[sflag:s26] =	ssyncadd.s32 $0xFFFFC000  }
0xd5: {  	[spmem:s1] =	stream.indirect.scatter.add.f32 [tilespmem:s25], [sflag:$0x3], $0x80, s3, s0, $0xb8;
	[tilespmem:$0x1E800] =	vst v63  }
0xd6: {  	_ =	swait.ge [sflag:s29], $0x4000  }
0xd7: {  	[sflag:s29] =	ssyncset.done $0x0  }
0xd8: {  	[sflag:s29] =	ssyncadd.s32 $0xFFFFC000  }
0xd9: {  	[bflag:$0x0] =	sbarrier.arrive $0xFFFF  }
0xda: {  	[tilespmem:s25], [sflag:$0x1] =	stream.linear.gather [spmem:s7], $0x4000, $0x38;
	[tilespmem:$0x1E800] =	vst v63  }
0xdb: {  	_ =	swait.ge [sflag:s26], $0x4000  }
0xdc: {  	[sflag:s26] =	ssyncset.done $0x0  }
0xdd: {  	[sflag:s26] =	ssyncadd.s32 $0xFFFFC000  }
0xde: {  	[tilespmem:s28], [sflag:$0x2] =	stream.linear.gather [spmem:s9], $0x4000, $0x38;
	[tilespmem:$0x1E800] =	vst v63  }
0xdf: {  	_ = 	snop  }
0xe0: {  	[hbm4b:s19+s2] =	stream.linear.scatter [tilespmem:s25], [sflag:$0x3], $0x4000, $0x38;
	[tilespmem:$0x1E800] =	vst v63  }
0xe1: {  	_ =	swait.ge [sflag:s29], $0x4000  }
0xe2: {  	[sflag:s29] =	ssyncset.done $0x0  }
0xe3: {  	[sflag:s29] =	ssyncadd.s32 $0xFFFFC000  }
0xe4: {  	_ =	swait.ge [sflag:s30], $0x4000  }
0xe5: {  	[sflag:s30] =	ssyncset.done $0x0  }
0xe6: {  	[sflag:s30] =	ssyncadd.s32 $0xFFFFC000  }
0xe7: {  	[tilespmem:s25], [sflag:$0x1] =	stream.linear.gather [spmem:s11], $0x4000, $0x38;
	[tilespmem:$0x1E800] =	vst v63  }
0xe8: {  	_ = 	snop  }
0xe9: {  	[hbm4b:s20+s2] =	stream.linear.scatter [tilespmem:s28], [sflag:$0x3], $0x4000, $0x38;
	[tilespmem:$0x1E800] =	vst v63  }
0xea: {  	_ =	swait.ge [sflag:s29], $0x4000  }
0xeb: {  	[sflag:s29] =	ssyncset.done $0x0  }
0xec: {  	[sflag:s29] =	ssyncadd.s32 $0xFFFFC000  }
0xed: {  	_ =	swait.ge [sflag:s26], $0x4000  }
0xee: {  	[sflag:s26] =	ssyncset.done $0x0  }
0xef: {  	[sflag:s26] =	ssyncadd.s32 $0xFFFFC000  }
0xf0: {  	[tilespmem:s28], [sflag:$0x2] =	stream.linear.gather [spmem:s17], $0x4000, $0x38;
	[tilespmem:$0x1E800] =	vst v63  }
0xf1: {  	_ = 	snop  }
0xf2: {  	[hbm4b:s21+s2] =	stream.linear.scatter [tilespmem:s25], [sflag:$0x3], $0x4000, $0x38;
	[tilespmem:$0x1E800] =	vst v63  }
0xf3: {  	_ =	swait.ge [sflag:s29], $0x4000  }
0xf4: {  	[sflag:s29] =	ssyncset.done $0x0  }
0xf5: {  	[sflag:s29] =	ssyncadd.s32 $0xFFFFC000  }
0xf6: {  	_ =	swait.ge [sflag:s30], $0x4000  }
0xf7: {  	[sflag:s30] =	ssyncset.done $0x0  }
0xf8: {  	[sflag:s30] =	ssyncadd.s32 $0xFFFFC000  }
0xf9: {  	[tilespmem:s25], [sflag:$0x1] =	stream.linear.gather [spmem:s18], $0x4000, $0x38;
	[tilespmem:$0x1E800] =	vst v63  }
0xfa: {  	_ = 	snop  }
0xfb: {  	[hbm4b:s22+s2] =	stream.linear.scatter [tilespmem:s28], [sflag:$0x3], $0x4000, $0x38;
	[tilespmem:$0x1E800] =	vst v63  }
0xfc: {  	_ =	swait.ge [sflag:s29], $0x4000  }
0xfd: {  	[sflag:s29] =	ssyncset.done $0x0  }
0xfe: {  	[sflag:s29] =	ssyncadd.s32 $0xFFFFC000  }
0xff: {  	s5 =	sadd.s32 $0x1, s5;
	_ =	swait.ge [sflag:s26], $0x4000  }
0x100: {  	p0 =	sne.s32 s5, s24;
	[sflag:s26] =	ssyncset.done $0x0  }
.Ltmp2:
0x101: {  	[sflag:s26] =	ssyncadd.s32 $0xFFFFC000;
	(pc) =	sbr.rel @p0 .LBB2_1-.Ltmp2, $4  }
0x102: {  	[hbm4b:s23+s2] =	stream.linear.scatter [tilespmem:s25], [sflag:$0x3], $0x4000, $0x38;
	[tilespmem:$0x1E800] =	vst v63  }
0x103: {  	_ =	swait.ge [sflag:s29], $0x4000  }
0x104: {  	[sflag:s29] =	ssyncset.done $0x0  }
0x105: {  	[sflag:s29] =	ssyncadd.s32 $0xFFFFC000  }
0x106: {  	_ =	sfence.sel $0x180000  }
0x107: {  	[bflag:$0x0] =	sbarrier.arrive $0xFFFF  }
0x108: {  	_ =	strace $0x9000004A  }
0x109: {  	s0 =	stileid.u32;
	[bflag:$0x2] =	sbarrier.arrive $0xFFFF  }
0x10a: {  	p0 =	sne.s32 s0, $0x0;
	s0 =	rddreg [dreg:$0x2]  }
0x10b: {  	s0 =	sadd.s32 @!p0 $0x100000, s0  }
0x10c: {  	[sflag:s0] =	ssyncadd.tile.s32 @!p0 $0x1;
	_ =	shalt  }
.Lfunc_end2:
_tile_overlayer_lowered:
.L_overlay_start_2:
0x10d: {  	(tag) =	ssettag $0x2  }
0x10e: {  	s0 =	rddreg [dreg:$0x0];
	s2 =	stileid.u32  }
0x10f: {  	s1 =	rddreg [dreg:$0x1];
	p0 =	sne.s32 s2, $0x0  }
0x110: {  	s3 =	rddreg [dreg:$0x2];
	[bflag:$0x3] =	sbarrier.arrive $0xFFFF;
	s2 =	simm.s32 @!p0 $0x1C03  }
0x111: {  	[timem:s3], [sflag:s2] =	dma.local @!p0 [hbm:s0], s1  }
0x112: {  	s0 =	simm.s32 @!p0 $0x3  }
0x113: {  	_ =	swait.ge @!p0 [sflag:s0], s1  }
0x114: {  	s1 =	ssub.s32 @!p0 $0x0, s1;
	[sflag:s0] =	ssyncset.done @!p0 $0x0  }
0x115: {  	[sflag:s0] =	ssyncadd.s32 @!p0 s1  }
0x116: {  	[bflag:$0x3] =	sbarrier.arrive $0xFFFF  }
0x117: {  	_ =	shalt  }

// kernel: kernel.15.cloned.1.call-start
scs
__scs_entry_jumppad:
0x0: {  	(pc) =	sbr.rel $0x88, $3  }
0x1: {  	(tag) =	ssettag $0x0;
	lr =	simm.s32 $0x1  }
0x2: {  	[smem:$0x3F99] =	sst lr;
	_ =	strace $0xD0000000  }
0x3: {  	_ = 	snop  }
0x4: {  	_ = 	snop  }
0x5: {  	_ = 	snop  }
0x6: {  	_ = 	snop  }
0x7: {  	_ = 	snop  }
__scs_overlays_trampoline_lowered:
0x8: {  	[smem:$0x3FA8] =	sst s0  }
0x9: {  	[smem:$0x3FA9] =	sst s1  }
0xa: {  	[smem:$0x3FAA] =	sst s2  }
0xb: {  	[smem:$0x3FAB] =	sst s3  }
0xc: {  	[smem:$0x3FAC] =	sst s4  }
0xd: {  	[smem:$0x3FAD] =	sst s5  }
0xe: {  	[smem:$0x3FAE] =	sst s6  }
0xf: {  	[smem:$0x3FAF] =	sst s7  }
0x10: {  	[smem:$0x3FB0] =	sst s8  }
0x11: {  	[smem:$0x3FB1] =	sst s9;
	s0 =	simm.s32 @!p0 $0x0  }
0x12: {  	s1 =	sld [smem:$0x3F97];
	s0 =	simm.s32 @p0 $0x1  }
0x13: {  	[smem:$0x3FB2] =	sst s0;
	s0 =	simm.s32 @!p1 $0x0  }
0x14: {  	s2 =	sld [smem:$0x3F96];
	s0 =	simm.s32 @p1 $0x1  }
0x15: {  	[smem:$0x3FB3] =	sst s0;
	s0 =	simm.s32 @!p2 $0x0  }
0x16: {  	s3 =	sld [smem:$0x3FDB];
	s0 =	simm.s32 @p2 $0x1  }
0x17: {  	s4 =	simm.s32 $0x1BF5;
	[smem:$0x3FB5] =	sst s0  }
0x18: {  	s0 =	sld [smem:$0x3F98];
	_ =	swait.ge [sflag:s4], $0x0  }
0x19: {  	s7 =	sld [smem:$0x3F99]  }
0x1a: {  	s8 =	sadd.s32 $0xFFFFE003, lr  }
0x1b: {  	s9 =	sadd.s32 $0xFFFFFEF7, lr;
	s5 =	simm.s32 $0xFFFFFFFF;
	p2 =	slt.u32 s8, $0xFFFFF086  }
0x1c: {  	p1 =	slt.u32 s9, $0xF7A;
	s5 =	simm.s32 @!p2 $0x0  }
0x1d: {  	s5 =	simm.s32 @p1 $0x1;
	p0 =	seq.s32 s7, s2  }
0x1e: {  	s7 =	smul.u32 @!p0 $0xF7A, s2;
	p2 =	seq.s32 @!p0 s5, $0x0  }
0x1f: {  	s9 =	smul.u32 $0xF7A, s1;
	s8 =	simm.s32 @!p0 $0x1BF5;
	p2 =	por !p2, p0  }
0x20: {  	[sflag:s8] =	ssyncset.s32 @!p0 $0xFFFFF086;
	s6 =	sadd.s32 @!p0 s3, s7;
	s7 =	simm.s32 @!p0 $0x108  }
0x21: {  	s3 =	sadd.s32 s3, s9;
	s6 =	sadd.s32 @!p0 $0x88, s6;
	s7 =	simm.s32 @p2 $0x1082  }
0x22: {  	[simem:s7], [sflag:s8] =	dma.local @!p0 [hbm:s6], $0xF7A  }
0x23: {  	s9 =	sor.u32 $0xD0000000, s2;
	s6 =	simm.s32 $0x108;
	_ =	swait.ge @!p0 [sflag:s8], $0x0  }
0x24: {  	s3 =	sadd.s32 $0x88, s3;
	s6 =	simm.s32 @!p1 $0x1082;
	[sflag:s4] =	ssyncset.s32 $0xFFFFF086  }
0x25: {  	[simem:s6], [sflag:s4] =	dma.local [hbm:s3], $0xF7A  }
0x26: {  	[smem:$0x3F99] =	sst s1;
	(tag) =	ssettag s2;
	_ =	strace s9  }
0x27: {  	s1 =	sld [smem:$0x3FA9]  }
0x28: {  	s2 =	sld [smem:$0x3FAA]  }
0x29: {  	s4 =	sld [smem:$0x3FAC]  }
0x2a: {  	p0 =	seq.s32 s5, $0x0;
	s5 =	sld [smem:$0x3FAD]  }
0x2b: {  	s6 =	sld [smem:$0x3FAE]  }
0x2c: {  	s7 =	sld [smem:$0x3FAF]  }
0x2d: {  	s3 =	simm.s32 $0x108;
	s8 =	sld [smem:$0x3FB0]  }
0x2e: {  	s3 =	simm.s32 @!p0 $0x1082;
	s9 =	sld [smem:$0x3FB1]  }
0x2f: {  	lr =	sadd.s32 s0, s3;
	s0 =	sld [smem:$0x3FA8]  }
0x30: {  	s3 =	sld [smem:$0x3FAB]  }
0x31: {  	[smem:$0x3FB4] =	sst s10  }
0x32: {  	s10 =	sld [smem:$0x3FB2];
	_ =	sdelay $0x3  }
0x33: {  	p0 =	seq.s32 s10, $0x1;
	s10 =	sld [smem:$0x3FB4];
	_ =	sdelay $0x3  }
0x34: {  	[smem:$0x3FB4] =	sst s10  }
0x35: {  	s10 =	sld [smem:$0x3FB3];
	_ =	sdelay $0x3  }
0x36: {  	p1 =	seq.s32 s10, $0x1;
	s10 =	sld [smem:$0x3FB4];
	_ =	sdelay $0x3  }
0x37: {  	[smem:$0x3FB4] =	sst s10  }
0x38: {  	s10 =	sld [smem:$0x3FB5]  }
0x39: {  	_ = 	snop;
	(pc) =	sbr.ind lr, $3  }
0x3a: {  	_ = 	snop  }
0x3b: {  	_ = 	snop  }
0x3c: {  	p2 =	seq.s32 s10, $0x1;
	s10 =	sld [smem:$0x3FB4]  }
0x3d: {  	_ =	shalt  }
0x3e: {  	_ =	shalt  }
0x3f: {  	_ =	shalt  }
0x40: {  	_ =	shalt  }
0x41: {  	_ =	shalt  }
0x42: {  	_ =	shalt  }
0x43: {  	_ =	shalt  }
0x44: {  	_ =	shalt  }
0x45: {  	_ =	shalt  }
0x46: {  	_ =	shalt  }
0x47: {  	_ =	shalt  }
0x48: {  	_ =	shalt  }
0x49: {  	_ =	shalt  }
0x4a: {  	_ =	shalt  }
0x4b: {  	_ =	shalt  }
0x4c: {  	_ =	shalt  }
0x4d: {  	_ =	shalt  }
0x4e: {  	_ =	shalt  }
0x4f: {  	_ =	shalt  }
0x50: {  	_ =	shalt  }
0x51: {  	_ =	shalt  }
0x52: {  	_ =	shalt  }
0x53: {  	_ =	shalt  }
0x54: {  	_ =	shalt  }
0x55: {  	_ =	shalt  }
0x56: {  	_ =	shalt  }
0x57: {  	_ =	shalt  }
0x58: {  	_ =	shalt  }
0x59: {  	_ =	shalt  }
0x5a: {  	_ =	shalt  }
0x5b: {  	_ =	shalt  }
0x5c: {  	_ =	shalt  }
0x5d: {  	_ =	shalt  }
0x5e: {  	_ =	shalt  }
0x5f: {  	_ =	shalt  }
0x60: {  	_ =	shalt  }
0x61: {  	_ =	shalt  }
0x62: {  	_ =	shalt  }
0x63: {  	_ =	shalt  }
0x64: {  	_ =	shalt  }
0x65: {  	_ =	shalt  }
0x66: {  	_ =	shalt  }
0x67: {  	_ =	shalt  }
0x68: {  	_ =	shalt  }
0x69: {  	_ =	shalt  }
0x6a: {  	_ =	shalt  }
0x6b: {  	_ =	shalt  }
0x6c: {  	_ =	shalt  }
0x6d: {  	_ =	shalt  }
0x6e: {  	_ =	shalt  }
0x6f: {  	_ =	shalt  }
0x70: {  	_ =	shalt  }
0x71: {  	_ =	shalt  }
0x72: {  	_ =	shalt  }
0x73: {  	_ =	shalt  }
0x74: {  	_ =	shalt  }
0x75: {  	_ =	shalt  }
0x76: {  	_ =	shalt  }
0x77: {  	_ =	shalt  }
0x78: {  	_ =	shalt  }
0x79: {  	_ =	shalt  }
0x7a: {  	_ =	shalt  }
0x7b: {  	_ =	shalt  }
0x7c: {  	_ =	shalt  }
0x7d: {  	_ =	shalt  }
0x7e: {  	_ =	shalt  }
0x7f: {  	_ =	shalt  }
0x80: {  	_ =	shalt  }
0x81: {  	_ =	shalt  }
0x82: {  	_ =	shalt  }
0x83: {  	_ =	shalt  }
0x84: {  	_ =	shalt  }
0x85: {  	_ =	shalt  }
0x86: {  	_ =	shalt  }
0x87: {  	_ =	shalt  }
.Lfunc_end0:
.L_simem_size_0:
called_computation.2_lowered:
.L_overlay_start_0:
0x88: {  	s2 =	sld [smem:$0x3FD9]  }
0x89: {  	s3 =	sld [smem:$0x3FFE];
	_ =	sdelay $0x1  }
0x8a: {  	s1 =	srdreg.scid  }
0x8b: {  	s0 =	sand.u32 $0x1, s1  }
0x8c: {  	s16 =	sshll.u32 s0, $0xA;
	s2 =	sadd.s32 s3, s2  }
0x8d: {  	s2 =	sadd.s32 s2, s16  }
0x8e: {  	[smem:$0x3FC0] =	sst s2  }
0x8f: {  	_ = 	snop  }
0x90: {  	(tm) =	ssettm $0x1  }
0x91: {  	s17 =	sld [smem:$0x3FFB];
	_ =	sdelay $0x3  }
0x92: {  	_ =	strace s17  }
0x93: {  	s2 =	sld [smem:$0x3FFC];
	_ =	sdelay $0x3  }
0x94: {  	_ =	strace s2  }
0x95: {  	s2 =	sld [smem:$0x3FFD];
	_ =	sdelay $0x3  }
0x96: {  	_ =	strace s2  }
0x97: {  	_ =	strace $0x8FFFFFFF  }
0x98: {  	s18 =	sld [smem:$0x3FDB];
	_ =	sdelay $0x1  }
0x99: {  	s19 =	simm.s32 $_scs_section_size  }
0x9a: {  	s4 =	simm.s32 $_size__tile_overlayer_lowered;
	s5 =	simm.s32 $_tile_overlayer_lowered  }
0x9b: {  	s22 =	simm.s32 $0x1BFF;
	s21 =	sshll.u32 s5, $0x1;
	s2 =	sadd.s32 s19, s18  }
0x9c: {  	s6 =	simm.s32 $0x0;
	s20 =	sshll.u32 s4, $0x1;
	s4 =	sadd.s32 s21, s2  }
0x9d: {  	[timem:s6], [sflag:s22] =	dma.local [hbm:s4], s20  }
0x9e: {  	_ =	swait.ge [sflag:s22], s20  }
0x9f: {  	s3 =	ssub.s32 $0x0, s20;
	[sflag:s22] =	ssyncset.done $0x0  }
0xa0: {  	[sflag:s22] =	ssyncadd.s32 s3;
	_ =	sdelay $0x1  }
0xa1: {  	s23 =	simm.s32 $0x1B8B  }
0xa2: {  	_ =	swait.ge [sflag:s23], $0x1  }
0xa3: {  	[sflag:s23] =	ssyncset.done $0x0  }
0xa4: {  	s25 =	simm.s32 $0x1B8E;
	s24 =	sld [smem:$0x3FFE];
	[sflag:s23] =	ssyncadd.s32 $0xFFFFFFFF  }
0xa5: {  	s26 =	simm.s32 $execute0_lowered;
	[smem:$0x3FD2] =	sst s25  }
0xa6: {  	s4 =	sshll.u32 s26, $0x1;
	_ =	strace $0x8000004C;
	[dreg:$0x1] =	wrdreg $0xFFFFFFFF  }
0xa7: {  	s28 =	simm.s32 $_size_execute0_lowered;
	s2 =	sadd.s32 s2, s4;
	[dreg:$0x0] =	wrdreg $0x0  }
0xa8: {  	s4 =	sshll.u32 s28, $0x1;
	[dreg:$0x2] =	wrdreg s2  }
0xa9: {  	[dreg:$0x3] =	wrdreg s4  }
0xaa: {  	[dreg:$0x4] =	wrdreg $0xC0  }
0xab: {  	_ =	task [dreg:s6], $0x5FFFF  }
0xac: {  	[dreg:$0x1] =	wrdreg $0xFFFFFFFF  }
0xad: {  	[dreg:$0x0] =	wrdreg $0x60  }
0xae: {  	[dreg:$0x2] =	wrdreg s24  }
0xaf: {  	[dreg:$0x3] =	wrdreg $0xA8000  }
0xb0: {  	[dreg:$0x4] =	wrdreg $0x9  }
0xb1: {  	_ =	task.clear_ibuf [dreg:s6], $0x5FFFF;
	_ =	strace $0x9000004C  }
0xb2: {  	s29 =	simm.s32 $0x9;
	_ =	strace $0x8000004E  }
0xb3: {  	_ =	swait.ge [sflag:s29], $0x1  }
0xb4: {  	[sflag:s29] =	ssyncadd.s32 $0xFFFFFFFF  }
0xb5: {  	_ =	strace $0x9000004E  }
0xb6: {  	_ =	sfence  }
0xb7: {  	s30 =	sld [smem:$0x0];
	_ =	sdelay $0x2  }
0xb8: {  	s31 =	sshll.u32 s1, $0xD;
	s1 =	sshrl.u32 s1, $0x2  }
0xb9: {  	s3 =	sand.u32 $0x4000, s31;
	s1 =	sadd.s32 s1, s30  }
0xba: {  	s0 =	sor.u32 s3, s0;
	s1 =	sshll.u32 s1, $0x11  }
0xbb: {  	s0 =	sor.u32 s1, s0  }
0xbc: {  	s0 =	sadd.s32 $0x8F2B, s0  }
0xbd: {  	[sflag:s0] =	ssyncadd.remote.s32 $0x1  }
0xbe: {  	_ =	sfence.sel $0xFFFF  }
0xbf: {  	[dreg:$0x0] =	wrdreg $0xFFFFFFFF;
	(pc) =	sbr.abs _section_cstart, $3  }
0xc0: {  	[dreg:$0x1] =	wrdreg $0xFFFFFFFF  }
0xc1: {  	_ =	task.clear_ibuf [dreg:s6], $0x2FFFF;
	_ =	strace $0x9FFFFFFF  }
0xc2: {  	(tm) =	ssettm $0x7FFFFFFF  }
0xc3: {  	_ =	shalt  }
tec
execute0_lowered:
.L_overlay_start_1:
0x0: {  	(tag) =	ssettag $0x1  }
0x1: {  	s0 =	rddreg [dreg:$0x0]  }
0x2: {  	s1 =	rddreg [dreg:$0x1]  }
0x3: {  	s2 =	simm.s32 $0x0;
	s3 =	srdreg.scid;
	s11 =	stileid.u32  }
0x4: {  	s28 =	simm.s32 $0x6800;
	s29 =	simm.s32 $0x3;
	s30 =	simm.s32 $0x2  }
0x5: {  	s31 =	simm.s32 $0x1400;
	[smem:$0x7FF] =	sst s2;
	s4 =	sadd.s32 $0xC800, s0  }
0x6: {  	s5 =	sadd.s32 $0x5D800, s0;
	s3 =	sand.u32 $0x1, s3;
	s8 =	smul.u32 $0x280, s11  }
0x7: {  	s6 =	sadd.s32 $0x2800, s0;
	s10 =	sshll.u32 s11, $0x1;
	s17 =	smul.u32 $0x14000, s11  }
0x8: {  	s0 =	sadd.s32 $0x67800, s0;
	s11 =	smul.u32 $0x50000, s11;
	_ =	strace $0x8000004D  }
0x9: {  	s7 =	ssub.s32 $0x2, s3;
	s10 =	sor.u32 s3, s10;
	s3 =	smul.u32 $0x140000, s3  }
0xa: {  	s9 =	sshrl.u32 s7, $0x1;
	s18 =	sshrl.u32 s17, $0x3;
	s19 =	sadd.s32 $0x80, s8  }
0xb: {  	s21 =	sshrl.u32 s11, $0x2;
	s22 =	sadd.s32 $0x100, s8;
	s23 =	sadd.s32 $0x180, s8  }
0xc: {  	s12 =	smul.u32 $0x2800, s10;
	s8 =	sadd.s32 $0x200, s8;
	s24 =	ssub.s32 s7, s9  }
0xd: {  	s7 =	sadd.s32 s4, s18;
	s18 =	sshll.u32 s19, $0x7;
	s20 =	sshll.u32 s19, $0x4  }
0xe: {  	s19 =	sshll.u32 s22, $0x7;
	s9 =	sshll.u32 s22, $0x4;
	s11 =	sshll.u32 s23, $0x4  }
0xf: {  	s13 =	sadd.s32 s17, s3;
	[dreg:$0x3] =	wrdreg s7;
	s7 =	sadd.s32 s4, s20  }
0x10: {  	s9 =	sadd.s32 s4, s9;
	s20 =	sshll.u32 s23, $0x7;
	s25 =	sadd.s32 s4, s11  }
0x11: {  	s11 =	sadd.s32 s19, s1;
	s14 =	sshrl.u32 s12, $0x3;
	s22 =	sadd.s32 s3, s18  }
0x12: {  	s23 =	sadd.s32 s3, s19;
	s24 =	smax.u32 s24, $0x1;
	[dreg:$0x4] =	wrdreg s7  }
0x13: {  	s7 =	sadd.s32 s21, s1;
	[dreg:$0x5] =	wrdreg s9;
	s9 =	sadd.s32 s18, s1  }
0x14: {  	[dreg:$0x6] =	wrdreg s25;
	s21 =	sshll.u32 s8, $0x7;
	s8 =	sshll.u32 s8, $0x4  }
0x15: {  	s26 =	sadd.s32 $0x280, s14;
	s12 =	sadd.s32 s5, s14;
	s14 =	sadd.s32 s6, s14  }
0x16: {  	s17 =	sadd.s32 s20, s1;
	s25 =	sshrl.u32 s23, $0x3;
	s8 =	sadd.s32 s4, s8  }
0x17: {  	[dreg:$0x8] =	wrdreg s12;
	s15 =	sadd.s32 s5, s26;
	s16 =	sadd.s32 s6, s26  }
0x18: {  	s5 =	sshrl.u32 s13, $0x3;
	s6 =	sshrl.u32 s22, $0x3;
	s22 =	sadd.s32 s3, s20  }
0x19: {  	s3 =	sadd.s32 s3, s21;
	s18 =	sadd.s32 s21, s1;
	s21 =	sadd.s32 s0, s25  }
0x1a: {  	s25 =	simm.s32 $0x2800;
	[dreg:$0x7] =	wrdreg s8;
	s19 =	sadd.s32 s0, s5  }
0x1b: {  	s20 =	sadd.s32 s0, s6;
	s26 =	sshrl.u32 s22, $0x3;
	s3 =	sshrl.u32 s3, $0x3  }
0x1c: {  	s5 =	simm.s32 $0x0;
	s22 =	sadd.s32 s0, s26;
	s23 =	sadd.s32 s0, s3  }
0x1d: {  	s26 =	simm.s32 $0x1;
	s0 =	simm.s32 $0x80;
	s3 =	simm.s32 $0x2700  }
.LBB2_1:
0x1e: {  	s6 =	rddreg [dreg:$0x3]  }
0x1f: {  	[tilespmem:s25], [sflag:$0x1] =	stream.linear.gather [hbm4b:s6+s2], $0x4000, $0x38;
	[tilespmem:$0x1E800] =	vst v63  }
0x20: {  	_ =	swait.ge [sflag:s26], $0x4000  }
0x21: {  	[sflag:s26] =	ssyncset.done $0x0  }
0x22: {  	s13 =	rddreg [dreg:$0x4];
	[sflag:s26] =	ssyncadd.s32 $0xFFFFC000  }
0x23: {  	[tilespmem:s28], [sflag:$0x2] =	stream.linear.gather [hbm4b:s13+s2], $0x4000, $0x38;
	[tilespmem:$0x1E800] =	vst v63  }
0x24: {  	_ = 	snop  }
0x25: {  	[spmem:s7] =	stream.linear.scatter [tilespmem:s25], [sflag:$0x3], $0x4000, $0x38;
	[tilespmem:$0x1E800] =	vst v63  }
0x26: {  	_ =	swait.ge [sflag:s29], $0x4000  }
0x27: {  	[sflag:s29] =	ssyncset.done $0x0  }
0x28: {  	[sflag:s29] =	ssyncadd.s32 $0xFFFFC000  }
0x29: {  	_ =	swait.ge [sflag:s30], $0x4000  }
0x2a: {  	[sflag:s30] =	ssyncset.done $0x0  }
0x2b: {  	s8 =	rddreg [dreg:$0x5];
	[sflag:s30] =	ssyncadd.s32 $0xFFFFC000  }
0x2c: {  	[tilespmem:s25], [sflag:$0x1] =	stream.linear.gather [hbm4b:s8+s2], $0x4000, $0x38;
	[tilespmem:$0x1E800] =	vst v63  }
0x2d: {  	_ = 	snop  }
0x2e: {  	[spmem:s9] =	stream.linear.scatter [tilespmem:s28], [sflag:$0x3], $0x4000, $0x38;
	[tilespmem:$0x1E800] =	vst v63  }
0x2f: {  	_ =	swait.ge [sflag:s29], $0x4000  }
0x30: {  	[sflag:s29] =	ssyncset.done $0x0  }
0x31: {  	[sflag:s29] =	ssyncadd.s32 $0xFFFFC000  }
0x32: {  	_ =	swait.ge [sflag:s26], $0x4000  }
0x33: {  	[sflag:s26] =	ssyncset.done $0x0  }
0x34: {  	s10 =	rddreg [dreg:$0x6];
	[sflag:s26] =	ssyncadd.s32 $0xFFFFC000  }
0x35: {  	[tilespmem:s28], [sflag:$0x2] =	stream.linear.gather [hbm4b:s10+s2], $0x4000, $0x38;
	[tilespmem:$0x1E800] =	vst v63  }
0x36: {  	_ = 	snop  }
0x37: {  	[spmem:s11] =	stream.linear.scatter [tilespmem:s25], [sflag:$0x3], $0x4000, $0x38;
	[tilespmem:$0x1E800] =	vst v63  }
0x38: {  	_ =	swait.ge [sflag:s29], $0x4000  }
0x39: {  	[sflag:s29] =	ssyncset.done $0x0  }
0x3a: {  	[sflag:s29] =	ssyncadd.s32 $0xFFFFC000  }
0x3b: {  	_ =	swait.ge [sflag:s30], $0x4000  }
0x3c: {  	[sflag:s30] =	ssyncset.done $0x0  }
0x3d: {  	s12 =	rddreg [dreg:$0x7];
	[sflag:s30] =	ssyncadd.s32 $0xFFFFC000  }
0x3e: {  	[tilespmem:s25], [sflag:$0x1] =	stream.linear.gather [hbm4b:s12+s2], $0x4000, $0x38;
	[tilespmem:$0x1E800] =	vst v63  }
0x3f: {  	_ = 	snop  }
0x40: {  	[spmem:s17] =	stream.linear.scatter [tilespmem:s28], [sflag:$0x3], $0x4000, $0x38;
	[tilespmem:$0x1E800] =	vst v63  }
0x41: {  	_ =	swait.ge [sflag:s29], $0x4000  }
0x42: {  	[sflag:s29] =	ssyncset.done $0x0  }
0x43: {  	[sflag:s29] =	ssyncadd.s32 $0xFFFFC000  }
0x44: {  	_ =	swait.ge [sflag:s26], $0x4000  }
0x45: {  	[sflag:s26] =	ssyncset.done $0x0  }
0x46: {  	[sflag:s26] =	ssyncadd.s32 $0xFFFFC000  }
0x47: {  	[spmem:s18] =	stream.linear.scatter [tilespmem:s25], [sflag:$0x3], $0x4000, $0x38;
	[tilespmem:$0x1E800] =	vst v63  }
0x48: {  	_ =	swait.ge [sflag:s29], $0x4000  }
0x49: {  	[sflag:s29] =	ssyncset.done $0x0  }
0x4a: {  	[sflag:s29] =	ssyncadd.s32 $0xFFFFC000  }
0x4b: {  	[bflag:$0x0] =	sbarrier.arrive $0xFFFF  }
0x4c: {  	s13 =	rddreg [dreg:$0x8]  }
0x4d: {  	[tilespmem:s2], [sflag:$0x3] =	stream.linear.gather [hbm4b:s13+s2], $0x1400, $0x38;
	[tilespmem:$0x1E800] =	vst v63  }
0x4e: {  	_ =	swait.ge [sflag:s29], $0x1400  }
0x4f: {  	[sflag:s29] =	ssyncset.done $0x0  }
0x50: {  	[sflag:s29] =	ssyncadd.s32 $0xFFFFEC00  }
0x51: {  	[tilespmem:s31], [sflag:$0x3] =	stream.linear.gather [hbm4b:s14+s2], $0x1400, $0x38;
	[tilespmem:$0x1E800] =	vst v63  }
0x52: {  	_ =	swait.ge [sflag:s29], $0x1400  }
0x53: {  	[sflag:s29] =	ssyncset.done $0x0  }
0x54: {  	[sflag:s29] =	ssyncadd.s32 $0xFFFFEC00  }
0x55: {  	[tilespmem:s25], [sflag:$0x1] =	stream.indirect.gather [hbm4b:s4+s0], $0x80, s2, s0, $0xb8;
	[tilespmem:$0x1E800] =	vst v63  }
0x56: {  	s8 =	simm.s32 $0x80  }
0x57: {  	[tilespmem:s28], [sflag:$0x2] =	stream.indirect.gather [hbm4b:s4+s0], $0x80, s8, s0, $0xb8;
	[tilespmem:$0x1E800] =	vst v63  }
0x58: {  	_ =	swait.ge [sflag:s26], $0x4000  }
0x59: {  	[sflag:s26] =	ssyncset.done $0x0  }
0x5a: {  	s10 =	simm.s32 $0x1400;
	[sflag:s26] =	ssyncadd.s32 $0xFFFFC000  }
0x5b: {  	[spmem:s1] =	stream.indirect.scatter.add.f32 [tilespmem:s25], [sflag:$0x3], $0x80, s10, s0, $0xb8;
	[tilespmem:$0x1E800] =	vst v63  }
0x5c: {  	_ =	swait.ge [sflag:s29], $0x4000  }
0x5d: {  	[sflag:s29] =	ssyncset.done $0x0  }
0x5e: {  	s12 =	simm.s32 $0x100;
	[sflag:s29] =	ssyncadd.s32 $0xFFFFC000  }
0x5f: {  	[tilespmem:s25], [sflag:$0x1] =	stream.indirect.gather [hbm4b:s4+s0], $0x80, s12, s0, $0xb8;
	[tilespmem:$0x1E800] =	vst v63  }
0x60: {  	_ =	swait.ge [sflag:s30], $0x4000  }
0x61: {  	[sflag:s30] =	ssyncset.done $0x0  }
0x62: {  	s13 =	simm.s32 $0x1480;
	[sflag:s30] =	ssyncadd.s32 $0xFFFFC000  }
0x63: {  	[spmem:s1] =	stream.indirect.scatter.add.f32 [tilespmem:s28], [sflag:$0x3], $0x80, s13, s0, $0xb8;
	[tilespmem:$0x1E800] =	vst v63  }
0x64: {  	_ =	swait.ge [sflag:s29], $0x4000  }
0x65: {  	s6 =	simm.s32 $0x100;
	s8 =	simm.s32 $0x800;
	[sflag:s29] =	ssyncset.done $0x0  }
.LBB2_2:
0x66: {  	s10 =	sadd.s32 $0x80, s6  }
0x67: {  	[sflag:s29] =	ssyncadd.s32 $0xFFFFC000;
	s12 =	smov.u32 s8;
	s13 =	sadd.s32 $0x400, s8  }
0x68: {  	[tilespmem:s28], [sflag:$0x2] =	stream.indirect.gather [hbm4b:s4+s0], $0x80, s10, s0, $0xb8;
	[tilespmem:$0x1E800] =	vst v63  }
0x69: {  	p0 =	sne.s32 s8, $0x4800;
	_ =	swait.ge [sflag:s26], $0x4000  }
0x6a: {  	[sflag:s26] =	ssyncset.done $0x0  }
0x6b: {  	s8 =	sadd.s32 $0x1400, s6;
	[sflag:s26] =	ssyncadd.s32 $0xFFFFC000  }
0x6c: {  	[spmem:s1] =	stream.indirect.scatter.add.f32 [tilespmem:s25], [sflag:$0x3], $0x80, s8, s0, $0xb8;
	[tilespmem:$0x1E800] =	vst v63  }
0x6d: {  	_ =	swait.ge [sflag:s29], $0x4000  }
0x6e: {  	[sflag:s29] =	ssyncset.done $0x0  }
0x6f: {  	s8 =	sadd.s32 $0x100, s6;
	[sflag:s29] =	ssyncadd.s32 $0xFFFFC000  }
0x70: {  	[tilespmem:s25], [sflag:$0x1] =	stream.indirect.gather [hbm4b:s4+s0], $0x80, s8, s0, $0xb8;
	[tilespmem:$0x1E800] =	vst v63  }
0x71: {  	_ =	swait.ge [sflag:s30], $0x4000  }
.Ltmp0:
0x72: {  	[sflag:s30] =	ssyncset.done $0x0;
	(pc) =	sbr.rel @p0 .LBB2_2-.Ltmp0, $4  }
0x73: {  	s6 =	sadd.s32 $0x1480, s6;
	[sflag:s30] =	ssyncadd.s32 $0xFFFFC000  }
0x74: {  	[spmem:s1] =	stream.indirect.scatter.add.f32 [tilespmem:s28], [sflag:$0x3], $0x80, s6, s0, $0xb8;
	[tilespmem:$0x1E800] =	vst v63  }
0x75: {  	_ =	swait.ge [sflag:s29], $0x4000  }
0x76: {  	s8 =	smov.u32 s13;
	s6 =	sshra.s32 s12, $0x2;
	[sflag:s29] =	ssyncset.done $0x0  }
0x77: {  	s8 =	sadd.s32 $0x80, s6;
	[sflag:s29] =	ssyncadd.s32 $0xFFFFC000  }
0x78: {  	[tilespmem:s28], [sflag:$0x2] =	stream.indirect.gather [hbm4b:s4+s0], $0x80, s8, s0, $0xb8;
	[tilespmem:$0x1E800] =	vst v63  }
0x79: {  	_ =	swait.ge [sflag:s26], $0x4000  }
0x7a: {  	[sflag:s26] =	ssyncset.done $0x0  }
0x7b: {  	s12 =	sadd.s32 $0x1400, s6;
	[sflag:s26] =	ssyncadd.s32 $0xFFFFC000  }
0x7c: {  	[spmem:s1] =	stream.indirect.scatter.add.f32 [tilespmem:s25], [sflag:$0x3], $0x80, s12, s0, $0xb8;
	[tilespmem:$0x1E800] =	vst v63  }
0x7d: {  	_ =	swait.ge [sflag:s29], $0x4000  }
0x7e: {  	[sflag:s29] =	ssyncset.done $0x0  }
0x7f: {  	s13 =	sadd.s32 $0x100, s6;
	[sflag:s29] =	ssyncadd.s32 $0xFFFFC000  }
0x80: {  	[tilespmem:s25], [sflag:$0x1] =	stream.indirect.gather [hbm4b:s4+s0], $0x80, s13, s0, $0xb8;
	[tilespmem:$0x1E800] =	vst v63  }
0x81: {  	_ =	swait.ge [sflag:s30], $0x4000  }
0x82: {  	[sflag:s30] =	ssyncset.done $0x0  }
0x83: {  	s8 =	sadd.s32 $0x1480, s6;
	[sflag:s30] =	ssyncadd.s32 $0xFFFFC000  }
0x84: {  	[spmem:s1] =	stream.indirect.scatter.add.f32 [tilespmem:s28], [sflag:$0x3], $0x80, s8, s0, $0xb8;
	[tilespmem:$0x1E800] =	vst v63  }
0x85: {  	_ =	swait.ge [sflag:s29], $0x4000  }
0x86: {  	[sflag:s29] =	ssyncset.done $0x0  }
0x87: {  	s10 =	simm.s32 $0x1380;
	[sflag:s29] =	ssyncadd.s32 $0xFFFFC000  }
0x88: {  	[tilespmem:s28], [sflag:$0x2] =	stream.indirect.gather [hbm4b:s4+s0], $0x80, s10, s0, $0xb8;
	[tilespmem:$0x1E800] =	vst v63  }
0x89: {  	_ =	swait.ge [sflag:s26], $0x4000  }
0x8a: {  	[sflag:s26] =	ssyncset.done $0x0  }
0x8b: {  	[sflag:s26] =	ssyncadd.s32 $0xFFFFC000  }
0x8c: {  	[spmem:s1] =	stream.indirect.scatter.add.f32 [tilespmem:s25], [sflag:$0x3], $0x80, s3, s0, $0xb8;
	[tilespmem:$0x1E800] =	vst v63  }
0x8d: {  	_ =	swait.ge [sflag:s29], $0x4000  }
0x8e: {  	[sflag:s29] =	ssyncset.done $0x0  }
0x8f: {  	[sflag:s29] =	ssyncadd.s32 $0xFFFFC000  }
0x90: {  	_ =	swait.ge [sflag:s30], $0x4000  }
0x91: {  	[sflag:s30] =	ssyncset.done $0x0  }
0x92: {  	s12 =	simm.s32 $0x2780;
	[sflag:s30] =	ssyncadd.s32 $0xFFFFC000  }
0x93: {  	[spmem:s1] =	stream.indirect.scatter.add.f32 [tilespmem:s28], [sflag:$0x3], $0x80, s12, s0, $0xb8;
	[tilespmem:$0x1E800] =	vst v63  }
0x94: {  	_ =	swait.ge [sflag:s29], $0x4000  }
0x95: {  	[sflag:s29] =	ssyncset.done $0x0  }
0x96: {  	s13 =	simm.s32 $0x0;
	[sflag:s29] =	ssyncadd.s32 $0xFFFFC000  }
0x97: {  	[tilespmem:s13], [sflag:$0x3] =	stream.linear.gather [hbm4b:s15+s13], $0x1380, $0x38;
	[tilespmem:$0x1E800] =	vst v63  }
0x98: {  	_ =	swait.ge [sflag:s29], $0x1380  }
0x99: {  	[sflag:s29] =	ssyncset.done $0x0  }
0x9a: {  	[sflag:s29] =	ssyncadd.s32 $0xFFFFEC80  }
0x9b: {  	[tilespmem:s31], [sflag:$0x3] =	stream.linear.gather [hbm4b:s16+s13], $0x1380, $0x38;
	[tilespmem:$0x1E800] =	vst v63  }
0x9c: {  	_ =	swait.ge [sflag:s29], $0x1380  }
0x9d: {  	[sflag:s29] =	ssyncset.done $0x0  }
0x9e: {  	[sflag:s29] =	ssyncadd.s32 $0xFFFFEC80  }
0x9f: {  	[tilespmem:s25], [sflag:$0x1] =	stream.indirect.gather [hbm4b:s4+s0], $0x80, s13, s0, $0xb8;
	[tilespmem:$0x1E800] =	vst v63  }
0xa0: {  	s8 =	simm.s32 $0x80  }
0xa1: {  	[tilespmem:s28], [sflag:$0x2] =	stream.indirect.gather [hbm4b:s4+s0], $0x80, s8, s0, $0xb8;
	[tilespmem:$0x1E800] =	vst v63  }
0xa2: {  	_ =	swait.ge [sflag:s26], $0x4000  }
0xa3: {  	[sflag:s26] =	ssyncset.done $0x0  }
0xa4: {  	s10 =	simm.s32 $0x1400;
	[sflag:s26] =	ssyncadd.s32 $0xFFFFC000  }
0xa5: {  	[spmem:s1] =	stream.indirect.scatter.add.f32 [tilespmem:s25], [sflag:$0x3], $0x80, s10, s0, $0xb8;
	[tilespmem:$0x1E800] =	vst v63  }
0xa6: {  	_ =	swait.ge [sflag:s29], $0x4000  }
0xa7: {  	[sflag:s29] =	ssyncset.done $0x0  }
0xa8: {  	s12 =	simm.s32 $0x100;
	[sflag:s29] =	ssyncadd.s32 $0xFFFFC000  }
0xa9: {  	[tilespmem:s25], [sflag:$0x1] =	stream.indirect.gather [hbm4b:s4+s0], $0x80, s12, s0, $0xb8;
	[tilespmem:$0x1E800] =	vst v63  }
0xaa: {  	_ =	swait.ge [sflag:s30], $0x4000  }
0xab: {  	[sflag:s30] =	ssyncset.done $0x0  }
0xac: {  	s13 =	simm.s32 $0x1480;
	[sflag:s30] =	ssyncadd.s32 $0xFFFFC000  }
0xad: {  	[spmem:s1] =	stream.indirect.scatter.add.f32 [tilespmem:s28], [sflag:$0x3], $0x80, s13, s0, $0xb8;
	[tilespmem:$0x1E800] =	vst v63  }
0xae: {  	_ =	swait.ge [sflag:s29], $0x4000  }
0xaf: {  	s6 =	simm.s32 $0x100;
	s8 =	simm.s32 $0x800;
	[sflag:s29] =	ssyncset.done $0x0  }
.LBB2_4:
0xb0: {  	s10 =	sadd.s32 $0x80, s6  }
0xb1: {  	[sflag:s29] =	ssyncadd.s32 $0xFFFFC000;
	s12 =	smov.u32 s8;
	s13 =	sadd.s32 $0x400, s8  }
0xb2: {  	[tilespmem:s28], [sflag:$0x2] =	stream.indirect.gather [hbm4b:s4+s0], $0x80, s10, s0, $0xb8;
	[tilespmem:$0x1E800] =	vst v63  }
0xb3: {  	p0 =	sne.s32 s8, $0x4800;
	_ =	swait.ge [sflag:s26], $0x4000  }
0xb4: {  	[sflag:s26] =	ssyncset.done $0x0  }
0xb5: {  	s8 =	sadd.s32 $0x1400, s6;
	[sflag:s26] =	ssyncadd.s32 $0xFFFFC000  }
0xb6: {  	[spmem:s1] =	stream.indirect.scatter.add.f32 [tilespmem:s25], [sflag:$0x3], $0x80, s8, s0, $0xb8;
	[tilespmem:$0x1E800] =	vst v63  }
0xb7: {  	_ =	swait.ge [sflag:s29], $0x4000  }
0xb8: {  	[sflag:s29] =	ssyncset.done $0x0  }
0xb9: {  	s8 =	sadd.s32 $0x100, s6;
	[sflag:s29] =	ssyncadd.s32 $0xFFFFC000  }
0xba: {  	[tilespmem:s25], [sflag:$0x1] =	stream.indirect.gather [hbm4b:s4+s0], $0x80, s8, s0, $0xb8;
	[tilespmem:$0x1E800] =	vst v63  }
0xbb: {  	_ =	swait.ge [sflag:s30], $0x4000  }
.Ltmp1:
0xbc: {  	[sflag:s30] =	ssyncset.done $0x0;
	(pc) =	sbr.rel @p0 .LBB2_4-.Ltmp1, $4  }
0xbd: {  	s6 =	sadd.s32 $0x1480, s6;
	[sflag:s30] =	ssyncadd.s32 $0xFFFFC000  }
0xbe: {  	[spmem:s1] =	stream.indirect.scatter.add.f32 [tilespmem:s28], [sflag:$0x3], $0x80, s6, s0, $0xb8;
	[tilespmem:$0x1E800] =	vst v63  }
0xbf: {  	_ =	swait.ge [sflag:s29], $0x4000  }
0xc0: {  	s8 =	smov.u32 s13;
	s6 =	sshra.s32 s12, $0x2;
	[sflag:s29] =	ssyncset.done $0x0  }
0xc1: {  	s8 =	sadd.s32 $0x80, s6;
	[sflag:s29] =	ssyncadd.s32 $0xFFFFC000  }
0xc2: {  	[tilespmem:s28], [sflag:$0x2] =	stream.indirect.gather [hbm4b:s4+s0], $0x80, s8, s0, $0xb8;
	[tilespmem:$0x1E800] =	vst v63  }
0xc3: {  	_ =	swait.ge [sflag:s26], $0x4000  }
0xc4: {  	[sflag:s26] =	ssyncset.done $0x0  }
0xc5: {  	s10 =	sadd.s32 $0x1400, s6;
	[sflag:s26] =	ssyncadd.s32 $0xFFFFC000  }
0xc6: {  	[spmem:s1] =	stream.indirect.scatter.add.f32 [tilespmem:s25], [sflag:$0x3], $0x80, s10, s0, $0xb8;
	[tilespmem:$0x1E800] =	vst v63  }
0xc7: {  	_ =	swait.ge [sflag:s29], $0x4000  }
0xc8: {  	[sflag:s29] =	ssyncset.done $0x0  }
0xc9: {  	s12 =	sadd.s32 $0x100, s6;
	[sflag:s29] =	ssyncadd.s32 $0xFFFFC000  }
0xca: {  	[tilespmem:s25], [sflag:$0x1] =	stream.indirect.gather [hbm4b:s4+s0], $0x80, s12, s0, $0xb8;
	[tilespmem:$0x1E800] =	vst v63  }
0xcb: {  	_ =	swait.ge [sflag:s30], $0x4000  }
0xcc: {  	[sflag:s30] =	ssyncset.done $0x0  }
0xcd: {  	s13 =	sadd.s32 $0x1480, s6;
	[sflag:s30] =	ssyncadd.s32 $0xFFFFC000  }
0xce: {  	[spmem:s1] =	stream.indirect.scatter.add.f32 [tilespmem:s28], [sflag:$0x3], $0x80, s13, s0, $0xb8;
	[tilespmem:$0x1E800] =	vst v63  }
0xcf: {  	_ =	swait.ge [sflag:s29], $0x4000  }
0xd0: {  	[sflag:s29] =	ssyncset.done $0x0  }
0xd1: {  	[sflag:s29] =	ssyncadd.s32 $0xFFFFC000  }
0xd2: {  	_ =	swait.ge [sflag:s26], $0x4000  }
0xd3: {  	[sflag:s26] =	ssyncset.done $0x0  }
0xd4: {  	[sflag:s26] =	ssyncadd.s32 $0xFFFFC000  }
0xd5: {  	[spmem:s1] =	stream.indirect.scatter.add.f32 [tilespmem:s25], [sflag:$0x3], $0x80, s3, s0, $0xb8;
	[tilespmem:$0x1E800] =	vst v63  }
0xd6: {  	_ =	swait.ge [sflag:s29], $0x4000  }
0xd7: {  	[sflag:s29] =	ssyncset.done $0x0  }
0xd8: {  	[sflag:s29] =	ssyncadd.s32 $0xFFFFC000  }
0xd9: {  	[bflag:$0x0] =	sbarrier.arrive $0xFFFF  }
0xda: {  	[tilespmem:s25], [sflag:$0x1] =	stream.linear.gather [spmem:s7], $0x4000, $0x38;
	[tilespmem:$0x1E800] =	vst v63  }
0xdb: {  	_ =	swait.ge [sflag:s26], $0x4000  }
0xdc: {  	[sflag:s26] =	ssyncset.done $0x0  }
0xdd: {  	[sflag:s26] =	ssyncadd.s32 $0xFFFFC000  }
0xde: {  	[tilespmem:s28], [sflag:$0x2] =	stream.linear.gather [spmem:s9], $0x4000, $0x38;
	[tilespmem:$0x1E800] =	vst v63  }
0xdf: {  	_ = 	snop  }
0xe0: {  	[hbm4b:s19+s2] =	stream.linear.scatter [tilespmem:s25], [sflag:$0x3], $0x4000, $0x38;
	[tilespmem:$0x1E800] =	vst v63  }
0xe1: {  	_ =	swait.ge [sflag:s29], $0x4000  }
0xe2: {  	[sflag:s29] =	ssyncset.done $0x0  }
0xe3: {  	[sflag:s29] =	ssyncadd.s32 $0xFFFFC000  }
0xe4: {  	_ =	swait.ge [sflag:s30], $0x4000  }
0xe5: {  	[sflag:s30] =	ssyncset.done $0x0  }
0xe6: {  	[sflag:s30] =	ssyncadd.s32 $0xFFFFC000  }
0xe7: {  	[tilespmem:s25], [sflag:$0x1] =	stream.linear.gather [spmem:s11], $0x4000, $0x38;
	[tilespmem:$0x1E800] =	vst v63  }
0xe8: {  	_ = 	snop  }
0xe9: {  	[hbm4b:s20+s2] =	stream.linear.scatter [tilespmem:s28], [sflag:$0x3], $0x4000, $0x38;
	[tilespmem:$0x1E800] =	vst v63  }
0xea: {  	_ =	swait.ge [sflag:s29], $0x4000  }
0xeb: {  	[sflag:s29] =	ssyncset.done $0x0  }
0xec: {  	[sflag:s29] =	ssyncadd.s32 $0xFFFFC000  }
0xed: {  	_ =	swait.ge [sflag:s26], $0x4000  }
0xee: {  	[sflag:s26] =	ssyncset.done $0x0  }
0xef: {  	[sflag:s26] =	ssyncadd.s32 $0xFFFFC000  }
0xf0: {  	[tilespmem:s28], [sflag:$0x2] =	stream.linear.gather [spmem:s17], $0x4000, $0x38;
	[tilespmem:$0x1E800] =	vst v63  }
0xf1: {  	_ = 	snop  }
0xf2: {  	[hbm4b:s21+s2] =	stream.linear.scatter [tilespmem:s25], [sflag:$0x3], $0x4000, $0x38;
	[tilespmem:$0x1E800] =	vst v63  }
0xf3: {  	_ =	swait.ge [sflag:s29], $0x4000  }
0xf4: {  	[sflag:s29] =	ssyncset.done $0x0  }
0xf5: {  	[sflag:s29] =	ssyncadd.s32 $0xFFFFC000  }
0xf6: {  	_ =	swait.ge [sflag:s30], $0x4000  }
0xf7: {  	[sflag:s30] =	ssyncset.done $0x0  }
0xf8: {  	[sflag:s30] =	ssyncadd.s32 $0xFFFFC000  }
0xf9: {  	[tilespmem:s25], [sflag:$0x1] =	stream.linear.gather [spmem:s18], $0x4000, $0x38;
	[tilespmem:$0x1E800] =	vst v63  }
0xfa: {  	_ = 	snop  }
0xfb: {  	[hbm4b:s22+s2] =	stream.linear.scatter [tilespmem:s28], [sflag:$0x3], $0x4000, $0x38;
	[tilespmem:$0x1E800] =	vst v63  }
0xfc: {  	_ =	swait.ge [sflag:s29], $0x4000  }
0xfd: {  	[sflag:s29] =	ssyncset.done $0x0  }
0xfe: {  	[sflag:s29] =	ssyncadd.s32 $0xFFFFC000  }
0xff: {  	s5 =	sadd.s32 $0x1, s5;
	_ =	swait.ge [sflag:s26], $0x4000  }
0x100: {  	p0 =	sne.s32 s5, s24;
	[sflag:s26] =	ssyncset.done $0x0  }
.Ltmp2:
0x101: {  	[sflag:s26] =	ssyncadd.s32 $0xFFFFC000;
	(pc) =	sbr.rel @p0 .LBB2_1-.Ltmp2, $4  }
0x102: {  	[hbm4b:s23+s2] =	stream.linear.scatter [tilespmem:s25], [sflag:$0x3], $0x4000, $0x38;
	[tilespmem:$0x1E800] =	vst v63  }
0x103: {  	_ =	swait.ge [sflag:s29], $0x4000  }
0x104: {  	[sflag:s29] =	ssyncset.done $0x0  }
0x105: {  	[sflag:s29] =	ssyncadd.s32 $0xFFFFC000  }
0x106: {  	_ =	sfence.sel $0x180000  }
0x107: {  	[bflag:$0x0] =	sbarrier.arrive $0xFFFF  }
0x108: {  	_ =	strace $0x9000004D  }
0x109: {  	s0 =	stileid.u32;
	[bflag:$0x2] =	sbarrier.arrive $0xFFFF  }
0x10a: {  	p0 =	sne.s32 s0, $0x0;
	s0 =	rddreg [dreg:$0x2]  }
0x10b: {  	s0 =	sadd.s32 @!p0 $0x100000, s0  }
0x10c: {  	[sflag:s0] =	ssyncadd.tile.s32 @!p0 $0x1;
	_ =	shalt  }
.Lfunc_end2:
_tile_overlayer_lowered:
.L_overlay_start_2:
0x10d: {  	(tag) =	ssettag $0x2  }
0x10e: {  	s0 =	rddreg [dreg:$0x0];
	s2 =	stileid.u32  }
0x10f: {  	s1 =	rddreg [dreg:$0x1];
	p0 =	sne.s32 s2, $0x0  }
0x110: {  	s3 =	rddreg [dreg:$0x2];
	[bflag:$0x3] =	sbarrier.arrive $0xFFFF;
	s2 =	simm.s32 @!p0 $0x1C03  }
0x111: {  	[timem:s3], [sflag:s2] =	dma.local @!p0 [hbm:s0], s1  }
0x112: {  	s0 =	simm.s32 @!p0 $0x3  }
0x113: {  	_ =	swait.ge @!p0 [sflag:s0], s1  }
0x114: {  	s1 =	ssub.s32 @!p0 $0x0, s1;
	[sflag:s0] =	ssyncset.done @!p0 $0x0  }
0x115: {  	[sflag:s0] =	ssyncadd.s32 @!p0 s1  }
0x116: {  	[bflag:$0x3] =	sbarrier.arrive $0xFFFF  }
0x117: {  	_ =	shalt  }

// kernel: kernel.9.cloned.1.call-start
scs
__scs_entry_jumppad:
0x0: {  	(pc) =	sbr.rel $0x88, $3  }
0x1: {  	(tag) =	ssettag $0x0;
	lr =	simm.s32 $0x1  }
0x2: {  	[smem:$0x3F99] =	sst lr;
	_ =	strace $0xD0000000  }
0x3: {  	_ = 	snop  }
0x4: {  	_ = 	snop  }
0x5: {  	_ = 	snop  }
0x6: {  	_ = 	snop  }
0x7: {  	_ = 	snop  }
__scs_overlays_trampoline_lowered:
0x8: {  	[smem:$0x3FA8] =	sst s0  }
0x9: {  	[smem:$0x3FA9] =	sst s1  }
0xa: {  	[smem:$0x3FAA] =	sst s2  }
0xb: {  	[smem:$0x3FAB] =	sst s3  }
0xc: {  	[smem:$0x3FAC] =	sst s4  }
0xd: {  	[smem:$0x3FAD] =	sst s5  }
0xe: {  	[smem:$0x3FAE] =	sst s6  }
0xf: {  	[smem:$0x3FAF] =	sst s7  }
0x10: {  	[smem:$0x3FB0] =	sst s8  }
0x11: {  	[smem:$0x3FB1] =	sst s9;
	s0 =	simm.s32 @!p0 $0x0  }
0x12: {  	s1 =	sld [smem:$0x3F97];
	s0 =	simm.s32 @p0 $0x1  }
0x13: {  	[smem:$0x3FB2] =	sst s0;
	s0 =	simm.s32 @!p1 $0x0  }
0x14: {  	s2 =	sld [smem:$0x3F96];
	s0 =	simm.s32 @p1 $0x1  }
0x15: {  	[smem:$0x3FB3] =	sst s0;
	s0 =	simm.s32 @!p2 $0x0  }
0x16: {  	s3 =	sld [smem:$0x3FDB];
	s0 =	simm.s32 @p2 $0x1  }
0x17: {  	s4 =	simm.s32 $0x1BF5;
	[smem:$0x3FB5] =	sst s0  }
0x18: {  	s0 =	sld [smem:$0x3F98];
	_ =	swait.ge [sflag:s4], $0x0  }
0x19: {  	s7 =	sld [smem:$0x3F99]  }
0x1a: {  	s8 =	sadd.s32 $0xFFFFE003, lr  }
0x1b: {  	s9 =	sadd.s32 $0xFFFFFEF7, lr;
	s5 =	simm.s32 $0xFFFFFFFF;
	p2 =	slt.u32 s8, $0xFFFFF086  }
0x1c: {  	p1 =	slt.u32 s9, $0xF7A;
	s5 =	simm.s32 @!p2 $0x0  }
0x1d: {  	s5 =	simm.s32 @p1 $0x1;
	p0 =	seq.s32 s7, s2  }
0x1e: {  	s7 =	smul.u32 @!p0 $0xF7A, s2;
	p2 =	seq.s32 @!p0 s5, $0x0  }
0x1f: {  	s9 =	smul.u32 $0xF7A, s1;
	s8 =	simm.s32 @!p0 $0x1BF5;
	p2 =	por !p2, p0  }
0x20: {  	[sflag:s8] =	ssyncset.s32 @!p0 $0xFFFFF086;
	s6 =	sadd.s32 @!p0 s3, s7;
	s7 =	simm.s32 @!p0 $0x108  }
0x21: {  	s3 =	sadd.s32 s3, s9;
	s6 =	sadd.s32 @!p0 $0x88, s6;
	s7 =	simm.s32 @p2 $0x1082  }
0x22: {  	[simem:s7], [sflag:s8] =	dma.local @!p0 [hbm:s6], $0xF7A  }
0x23: {  	s9 =	sor.u32 $0xD0000000, s2;
	s6 =	simm.s32 $0x108;
	_ =	swait.ge @!p0 [sflag:s8], $0x0  }
0x24: {  	s3 =	sadd.s32 $0x88, s3;
	s6 =	simm.s32 @!p1 $0x1082;
	[sflag:s4] =	ssyncset.s32 $0xFFFFF086  }
0x25: {  	[simem:s6], [sflag:s4] =	dma.local [hbm:s3], $0xF7A  }
0x26: {  	[smem:$0x3F99] =	sst s1;
	(tag) =	ssettag s2;
	_ =	strace s9  }
0x27: {  	s1 =	sld [smem:$0x3FA9]  }
0x28: {  	s2 =	sld [smem:$0x3FAA]  }
0x29: {  	s4 =	sld [smem:$0x3FAC]  }
0x2a: {  	p0 =	seq.s32 s5, $0x0;
	s5 =	sld [smem:$0x3FAD]  }
0x2b: {  	s6 =	sld [smem:$0x3FAE]  }
0x2c: {  	s7 =	sld [smem:$0x3FAF]  }
0x2d: {  	s3 =	simm.s32 $0x108;
	s8 =	sld [smem:$0x3FB0]  }
0x2e: {  	s3 =	simm.s32 @!p0 $0x1082;
	s9 =	sld [smem:$0x3FB1]  }
0x2f: {  	lr =	sadd.s32 s0, s3;
	s0 =	sld [smem:$0x3FA8]  }
0x30: {  	s3 =	sld [smem:$0x3FAB]  }
0x31: {  	[smem:$0x3FB4] =	sst s10  }
0x32: {  	s10 =	sld [smem:$0x3FB2];
	_ =	sdelay $0x3  }
0x33: {  	p0 =	seq.s32 s10, $0x1;
	s10 =	sld [smem:$0x3FB4];
	_ =	sdelay $0x3  }
0x34: {  	[smem:$0x3FB4] =	sst s10  }
0x35: {  	s10 =	sld [smem:$0x3FB3];
	_ =	sdelay $0x3  }
0x36: {  	p1 =	seq.s32 s10, $0x1;
	s10 =	sld [smem:$0x3FB4];
	_ =	sdelay $0x3  }
0x37: {  	[smem:$0x3FB4] =	sst s10  }
0x38: {  	s10 =	sld [smem:$0x3FB5]  }
0x39: {  	_ = 	snop;
	(pc) =	sbr.ind lr, $3  }
0x3a: {  	_ = 	snop  }
0x3b: {  	_ = 	snop  }
0x3c: {  	p2 =	seq.s32 s10, $0x1;
	s10 =	sld [smem:$0x3FB4]  }
0x3d: {  	_ =	shalt  }
0x3e: {  	_ =	shalt  }
0x3f: {  	_ =	shalt  }
0x40: {  	_ =	shalt  }
0x41: {  	_ =	shalt  }
0x42: {  	_ =	shalt  }
0x43: {  	_ =	shalt  }
0x44: {  	_ =	shalt  }
0x45: {  	_ =	shalt  }
0x46: {  	_ =	shalt  }
0x47: {  	_ =	shalt  }
0x48: {  	_ =	shalt  }
0x49: {  	_ =	shalt  }
0x4a: {  	_ =	shalt  }
0x4b: {  	_ =	shalt  }
0x4c: {  	_ =	shalt  }
0x4d: {  	_ =	shalt  }
0x4e: {  	_ =	shalt  }
0x4f: {  	_ =	shalt  }
0x50: {  	_ =	shalt  }
0x51: {  	_ =	shalt  }
0x52: {  	_ =	shalt  }
0x53: {  	_ =	shalt  }
0x54: {  	_ =	shalt  }
0x55: {  	_ =	shalt  }
0x56: {  	_ =	shalt  }
0x57: {  	_ =	shalt  }
0x58: {  	_ =	shalt  }
0x59: {  	_ =	shalt  }
0x5a: {  	_ =	shalt  }
0x5b: {  	_ =	shalt  }
0x5c: {  	_ =	shalt  }
0x5d: {  	_ =	shalt  }
0x5e: {  	_ =	shalt  }
0x5f: {  	_ =	shalt  }
0x60: {  	_ =	shalt  }
0x61: {  	_ =	shalt  }
0x62: {  	_ =	shalt  }
0x63: {  	_ =	shalt  }
0x64: {  	_ =	shalt  }
0x65: {  	_ =	shalt  }
0x66: {  	_ =	shalt  }
0x67: {  	_ =	shalt  }
0x68: {  	_ =	shalt  }
0x69: {  	_ =	shalt  }
0x6a: {  	_ =	shalt  }
0x6b: {  	_ =	shalt  }
0x6c: {  	_ =	shalt  }
0x6d: {  	_ =	shalt  }
0x6e: {  	_ =	shalt  }
0x6f: {  	_ =	shalt  }
0x70: {  	_ =	shalt  }
0x71: {  	_ =	shalt  }
0x72: {  	_ =	shalt  }
0x73: {  	_ =	shalt  }
0x74: {  	_ =	shalt  }
0x75: {  	_ =	shalt  }
0x76: {  	_ =	shalt  }
0x77: {  	_ =	shalt  }
0x78: {  	_ =	shalt  }
0x79: {  	_ =	shalt  }
0x7a: {  	_ =	shalt  }
0x7b: {  	_ =	shalt  }
0x7c: {  	_ =	shalt  }
0x7d: {  	_ =	shalt  }
0x7e: {  	_ =	shalt  }
0x7f: {  	_ =	shalt  }
0x80: {  	_ =	shalt  }
0x81: {  	_ =	shalt  }
0x82: {  	_ =	shalt  }
0x83: {  	_ =	shalt  }
0x84: {  	_ =	shalt  }
0x85: {  	_ =	shalt  }
0x86: {  	_ =	shalt  }
0x87: {  	_ =	shalt  }
.Lfunc_end0:
.L_simem_size_0:
called_computation_lowered:
.L_overlay_start_0:
0x88: {  	s2 =	sld [smem:$0x3FD9]  }
0x89: {  	s3 =	sld [smem:$0x3FFE];
	_ =	sdelay $0x1  }
0x8a: {  	s1 =	srdreg.scid  }
0x8b: {  	s0 =	sand.u32 $0x1, s1  }
0x8c: {  	s16 =	sshll.u32 s0, $0xA;
	s2 =	sadd.s32 s3, s2  }
0x8d: {  	s2 =	sadd.s32 s2, s16  }
0x8e: {  	[smem:$0x3FC0] =	sst s2  }
0x8f: {  	_ = 	snop  }
0x90: {  	(tm) =	ssettm $0x1  }
0x91: {  	s17 =	sld [smem:$0x3FFB];
	_ =	sdelay $0x3  }
0x92: {  	_ =	strace s17  }
0x93: {  	s2 =	sld [smem:$0x3FFC];
	_ =	sdelay $0x3  }
0x94: {  	_ =	strace s2  }
0x95: {  	s2 =	sld [smem:$0x3FFD];
	_ =	sdelay $0x3  }
0x96: {  	_ =	strace s2  }
0x97: {  	_ =	strace $0x8FFFFFFF  }
0x98: {  	s18 =	sld [smem:$0x3FDB];
	_ =	sdelay $0x1  }
0x99: {  	s19 =	simm.s32 $_scs_section_size  }
0x9a: {  	s4 =	simm.s32 $_size__tile_overlayer_lowered;
	s5 =	simm.s32 $_tile_overlayer_lowered  }
0x9b: {  	s22 =	simm.s32 $0x1BFF;
	s21 =	sshll.u32 s5, $0x1;
	s2 =	sadd.s32 s19, s18  }
0x9c: {  	s6 =	simm.s32 $0x0;
	s20 =	sshll.u32 s4, $0x1;
	s4 =	sadd.s32 s21, s2  }
0x9d: {  	[timem:s6], [sflag:s22] =	dma.local [hbm:s4], s20  }
0x9e: {  	_ =	swait.ge [sflag:s22], s20  }
0x9f: {  	s3 =	ssub.s32 $0x0, s20;
	[sflag:s22] =	ssyncset.done $0x0  }
0xa0: {  	[sflag:s22] =	ssyncadd.s32 s3;
	_ =	sdelay $0x1  }
0xa1: {  	s23 =	simm.s32 $0x1B8B  }
0xa2: {  	_ =	swait.ge [sflag:s23], $0x1  }
0xa3: {  	[sflag:s23] =	ssyncset.done $0x0  }
0xa4: {  	s25 =	simm.s32 $0x1B8E;
	s24 =	sld [smem:$0x3FFE];
	[sflag:s23] =	ssyncadd.s32 $0xFFFFFFFF  }
0xa5: {  	s26 =	simm.s32 $execute0_lowered;
	[smem:$0x3FD2] =	sst s25  }
0xa6: {  	s4 =	sshll.u32 s26, $0x1;
	_ =	strace $0x80000046;
	[dreg:$0x1] =	wrdreg $0xFFFFFFFF  }
0xa7: {  	s28 =	simm.s32 $_size_execute0_lowered;
	s2 =	sadd.s32 s2, s4;
	[dreg:$0x0] =	wrdreg $0x0  }
0xa8: {  	s4 =	sshll.u32 s28, $0x1;
	[dreg:$0x2] =	wrdreg s2  }
0xa9: {  	[dreg:$0x3] =	wrdreg s4  }
0xaa: {  	[dreg:$0x4] =	wrdreg $0xC0  }
0xab: {  	_ =	task [dreg:s6], $0x5FFFF  }
0xac: {  	[dreg:$0x1] =	wrdreg $0xFFFFFFFF  }
0xad: {  	[dreg:$0x0] =	wrdreg $0x60  }
0xae: {  	[dreg:$0x2] =	wrdreg s24  }
0xaf: {  	[dreg:$0x3] =	wrdreg $0xA8000  }
0xb0: {  	[dreg:$0x4] =	wrdreg $0x9  }
0xb1: {  	_ =	task.clear_ibuf [dreg:s6], $0x5FFFF;
	_ =	strace $0x90000046  }
0xb2: {  	s29 =	simm.s32 $0x9;
	_ =	strace $0x80000048  }
0xb3: {  	_ =	swait.ge [sflag:s29], $0x1  }
0xb4: {  	[sflag:s29] =	ssyncadd.s32 $0xFFFFFFFF  }
0xb5: {  	_ =	strace $0x90000048  }
0xb6: {  	_ =	sfence  }
0xb7: {  	s30 =	sld [smem:$0x0];
	_ =	sdelay $0x2  }
0xb8: {  	s31 =	sshll.u32 s1, $0xD;
	s1 =	sshrl.u32 s1, $0x2  }
0xb9: {  	s3 =	sand.u32 $0x4000, s31;
	s1 =	sadd.s32 s1, s30  }
0xba: {  	s0 =	sor.u32 s3, s0;
	s1 =	sshll.u32 s1, $0x11  }
0xbb: {  	s0 =	sor.u32 s1, s0  }
0xbc: {  	s0 =	sadd.s32 $0x8F2B, s0  }
0xbd: {  	[sflag:s0] =	ssyncadd.remote.s32 $0x1  }
0xbe: {  	_ =	sfence.sel $0xFFFF  }
0xbf: {  	[dreg:$0x0] =	wrdreg $0xFFFFFFFF;
	(pc) =	sbr.abs _section_cstart, $3  }
0xc0: {  	[dreg:$0x1] =	wrdreg $0xFFFFFFFF  }
0xc1: {  	_ =	task.clear_ibuf [dreg:s6], $0x2FFFF;
	_ =	strace $0x9FFFFFFF  }
0xc2: {  	(tm) =	ssettm $0x7FFFFFFF  }
0xc3: {  	_ =	shalt  }
tec
execute0_lowered:
.L_overlay_start_1:
0x0: {  	(tag) =	ssettag $0x1  }
0x1: {  	s0 =	srdreg.scid;
	s1 =	rddreg [dreg:$0x0]  }
0x2: {  	s9 =	stileid.u32;
	s2 =	rddreg [dreg:$0x1]  }
0x3: {  	s22 =	simm.s32 $0x4;
	s23 =	simm.s32 $0x2800;
	s24 =	simm.s32 $0x6800  }
0x4: {  	s28 =	simm.s32 $0x3;
	s29 =	simm.s32 $0x0;
	s7 =	smul.u32 $0x50000, s9  }
0x5: {  	s0 =	sand.u32 $0x1, s0;
	s3 =	sshll.u32 s9, $0x1;
	s13 =	smul.u32 $0x14000, s9  }
0x6: {  	s4 =	sor.u32 s0, s3;
	s6 =	ssub.s32 $0x2, s0;
	s0 =	smul.u32 $0x140000, s0  }
0x7: {  	s16 =	sadd.s32 $0xD800, s1;
	s3 =	simm.s32 $0x0;
	s4 =	smul.u32 $0x500, s4  }
0x8: {  	[smem:$0x7FF] =	sst s3;
	s8 =	sshrl.u32 s6, $0x1;
	s25 =	sshrl.u32 s7, $0x2  }
0x9: {  	s9 =	sadd.s32 $0x4000, s13;
	s12 =	sadd.s32 $0x8000, s13;
	s31 =	sadd.s32 $0xC000, s13  }
0xa: {  	s15 =	sadd.s32 $0x10000, s13;
	_ =	strace $0x80000047;
	s17 =	ssub.s32 s6, s8  }
0xb: {  	s6 =	sadd.s32 $0xD000, s1;
	s7 =	sadd.s32 s25, s2;
	s8 =	sadd.s32 s9, s2  }
0xc: {  	s26 =	sadd.s32 s13, s0;
	s11 =	sadd.s32 s0, s9;
	s10 =	sadd.s32 s12, s2  }
0xd: {  	s14 =	sadd.s32 s0, s12;
	s12 =	sadd.s32 s31, s2;
	s25 =	simm.s32 $0x80  }
0xe: {  	s5 =	sadd.s32 s4, s1;
	s4 =	sadd.s32 $0xC800, s1;
	s1 =	sshrl.u32 s26, $0x3  }
0xf: {  	s30 =	sshrl.u32 s11, $0x3;
	s14 =	sshrl.u32 s14, $0x3;
	s17 =	smax.u32 s17, $0x1  }
0x10: {  	s18 =	sadd.s32 $0x4000, s7;
	s19 =	sadd.s32 $0x8000, s7;
	s20 =	sadd.s32 $0xC000, s7  }
0x11: {  	s21 =	sadd.s32 $0x10000, s7;
	s26 =	simm.s32 $0x2;
	s5 =	sadd.s32 $0x2800, s5  }
0x12: {  	s9 =	sadd.s32 s16, s1;
	s11 =	sadd.s32 s16, s30;
	s1 =	sadd.s32 s0, s31  }
0x13: {  	s13 =	sadd.s32 s16, s14;
	s0 =	sadd.s32 s0, s15;
	s1 =	sshrl.u32 s1, $0x3  }
0x14: {  	s14 =	sadd.s32 s15, s2;
	s0 =	sshrl.u32 s0, $0x3;
	s15 =	sadd.s32 s16, s1  }
0x15: {  	s16 =	sadd.s32 s16, s0;
	s1 =	simm.s32 $0x380;
	s0 =	simm.s32 $0x1  }
.LBB2_1:
0x16: {  	[tilespmem:s3], [sflag:$0x4] =	stream.linear.gather [hbm4b:s5+s3], $0x2780, $0x38;
	[tilespmem:$0x1E800] =	vst v63  }
0x17: {  	_ =	swait.ge [sflag:s22], $0x2780  }
0x18: {  	[sflag:s22] =	ssyncset.done $0x0  }
0x19: {  	[sflag:s22] =	ssyncadd.s32 $0xFFFFD880  }
0x1a: {  	[tilespmem:s23], [sflag:$0x4] =	stream.linear.gather [hbm4b:s4+s3], $0x4000, $0x38;
	[tilespmem:$0x1E800] =	vst v63  }
0x1b: {  	_ =	swait.ge [sflag:s22], $0x4000  }
0x1c: {  	[sflag:s22] =	ssyncset.done $0x0  }
0x1d: {  	[sflag:s22] =	ssyncadd.s32 $0xFFFFC000  }
0x1e: {  	[tilespmem:s24], [sflag:$0x4] =	stream.linear.gather [hbm4b:s6+s3], $0x4000, $0x38;
	[tilespmem:$0x1E800] =	vst v63  }
0x1f: {  	_ =	swait.ge [sflag:s22], $0x4000  }
0x20: {  	[sflag:s22] =	ssyncset.done $0x0  }
0x21: {  	[sflag:s22] =	ssyncadd.s32 $0xFFFFC000  }
0x22: {  	[spmem:s7] =	stream.linear.scatter [tilespmem:s24], [sflag:$0x4], $0x4000, $0x38;
	[tilespmem:$0x1E800] =	vst v63  }
0x23: {  	_ =	swait.ge [sflag:s22], $0x4000  }
0x24: {  	[sflag:s22] =	ssyncset.done $0x0  }
0x25: {  	[sflag:s22] =	ssyncadd.s32 $0xFFFFC000  }
0x26: {  	[spmem:s18] =	stream.linear.scatter [tilespmem:s24], [sflag:$0x4], $0x4000, $0x38;
	[tilespmem:$0x1E800] =	vst v63  }
0x27: {  	_ =	swait.ge [sflag:s22], $0x4000  }
0x28: {  	[sflag:s22] =	ssyncset.done $0x0  }
0x29: {  	[sflag:s22] =	ssyncadd.s32 $0xFFFFC000  }
0x2a: {  	[spmem:s19] =	stream.linear.scatter [tilespmem:s24], [sflag:$0x4], $0x4000, $0x38;
	[tilespmem:$0x1E800] =	vst v63  }
0x2b: {  	_ =	swait.ge [sflag:s22], $0x4000  }
0x2c: {  	[sflag:s22] =	ssyncset.done $0x0  }
0x2d: {  	[sflag:s22] =	ssyncadd.s32 $0xFFFFC000  }
0x2e: {  	[spmem:s20] =	stream.linear.scatter [tilespmem:s24], [sflag:$0x4], $0x4000, $0x38;
	[tilespmem:$0x1E800] =	vst v63  }
0x2f: {  	_ =	swait.ge [sflag:s22], $0x4000  }
0x30: {  	[sflag:s22] =	ssyncset.done $0x0  }
0x31: {  	[sflag:s22] =	ssyncadd.s32 $0xFFFFC000  }
0x32: {  	[spmem:s21] =	stream.linear.scatter [tilespmem:s24], [sflag:$0x4], $0x4000, $0x38;
	[tilespmem:$0x1E800] =	vst v63  }
0x33: {  	_ =	swait.ge [sflag:s22], $0x4000  }
0x34: {  	[sflag:s22] =	ssyncset.done $0x0  }
0x35: {  	[sflag:s22] =	ssyncadd.s32 $0xFFFFC000  }
0x36: {  	[bflag:$0x0] =	sbarrier.arrive $0xFFFF  }
0x37: {  	[spmem:s2] =	stream.indirect.scatter.add.f32 [tilespmem:s23], [sflag:$0x1], $0x80, s3, s25, $0xb8;
	[tilespmem:$0x1E800] =	vst v63  }
0x38: {  	_ = 	snop  }
0x39: {  	[spmem:s2] =	stream.indirect.scatter.add.f32 [tilespmem:s23], [sflag:$0x1], $0x80, s25, s25, $0xb8;
	[tilespmem:$0x1E800] =	vst v63  }
0x3a: {  	s30 =	simm.s32 $0x100  }
0x3b: {  	[spmem:s2] =	stream.indirect.scatter.add.f32 [tilespmem:s23], [sflag:$0x1], $0x80, s30, s25, $0xb8;
	[tilespmem:$0x1E800] =	vst v63  }
0x3c: {  	s30 =	simm.s32 $0x180  }
0x3d: {  	[spmem:s2] =	stream.indirect.scatter.add.f32 [tilespmem:s23], [sflag:$0x1], $0x80, s30, s25, $0xb8;
	[tilespmem:$0x1E800] =	vst v63  }
0x3e: {  	s30 =	simm.s32 $0x200  }
0x3f: {  	[spmem:s2] =	stream.indirect.scatter.add.f32 [tilespmem:s23], [sflag:$0x1], $0x80, s30, s25, $0xb8;
	[tilespmem:$0x1E800] =	vst v63  }
0x40: {  	s30 =	simm.s32 $0x280  }
0x41: {  	[spmem:s2] =	stream.indirect.scatter.add.f32 [tilespmem:s23], [sflag:$0x1], $0x80, s30, s25, $0xb8;
	[tilespmem:$0x1E800] =	vst v63  }
0x42: {  	s30 =	simm.s32 $0x300  }
0x43: {  	[spmem:s2] =	stream.indirect.scatter.add.f32 [tilespmem:s23], [sflag:$0x1], $0x80, s30, s25, $0xb8;
	[tilespmem:$0x1E800] =	vst v63  }
0x44: {  	_ = 	snop  }
0x45: {  	[spmem:s2] =	stream.indirect.scatter.add.f32 [tilespmem:s23], [sflag:$0x1], $0x80, s1, s25, $0xb8;
	[tilespmem:$0x1E800] =	vst v63  }
0x46: {  	_ =	swait.ge [sflag:s0], $0x4000  }
0x47: {  	[sflag:s0] =	ssyncset.done $0x0  }
0x48: {  	s31 =	simm.s32 $0x400;
	s30 =	simm.s32 $0x1200;
	[sflag:s0] =	ssyncadd.s32 $0xFFFFC000  }
.LBB2_2:
0x49: {  	[spmem:s2] =	stream.indirect.scatter.add.f32 [tilespmem:s23], [sflag:$0x1], $0x80, s31, s25, $0xb8;
	[tilespmem:$0x1E800] =	vst v63  }
0x4a: {  	s31 =	smov.u32 s30;
	p0 =	sne.s32 s30, $0x9C00  }
.Ltmp0:
0x4b: {  	s30 =	sadd.s32 $0x200, s30;
	(pc) =	sbr.rel @p0 .LBB2_2-.Ltmp0, $4  }
0x4c: {  	_ = 	snop  }
0x4d: {  	_ =	swait.ge [sflag:s0], $0x4000  }
0x4e: {  	[sflag:s0] =	ssyncset.done $0x0  }
0x4f: {  	s31 =	sshra.s32 s31, $0x2;
	[sflag:s0] =	ssyncadd.s32 $0xFFFFC000  }
0x50: {  	[spmem:s2] =	stream.indirect.scatter.add.f32 [tilespmem:s23], [sflag:$0x1], $0x80, s31, s25, $0xb8;
	[tilespmem:$0x1E800] =	vst v63  }
0x51: {  	_ =	swait.ge [sflag:s0], $0x4000  }
0x52: {  	[sflag:s0] =	ssyncset.done $0x0  }
0x53: {  	[sflag:s0] =	ssyncadd.s32 $0xFFFFC000  }
0x54: {  	_ =	swait.ge [sflag:s0], $0x4000  }
0x55: {  	[sflag:s0] =	ssyncset.done $0x0  }
0x56: {  	[sflag:s0] =	ssyncadd.s32 $0xFFFFC000  }
0x57: {  	_ =	swait.ge [sflag:s0], $0x4000  }
0x58: {  	[sflag:s0] =	ssyncset.done $0x0  }
0x59: {  	[sflag:s0] =	ssyncadd.s32 $0xFFFFC000  }
0x5a: {  	_ =	swait.ge [sflag:s0], $0x4000  }
0x5b: {  	[sflag:s0] =	ssyncset.done $0x0  }
0x5c: {  	[sflag:s0] =	ssyncadd.s32 $0xFFFFC000  }
0x5d: {  	_ =	swait.ge [sflag:s0], $0x4000  }
0x5e: {  	[sflag:s0] =	ssyncset.done $0x0  }
0x5f: {  	[sflag:s0] =	ssyncadd.s32 $0xFFFFC000  }
0x60: {  	_ =	swait.ge [sflag:s0], $0x4000  }
0x61: {  	[sflag:s0] =	ssyncset.done $0x0  }
0x62: {  	[sflag:s0] =	ssyncadd.s32 $0xFFFFC000  }
0x63: {  	_ =	swait.ge [sflag:s0], $0x4000  }
0x64: {  	[sflag:s0] =	ssyncset.done $0x0  }
0x65: {  	[sflag:s0] =	ssyncadd.s32 $0xFFFFC000  }
0x66: {  	_ =	swait.ge [sflag:s0], $0x4000  }
0x67: {  	[sflag:s0] =	ssyncset.done $0x0  }
0x68: {  	[sflag:s0] =	ssyncadd.s32 $0xFFFFC000  }
0x69: {  	[bflag:$0x0] =	sbarrier.arrive $0xFFFF  }
0x6a: {  	[tilespmem:s24], [sflag:$0x2] =	stream.linear.gather [spmem:s7], $0x4000, $0x38;
	[tilespmem:$0x1E800] =	vst v63  }
0x6b: {  	_ =	swait.ge [sflag:s26], $0x4000  }
0x6c: {  	[sflag:s26] =	ssyncset.done $0x0  }
0x6d: {  	[sflag:s26] =	ssyncadd.s32 $0xFFFFC000  }
0x6e: {  	[tilespmem:s23], [sflag:$0x3] =	stream.linear.gather [spmem:s8], $0x4000, $0x38;
	[tilespmem:$0x1E800] =	vst v63  }
0x6f: {  	_ = 	snop  }
0x70: {  	[hbm4b:s9+s3] =	stream.linear.scatter [tilespmem:s24], [sflag:$0x4], $0x4000, $0x38;
	[tilespmem:$0x1E800] =	vst v63  }
0x71: {  	_ =	swait.ge [sflag:s22], $0x4000  }
0x72: {  	[sflag:s22] =	ssyncset.done $0x0  }
0x73: {  	[sflag:s22] =	ssyncadd.s32 $0xFFFFC000  }
0x74: {  	_ =	swait.ge [sflag:s28], $0x4000  }
0x75: {  	[sflag:s28] =	ssyncset.done $0x0  }
0x76: {  	[sflag:s28] =	ssyncadd.s32 $0xFFFFC000  }
0x77: {  	[tilespmem:s24], [sflag:$0x2] =	stream.linear.gather [spmem:s10], $0x4000, $0x38;
	[tilespmem:$0x1E800] =	vst v63  }
0x78: {  	_ = 	snop  }
0x79: {  	[hbm4b:s11+s3] =	stream.linear.scatter [tilespmem:s23], [sflag:$0x4], $0x4000, $0x38;
	[tilespmem:$0x1E800] =	vst v63  }
0x7a: {  	_ =	swait.ge [sflag:s22], $0x4000  }
0x7b: {  	[sflag:s22] =	ssyncset.done $0x0  }
0x7c: {  	[sflag:s22] =	ssyncadd.s32 $0xFFFFC000  }
0x7d: {  	_ =	swait.ge [sflag:s26], $0x4000  }
0x7e: {  	[sflag:s26] =	ssyncset.done $0x0  }
0x7f: {  	[sflag:s26] =	ssyncadd.s32 $0xFFFFC000  }
0x80: {  	[tilespmem:s23], [sflag:$0x3] =	stream.linear.gather [spmem:s12], $0x4000, $0x38;
	[tilespmem:$0x1E800] =	vst v63  }
0x81: {  	_ = 	snop  }
0x82: {  	[hbm4b:s13+s3] =	stream.linear.scatter [tilespmem:s24], [sflag:$0x4], $0x4000, $0x38;
	[tilespmem:$0x1E800] =	vst v63  }
0x83: {  	_ =	swait.ge [sflag:s22], $0x4000  }
0x84: {  	[sflag:s22] =	ssyncset.done $0x0  }
0x85: {  	[sflag:s22] =	ssyncadd.s32 $0xFFFFC000  }
0x86: {  	_ =	swait.ge [sflag:s28], $0x4000  }
0x87: {  	[sflag:s28] =	ssyncset.done $0x0  }
0x88: {  	[sflag:s28] =	ssyncadd.s32 $0xFFFFC000  }
0x89: {  	[tilespmem:s24], [sflag:$0x2] =	stream.linear.gather [spmem:s14], $0x4000, $0x38;
	[tilespmem:$0x1E800] =	vst v63  }
0x8a: {  	_ = 	snop  }
0x8b: {  	[hbm4b:s15+s3] =	stream.linear.scatter [tilespmem:s23], [sflag:$0x4], $0x4000, $0x38;
	[tilespmem:$0x1E800] =	vst v63  }
0x8c: {  	_ =	swait.ge [sflag:s22], $0x4000  }
0x8d: {  	[sflag:s22] =	ssyncset.done $0x0  }
0x8e: {  	[sflag:s22] =	ssyncadd.s32 $0xFFFFC000  }
0x8f: {  	s29 =	sadd.s32 $0x1, s29;
	_ =	swait.ge [sflag:s26], $0x4000  }
0x90: {  	p0 =	sne.s32 s29, s17;
	[sflag:s26] =	ssyncset.done $0x0  }
.Ltmp1:
0x91: {  	[sflag:s26] =	ssyncadd.s32 $0xFFFFC000;
	(pc) =	sbr.rel @p0 .LBB2_1-.Ltmp1, $4  }
0x92: {  	[hbm4b:s16+s3] =	stream.linear.scatter [tilespmem:s24], [sflag:$0x4], $0x4000, $0x38;
	[tilespmem:$0x1E800] =	vst v63  }
0x93: {  	_ =	swait.ge [sflag:s22], $0x4000  }
0x94: {  	[sflag:s22] =	ssyncset.done $0x0  }
0x95: {  	[sflag:s22] =	ssyncadd.s32 $0xFFFFC000  }
0x96: {  	_ =	sfence.sel $0x180000  }
0x97: {  	[bflag:$0x0] =	sbarrier.arrive $0xFFFF  }
0x98: {  	_ =	strace $0x90000047  }
0x99: {  	s0 =	stileid.u32;
	[bflag:$0x2] =	sbarrier.arrive $0xFFFF  }
0x9a: {  	p0 =	sne.s32 s0, $0x0;
	s0 =	rddreg [dreg:$0x2]  }
0x9b: {  	s0 =	sadd.s32 @!p0 $0x100000, s0  }
0x9c: {  	[sflag:s0] =	ssyncadd.tile.s32 @!p0 $0x1;
	_ =	shalt  }
.Lfunc_end2:
_tile_overlayer_lowered:
.L_overlay_start_2:
0x9d: {  	(tag) =	ssettag $0x2  }
0x9e: {  	s0 =	rddreg [dreg:$0x0];
	s2 =	stileid.u32  }
0x9f: {  	s1 =	rddreg [dreg:$0x1];
	p0 =	sne.s32 s2, $0x0  }
0xa0: {  	s3 =	rddreg [dreg:$0x2];
	[bflag:$0x3] =	sbarrier.arrive $0xFFFF;
	s2 =	simm.s32 @!p0 $0x1C04  }
0xa1: {  	[timem:s3], [sflag:s2] =	dma.local @!p0 [hbm:s0], s1  }
0xa2: {  	s0 =	simm.s32 @!p0 $0x4  }
0xa3: {  	_ =	swait.ge @!p0 [sflag:s0], s1  }
0xa4: {  	s1 =	ssub.s32 @!p0 $0x0, s1;
	[sflag:s0] =	ssyncset.done @!p0 $0x0  }
0xa5: {  	[sflag:s0] =	ssyncadd.s32 @!p0 s1  }
0xa6: {  	[bflag:$0x3] =	sbarrier.arrive $0xFFFF  }
0xa7: {  	_ =	shalt  }

</sc_bundles>
